<compile_context>
chip_gen: v7x
topology: tpu7x:2x2x1
jax: 0.10.2.dev20260603
libtpu: 0.0.44.dev20260713+nightly
codegen_flags: <defaults>
</compile_context>

<pallas_src>
import functools

import jax
import jax.numpy as jnp
from jax import lax
from jax.experimental import pallas as pl
from jax.experimental.pallas import tpu as pltpu
from jax.experimental.pallas import tpu_sc as plsc

NUM_CORES = 2
NUM_SUBCORES = 16
LANES = 16
NUM_WORKERS = NUM_CORES * NUM_SUBCORES

BATCH = 16384
FACTORS = 32
LINE = 128
ROWS_PER_LINE = LINE // FACTORS
B_PER_W = BATCH // NUM_WORKERS
CHUNK = 256
N_CHUNKS = B_PER_W // CHUNK


def _make_sc_kernel(inv_lines: int, td_lines: int):
  mesh = plsc.VectorSubcoreMesh(core_axis_name="c", subcore_axis_name="s")

  @functools.partial(
      pl.kernel,
      out_type=jax.ShapeDtypeStruct((BATCH,), jnp.float32),
      mesh=mesh,
      compiler_params=pltpu.CompilerParams(
          needs_layout_passes=False, use_tc_tiling_on_sc=False),
      scratch_types=[
          pltpu.VMEM((B_PER_W,), jnp.int32),
          pltpu.VMEM((B_PER_W,), jnp.int32),
          pltpu.VMEM((B_PER_W,), jnp.int32),
          pltpu.VMEM((B_PER_W,), jnp.int32),
          pltpu.VMEM((B_PER_W,), jnp.int32),
          pltpu.VMEM((B_PER_W,), jnp.int32),
          pltpu.VMEM((CHUNK, LINE), jnp.float32),
          pltpu.VMEM((CHUNK, LINE), jnp.float32),
          pltpu.VMEM((B_PER_W,), jnp.float32),
          pltpu.SemaphoreType.DMA,
          pltpu.SemaphoreType.DMA,
      ],
  )
  def dot_kernel(inv_idx_hbm, td_idx_hbm, inv_tab_hbm, td_tab_hbm, out_hbm,
                 idx_a, idx_b, line_a, line_b, colb_a, colb_b,
                 rows_a, rows_b, out_v, sem_a, sem_b):
    wid = lax.axis_index("s") * NUM_CORES + lax.axis_index("c")
    base = wid * B_PER_W

    pltpu.sync_copy(inv_idx_hbm.at[pl.ds(base, B_PER_W)], idx_a)
    pltpu.sync_copy(td_idx_hbm.at[pl.ds(base, B_PER_W)], idx_b)

    def prep_body(i):
      sl = pl.ds(i * LANES, LANES)
      va = idx_a[sl]
      vb = idx_b[sl]
      line_a[sl] = lax.shift_right_logical(va, 2)
      line_b[sl] = lax.shift_right_logical(vb, 2)
      colb_a[sl] = lax.shift_left(va & 3, 5)
      colb_b[sl] = lax.shift_left(vb & 3, 5)

    pl.loop(0, B_PER_W // LANES)(prep_body)

    lane = lax.iota(jnp.int32, LANES)

    for c in range(N_CHUNKS):
      csl = pl.ds(c * CHUNK, CHUNK)
      cp_a = pltpu.async_copy(inv_tab_hbm.at[line_a.at[csl]], rows_a, sem_a)
      cp_b = pltpu.async_copy(td_tab_hbm.at[line_b.at[csl]], rows_b, sem_b)
      cp_a.wait()
      cp_b.wait()

      def group_body(g, c=c):
        row_ids = g * LANES + lane
        gsl = pl.ds(c * CHUNK + g * LANES, LANES)
        ca = colb_a[gsl]
        cb = colb_b[gsl]
        acc = jnp.zeros((LANES,), jnp.float32)
        for d in range(FACTORS):
          va = plsc.load_gather(rows_a, [row_ids, ca + d])
          vb = plsc.load_gather(rows_b, [row_ids, cb + d])
          acc = acc + va * vb
        out_v[gsl] = acc

      pl.loop(0, CHUNK // LANES)(group_body)

    pltpu.sync_copy(out_v, out_hbm.at[pl.ds(base, B_PER_W)])

  return dot_kernel


_sc_dot = _make_sc_kernel(100000 * FACTORS // LINE, 1000000 * FACTORS // LINE)


@jax.jit
def kernel(investor, ticker, date, ticker_date, investor_factors,
           ticker_date_factors):
  del ticker, date
  inv_idx = investor.astype(jnp.int32)
  td_idx = ticker_date.astype(jnp.int32)
  n_inv, f = investor_factors.shape
  n_td, _ = ticker_date_factors.shape
  inv_lines = investor_factors.reshape(n_inv * f // LINE, LINE)
  td_lines = ticker_date_factors.reshape(n_td * f // LINE, LINE)
  return _sc_dot(inv_idx, td_idx, inv_lines, td_lines)

# --- scband reference (transcript-rebuilt; emitter-appended) ---
"""Pipeline reference for scband-matrix-factorization-88630945120824 (READ-ONLY COPY).

The authoritative reference and input builder live on the scoring server;
editing this copy changes nothing except your own understanding.
"""

import jax, jax.numpy as jnp
import numpy as np

NUM_INVESTORS = 100000
NUM_TICKERS = 1000
NUM_DATES = 1000
NUM_FACTORS = 32
BATCH = 16384


def setup_inputs(seed: int = 0) -> dict:
    key = jax.random.key(seed)
    k1, k2, k3, k4, k5, k6 = jax.random.split(key, 6)
    investor = jax.random.randint(k1, (BATCH,), 0, NUM_INVESTORS, dtype=jnp.int64 if jax.config.jax_enable_x64 else jnp.int32)
    ticker = jax.random.randint(k2, (BATCH,), 0, NUM_TICKERS, dtype=jnp.int64 if jax.config.jax_enable_x64 else jnp.int32)
    date = jax.random.randint(k3, (BATCH,), 0, NUM_DATES, dtype=jnp.int64 if jax.config.jax_enable_x64 else jnp.int32)
    ticker_date = jax.random.randint(k4, (BATCH,), 0, NUM_TICKERS * NUM_DATES, dtype=jnp.int64 if jax.config.jax_enable_x64 else jnp.int32)
    initrange = 1.0 / np.log(NUM_FACTORS)
    investor_factors = jax.random.uniform(k5, (NUM_INVESTORS, NUM_FACTORS), dtype=jnp.float32, minval=-initrange, maxval=initrange)
    ticker_date_factors = jax.random.uniform(k6, (NUM_TICKERS * NUM_DATES, NUM_FACTORS), dtype=jnp.float32, minval=-initrange, maxval=initrange)
    return {
        "investor": investor,
        "ticker": ticker,
        "date": date,
        "ticker_date": ticker_date,
        "investor_factors": investor_factors,
        "ticker_date_factors": ticker_date_factors,
    }


def reference(investor, ticker, date, ticker_date, investor_factors, ticker_date_factors):
    # embedding lookups (gather)
    investor_factor = jnp.take(investor_factors, investor, axis=0)
    ticker_date_factor = jnp.take(ticker_date_factors, ticker_date, axis=0)
    dot = jnp.sum(investor_factor * ticker_date_factor, axis=1)
    result = dot
    return result

if __name__ == "__main__":
    import jax
    _d = setup_inputs()
    print(jax.jit(kernel)(*tuple(_d.values())))

</pallas_src>

<mosaic_0001>
#map = affine_map<(d0, d1) -> (0)>
#map1 = affine_map<(d0, d1) -> (0, 0)>
module attributes {stable_mosaic.version = 14 : i64} {
  func.func @dot_kernel(%arg0: i32, %arg1: i32, %arg2: memref<16384xi32, #tpu.memory_space<hbm>>, %arg3: memref<16384xi32, #tpu.memory_space<hbm>>, %arg4: memref<25000x128xf32, #tpu.memory_space<hbm>>, %arg5: memref<250000x128xf32, #tpu.memory_space<hbm>>, %arg6: memref<16384xf32, #tpu.memory_space<hbm>>, %arg7: memref<512xi32, #tpu.memory_space<vmem>>, %arg8: memref<512xi32, #tpu.memory_space<vmem>>, %arg9: memref<512xi32, #tpu.memory_space<vmem>>, %arg10: memref<512xi32, #tpu.memory_space<vmem>>, %arg11: memref<512xi32, #tpu.memory_space<vmem>>, %arg12: memref<512xi32, #tpu.memory_space<vmem>>, %arg13: memref<256x128xf32, #tpu.memory_space<vmem>>, %arg14: memref<256x128xf32, #tpu.memory_space<vmem>>, %arg15: memref<512xf32, #tpu.memory_space<vmem>>, %arg16: memref<!tpu.dma_semaphore, #tpu.memory_space<semaphore_mem>>, %arg17: memref<!tpu.dma_semaphore, #tpu.memory_space<semaphore_mem>>) attributes {dimension_semantics = [#tpu.dimension_semantics<core_parallel>, #tpu.dimension_semantics<subcore_parallel>], iteration_bounds = array<i64: 2, 16>, scalar_prefetch = 0 : i64, scratch_operands = 11 : i64, tpu.core_type = #tpu.core_type<sc_vector_subcore>, window_params = [{transform_indices = #map}, {transform_indices = #map}, {transform_indices = #map1}, {transform_indices = #map1}, {transform_indices = #map}]} {
    %mul3A = arith.constant 2 : i32
    %mul3A_0 = arith.muli %arg1, %mul3A : i32
    %add3A = arith.addi %mul3A_0, %arg0 : i32
    %mul3A_1 = arith.constant 512 : i32
    %mul3A_2 = arith.muli %add3A, %mul3A_1 : i32
    "tpu.region"() ({
      %run_scoped3A = tpu.sem_alloc : memref<!tpu.dma_semaphore, #tpu.memory_space<semaphore_mem>>
      %dma_start3A_55 = tpu.memref_slice %arg2[%mul3A_2] : memref<16384xi32, #tpu.memory_space<hbm>> -> memref<512xi32, #tpu.memory_space<hbm>>
      %dma_start3A_56 = tpu.memref_slice %arg2[%mul3A_2] : memref<16384xi32, #tpu.memory_space<hbm>> -> memref<512xi32, #tpu.memory_space<hbm>>
      tpu.enqueue_dma source(%dma_start3A_56 : memref<512xi32, #tpu.memory_space<hbm>>) target(%arg7 : memref<512xi32, #tpu.memory_space<vmem>>) target_semaphore(%run_scoped3A : memref<!tpu.dma_semaphore, #tpu.memory_space<semaphore_mem>>)
      %dma_wait3A_57 = tpu.memref_slice %arg2[%mul3A_2] : memref<16384xi32, #tpu.memory_space<hbm>> -> memref<512xi32, #tpu.memory_space<hbm>>
      %dma_wait3A_58 = tpu.memref_slice %arg2[%mul3A_2] : memref<16384xi32, #tpu.memory_space<hbm>> -> memref<512xi32, #tpu.memory_space<hbm>>
      tpu.wait_dma2 semaphore(%run_scoped3A : memref<!tpu.dma_semaphore, #tpu.memory_space<semaphore_mem>>) src(%dma_wait3A_58 : memref<512xi32, #tpu.memory_space<hbm>>) dst(%arg7 : memref<512xi32, #tpu.memory_space<vmem>>)
      tpu.yield
    }) : () -> ()
    "tpu.region"() ({
      %run_scoped3A = tpu.sem_alloc : memref<!tpu.dma_semaphore, #tpu.memory_space<semaphore_mem>>
      %dma_start3A_55 = tpu.memref_slice %arg3[%mul3A_2] : memref<16384xi32, #tpu.memory_space<hbm>> -> memref<512xi32, #tpu.memory_space<hbm>>
      %dma_start3A_56 = tpu.memref_slice %arg3[%mul3A_2] : memref<16384xi32, #tpu.memory_space<hbm>> -> memref<512xi32, #tpu.memory_space<hbm>>
      tpu.enqueue_dma source(%dma_start3A_56 : memref<512xi32, #tpu.memory_space<hbm>>) target(%arg8 : memref<512xi32, #tpu.memory_space<vmem>>) target_semaphore(%run_scoped3A : memref<!tpu.dma_semaphore, #tpu.memory_space<semaphore_mem>>)
      %dma_wait3A_57 = tpu.memref_slice %arg3[%mul3A_2] : memref<16384xi32, #tpu.memory_space<hbm>> -> memref<512xi32, #tpu.memory_space<hbm>>
      %dma_wait3A_58 = tpu.memref_slice %arg3[%mul3A_2] : memref<16384xi32, #tpu.memory_space<hbm>> -> memref<512xi32, #tpu.memory_space<hbm>>
      tpu.wait_dma2 semaphore(%run_scoped3A : memref<!tpu.dma_semaphore, #tpu.memory_space<semaphore_mem>>) src(%dma_wait3A_58 : memref<512xi32, #tpu.memory_space<hbm>>) dst(%arg8 : memref<512xi32, #tpu.memory_space<vmem>>)
      tpu.yield
    }) : () -> ()
    %scan3A = arith.constant 0 : i32
    %scan3A_3 = arith.constant 32 : i32
    %scan3A_4 = arith.addi %scan3A, %scan3A_3 : i32
    %scan3A_5 = arith.constant 1 : i32
    scf.for %scan3A_55 = %scan3A to %scan3A_4 step %scan3A_5  : i32 {
      %mul3A_56 = arith.constant 1 : i32
      %mul3A_57 = arith.muli %scan3A_55, %mul3A_56 : i32
      %add3A_58 = arith.constant 0 : i32
      %add3A_59 = arith.addi %add3A_58, %mul3A_57 : i32
      %mul3A_60 = arith.constant 16 : i32
      %mul3A_61 = arith.muli %add3A_59, %mul3A_60 : i32
      %get3A = arith.index_cast %mul3A_61 : i32 to index
      %get3A_62 = tpu.vector_load %arg7[%get3A] {strides = array<i32>} : memref<512xi32, #tpu.memory_space<vmem>>, vector<16xi32>,
      %get3A_63 = arith.index_cast %mul3A_61 : i32 to index
      %get3A_64 = tpu.vector_load %arg8[%get3A_63] {strides = array<i32>} : memref<512xi32, #tpu.memory_space<vmem>>, vector<16xi32>,
      %shift_right_logical3A = arith.constant 2 : i32
      %shift_right_logical3A_65 = vector.broadcast %shift_right_logical3A : i32 to vector<16xi32>
      %shift_right_logical3A_66 = arith.shrui %get3A_62, %shift_right_logical3A_65 : vector<16xi32>
      %swap3A = arith.index_cast %mul3A_61 : i32 to index
      %swap3A_67 = tpu.vector_load %arg9[%swap3A] {strides = array<i32>} : memref<512xi32, #tpu.memory_space<vmem>>, vector<16xi32>,
      tpu.vector_store %arg9[%swap3A], %shift_right_logical3A_66 {strides = array<i32>} : memref<512xi32, #tpu.memory_space<vmem>>, vector<16xi32>,
      %shift_right_logical3A_68 = arith.constant 2 : i32
      %shift_right_logical3A_69 = vector.broadcast %shift_right_logical3A_68 : i32 to vector<16xi32>
      %shift_right_logical3A_70 = arith.shrui %get3A_64, %shift_right_logical3A_69 : vector<16xi32>
      %swap3A_71 = arith.index_cast %mul3A_61 : i32 to index
      %swap3A_72 = tpu.vector_load %arg10[%swap3A_71] {strides = array<i32>} : memref<512xi32, #tpu.memory_space<vmem>>, vector<16xi32>,
      tpu.vector_store %arg10[%swap3A_71], %shift_right_logical3A_70 {strides = array<i32>} : memref<512xi32, #tpu.memory_space<vmem>>, vector<16xi32>,
      %and3A = arith.constant 3 : i32
      %and3A_73 = vector.broadcast %and3A : i32 to vector<16xi32>
      %and3A_74 = arith.andi %get3A_62, %and3A_73 : vector<16xi32>
      %shift_left3A = arith.constant 5 : i32
      %shift_left3A_75 = vector.broadcast %shift_left3A : i32 to vector<16xi32>
      %shift_left3A_76 = arith.shli %and3A_74, %shift_left3A_75 : vector<16xi32>
      %swap3A_77 = arith.index_cast %mul3A_61 : i32 to index
      %swap3A_78 = tpu.vector_load %arg11[%swap3A_77] {strides = array<i32>} : memref<512xi32, #tpu.memory_space<vmem>>, vector<16xi32>,
      tpu.vector_store %arg11[%swap3A_77], %shift_left3A_76 {strides = array<i32>} : memref<512xi32, #tpu.memory_space<vmem>>, vector<16xi32>,
      %and3A_79 = arith.constant 3 : i32
      %and3A_80 = vector.broadcast %and3A_79 : i32 to vector<16xi32>
      %and3A_81 = arith.andi %get3A_64, %and3A_80 : vector<16xi32>
      %shift_left3A_82 = arith.constant 5 : i32
      %shift_left3A_83 = vector.broadcast %shift_left3A_82 : i32 to vector<16xi32>
      %shift_left3A_84 = arith.shli %and3A_81, %shift_left3A_83 : vector<16xi32>
      %swap3A_85 = arith.index_cast %mul3A_61 : i32 to index
      %swap3A_86 = tpu.vector_load %arg12[%swap3A_85] {strides = array<i32>} : memref<512xi32, #tpu.memory_space<vmem>>, vector<16xi32>,
      tpu.vector_store %arg12[%swap3A_85], %shift_left3A_84 {strides = array<i32>} : memref<512xi32, #tpu.memory_space<vmem>>, vector<16xi32>,
    }
    %scan3A_6 = arith.constant 32 : i32
    %iota3A = tpu.iota {dimensions = array<i32: 0>} : vector<16xi32>
    %dma_start3A = arith.constant 0 : i32
    %dma_start3A_7 = tpu.memref_slice %arg9[%dma_start3A] : memref<512xi32, #tpu.memory_space<vmem>> -> memref<256xi32, #tpu.memory_space<vmem>>
    %dma_start3A_8 = arith.constant 0 : i32
    %dma_start3A_9 = arith.constant 0 : i32
    %dma_start3A_10 = tpu.memref_slice %arg4[%dma_start3A_8, %dma_start3A_9] : memref<25000x128xf32, #tpu.memory_space<hbm>> -> memref<25000x128xf32, #tpu.memory_space<hbm>>
    tpu.enqueue_indirect_dma source(%dma_start3A_10 : memref<25000x128xf32, #tpu.memory_space<hbm>>) target(%arg13 : memref<256x128xf32, #tpu.memory_space<vmem>>) offsets(%dma_start3A_7 : memref<256xi32, #tpu.memory_space<vmem>>) semaphore(%arg16 : memref<!tpu.dma_semaphore, #tpu.memory_space<semaphore_mem>>)
    %dma_start3A_11 = arith.constant 0 : i32
    %dma_start3A_12 = tpu.memref_slice %arg10[%dma_start3A_11] : memref<512xi32, #tpu.memory_space<vmem>> -> memref<256xi32, #tpu.memory_space<vmem>>
    %dma_start3A_13 = arith.constant 0 : i32
    %dma_start3A_14 = arith.constant 0 : i32
    %dma_start3A_15 = tpu.memref_slice %arg5[%dma_start3A_13, %dma_start3A_14] : memref<250000x128xf32, #tpu.memory_space<hbm>> -> memref<250000x128xf32, #tpu.memory_space<hbm>>
    tpu.enqueue_indirect_dma source(%dma_start3A_15 : memref<250000x128xf32, #tpu.memory_space<hbm>>) target(%arg14 : memref<256x128xf32, #tpu.memory_space<vmem>>) offsets(%dma_start3A_12 : memref<256xi32, #tpu.memory_space<vmem>>) semaphore(%arg17 : memref<!tpu.dma_semaphore, #tpu.memory_space<semaphore_mem>>)
    %dma_wait3A = arith.constant 0 : i32
    %dma_wait3A_16 = tpu.memref_slice %arg9[%dma_wait3A] : memref<512xi32, #tpu.memory_space<vmem>> -> memref<256xi32, #tpu.memory_space<vmem>>
    %dma_wait3A_17 = arith.constant 0 : i32
    %dma_wait3A_18 = arith.constant 0 : i32
    %dma_wait3A_19 = tpu.memref_slice %arg4[%dma_wait3A_17, %dma_wait3A_18] : memref<25000x128xf32, #tpu.memory_space<hbm>> -> memref<25000x128xf32, #tpu.memory_space<hbm>>
    tpu.wait_indirect_dma semaphore(%arg16 : memref<!tpu.dma_semaphore, #tpu.memory_space<semaphore_mem>>) src(%dma_wait3A_19 : memref<25000x128xf32, #tpu.memory_space<hbm>>) dst(%arg13 : memref<256x128xf32, #tpu.memory_space<vmem>>)
    %dma_wait3A_20 = arith.constant 0 : i32
    %dma_wait3A_21 = tpu.memref_slice %arg10[%dma_wait3A_20] : memref<512xi32, #tpu.memory_space<vmem>> -> memref<256xi32, #tpu.memory_space<vmem>>
    %dma_wait3A_22 = arith.constant 0 : i32
    %dma_wait3A_23 = arith.constant 0 : i32
    %dma_wait3A_24 = tpu.memref_slice %arg5[%dma_wait3A_22, %dma_wait3A_23] : memref<250000x128xf32, #tpu.memory_space<hbm>> -> memref<250000x128xf32, #tpu.memory_space<hbm>>
    tpu.wait_indirect_dma semaphore(%arg17 : memref<!tpu.dma_semaphore, #tpu.memory_space<semaphore_mem>>) src(%dma_wait3A_24 : memref<250000x128xf32, #tpu.memory_space<hbm>>) dst(%arg14 : memref<256x128xf32, #tpu.memory_space<vmem>>)
    %scan3A_25 = arith.constant 0 : i32
    %scan3A_26 = arith.constant 16 : i32
    %scan3A_27 = arith.addi %scan3A_25, %scan3A_26 : i32
    %scan3A_28 = arith.constant 1 : i32
    scf.for %scan3A_55 = %scan3A_25 to %scan3A_27 step %scan3A_28  : i32 {
      %mul3A_56 = arith.constant 1 : i32
      %mul3A_57 = arith.muli %scan3A_55, %mul3A_56 : i32
      %add3A_58 = arith.constant 0 : i32
      %add3A_59 = arith.addi %add3A_58, %mul3A_57 : i32
      %mul3A_60 = arith.constant 16 : i32
      %mul3A_61 = arith.muli %add3A_59, %mul3A_60 : i32
      %add3A_62 = vector.broadcast %mul3A_61 : i32 to vector<16xi32>
      %add3A_63 = arith.addi %add3A_62, %iota3A : vector<16xi32>
      %mul3A_64 = arith.constant 16 : i32
      %mul3A_65 = arith.muli %add3A_59, %mul3A_64 : i32
      %add3A_66 = arith.constant 0 : i32
      %add3A_67 = arith.addi %add3A_66, %mul3A_65 : i32
      %get3A = arith.index_cast %add3A_67 : i32 to index
      %get3A_68 = tpu.vector_load %arg11[%get3A] {strides = array<i32>} : memref<512xi32, #tpu.memory_space<vmem>>, vector<16xi32>,
      %get3A_69 = arith.index_cast %add3A_67 : i32 to index
      %get3A_70 = tpu.vector_load %arg12[%get3A_69] {strides = array<i32>} : memref<512xi32, #tpu.memory_space<vmem>>, vector<16xi32>,
      %broadcast_in_dim3A = arith.constant 0.000000e+00 : f32
      %broadcast_in_dim3A_71 = vector.broadcast %broadcast_in_dim3A : f32 to vector<16xf32>
      %add3A_72 = arith.constant 0 : i32
      %add3A_73 = vector.broadcast %add3A_72 : i32 to vector<16xi32>
      %add3A_74 = arith.addi %get3A_68, %add3A_73 : vector<16xi32>
      %gather3A = tpu.vector_load_idx %arg13[%add3A_63, %add3A_74] : memref<256x128xf32, #tpu.memory_space<vmem>>[vector<16xi32>, vector<16xi32>], vector<16xf32>,
      %add3A_75 = arith.constant 0 : i32
      %add3A_76 = vector.broadcast %add3A_75 : i32 to vector<16xi32>
      %add3A_77 = arith.addi %get3A_70, %add3A_76 : vector<16xi32>
      %gather3A_78 = tpu.vector_load_idx %arg14[%add3A_63, %add3A_77] : memref<256x128xf32, #tpu.memory_space<vmem>>[vector<16xi32>, vector<16xi32>], vector<16xf32>,
      %mul3A_79 = arith.mulf %gather3A, %gather3A_78 : vector<16xf32>
      %add3A_80 = arith.addf %broadcast_in_dim3A_71, %mul3A_79 : vector<16xf32>
      %add3A_81 = arith.constant 1 : i32
      %add3A_82 = vector.broadcast %add3A_81 : i32 to vector<16xi32>
      %add3A_83 = arith.addi %get3A_68, %add3A_82 : vector<16xi32>
      %gather3A_84 = tpu.vector_load_idx %arg13[%add3A_63, %add3A_83] : memref<256x128xf32, #tpu.memory_space<vmem>>[vector<16xi32>, vector<16xi32>], vector<16xf32>,
      %add3A_85 = arith.constant 1 : i32
      %add3A_86 = vector.broadcast %add3A_85 : i32 to vector<16xi32>
      %add3A_87 = arith.addi %get3A_70, %add3A_86 : vector<16xi32>
      %gather3A_88 = tpu.vector_load_idx %arg14[%add3A_63, %add3A_87] : memref<256x128xf32, #tpu.memory_space<vmem>>[vector<16xi32>, vector<16xi32>], vector<16xf32>,
      %mul3A_89 = arith.mulf %gather3A_84, %gather3A_88 : vector<16xf32>
      %add3A_90 = arith.addf %add3A_80, %mul3A_89 : vector<16xf32>
      %add3A_91 = arith.constant 2 : i32
      %add3A_92 = vector.broadcast %add3A_91 : i32 to vector<16xi32>
      %add3A_93 = arith.addi %get3A_68, %add3A_92 : vector<16xi32>
      %gather3A_94 = tpu.vector_load_idx %arg13[%add3A_63, %add3A_93] : memref<256x128xf32, #tpu.memory_space<vmem>>[vector<16xi32>, vector<16xi32>], vector<16xf32>,
      %add3A_95 = arith.constant 2 : i32
      %add3A_96 = vector.broadcast %add3A_95 : i32 to vector<16xi32>
      %add3A_97 = arith.addi %get3A_70, %add3A_96 : vector<16xi32>
      %gather3A_98 = tpu.vector_load_idx %arg14[%add3A_63, %add3A_97] : memref<256x128xf32, #tpu.memory_space<vmem>>[vector<16xi32>, vector<16xi32>], vector<16xf32>,
      %mul3A_99 = arith.mulf %gather3A_94, %gather3A_98 : vector<16xf32>
      %add3A_100 = arith.addf %add3A_90, %mul3A_99 : vector<16xf32>
      %add3A_101 = arith.constant 3 : i32
      %add3A_102 = vector.broadcast %add3A_101 : i32 to vector<16xi32>
      %add3A_103 = arith.addi %get3A_68, %add3A_102 : vector<16xi32>
      %gather3A_104 = tpu.vector_load_idx %arg13[%add3A_63, %add3A_103] : memref<256x128xf32, #tpu.memory_space<vmem>>[vector<16xi32>, vector<16xi32>], vector<16xf32>,
      %add3A_105 = arith.constant 3 : i32
      %add3A_106 = vector.broadcast %add3A_105 : i32 to vector<16xi32>
      %add3A_107 = arith.addi %get3A_70, %add3A_106 : vector<16xi32>
      %gather3A_108 = tpu.vector_load_idx %arg14[%add3A_63, %add3A_107] : memref<256x128xf32, #tpu.memory_space<vmem>>[vector<16xi32>, vector<16xi32>], vector<16xf32>,
      %mul3A_109 = arith.mulf %gather3A_104, %gather3A_108 : vector<16xf32>
      %add3A_110 = arith.addf %add3A_100, %mul3A_109 : vector<16xf32>
      %add3A_111 = arith.constant 4 : i32
      %add3A_112 = vector.broadcast %add3A_111 : i32 to vector<16xi32>
      %add3A_113 = arith.addi %get3A_68, %add3A_112 : vector<16xi32>
      %gather3A_114 = tpu.vector_load_idx %arg13[%add3A_63, %add3A_113] : memref<256x128xf32, #tpu.memory_space<vmem>>[vector<16xi32>, vector<16xi32>], vector<16xf32>,
      %add3A_115 = arith.constant 4 : i32
      %add3A_116 = vector.broadcast %add3A_115 : i32 to vector<16xi32>
      %add3A_117 = arith.addi %get3A_70, %add3A_116 : vector<16xi32>
      %gather3A_118 = tpu.vector_load_idx %arg14[%add3A_63, %add3A_117] : memref<256x128xf32, #tpu.memory_space<vmem>>[vector<16xi32>, vector<16xi32>], vector<16xf32>,
      %mul3A_119 = arith.mulf %gather3A_114, %gather3A_118 : vector<16xf32>
      %add3A_120 = arith.addf %add3A_110, %mul3A_119 : vector<16xf32>
      %add3A_121 = arith.constant 5 : i32
      %add3A_122 = vector.broadcast %add3A_121 : i32 to vector<16xi32>
      %add3A_123 = arith.addi %get3A_68, %add3A_122 : vector<16xi32>
      %gather3A_124 = tpu.vector_load_idx %arg13[%add3A_63, %add3A_123] : memref<256x128xf32, #tpu.memory_space<vmem>>[vector<16xi32>, vector<16xi32>], vector<16xf32>,
      %add3A_125 = arith.constant 5 : i32
      %add3A_126 = vector.broadcast %add3A_125 : i32 to vector<16xi32>
      %add3A_127 = arith.addi %get3A_70, %add3A_126 : vector<16xi32>
      %gather3A_128 = tpu.vector_load_idx %arg14[%add3A_63, %add3A_127] : memref<256x128xf32, #tpu.memory_space<vmem>>[vector<16xi32>, vector<16xi32>], vector<16xf32>,
      %mul3A_129 = arith.mulf %gather3A_124, %gather3A_128 : vector<16xf32>
      %add3A_130 = arith.addf %add3A_120, %mul3A_129 : vector<16xf32>
      %add3A_131 = arith.constant 6 : i32
      %add3A_132 = vector.broadcast %add3A_131 : i32 to vector<16xi32>
      %add3A_133 = arith.addi %get3A_68, %add3A_132 : vector<16xi32>
      %gather3A_134 = tpu.vector_load_idx %arg13[%add3A_63, %add3A_133] : memref<256x128xf32, #tpu.memory_space<vmem>>[vector<16xi32>, vector<16xi32>], vector<16xf32>,
      %add3A_135 = arith.constant 6 : i32
      %add3A_136 = vector.broadcast %add3A_135 : i32 to vector<16xi32>
      %add3A_137 = arith.addi %get3A_70, %add3A_136 : vector<16xi32>
      %gather3A_138 = tpu.vector_load_idx %arg14[%add3A_63, %add3A_137] : memref<256x128xf32, #tpu.memory_space<vmem>>[vector<16xi32>, vector<16xi32>], vector<16xf32>,
      %mul3A_139 = arith.mulf %gather3A_134, %gather3A_138 : vector<16xf32>
      %add3A_140 = arith.addf %add3A_130, %mul3A_139 : vector<16xf32>
      %add3A_141 = arith.constant 7 : i32
      %add3A_142 = vector.broadcast %add3A_141 : i32 to vector<16xi32>
      %add3A_143 = arith.addi %get3A_68, %add3A_142 : vector<16xi32>
      %gather3A_144 = tpu.vector_load_idx %arg13[%add3A_63, %add3A_143] : memref<256x128xf32, #tpu.memory_space<vmem>>[vector<16xi32>, vector<16xi32>], vector<16xf32>,
      %add3A_145 = arith.constant 7 : i32
      %add3A_146 = vector.broadcast %add3A_145 : i32 to vector<16xi32>
      %add3A_147 = arith.addi %get3A_70, %add3A_146 : vector<16xi32>
      %gather3A_148 = tpu.vector_load_idx %arg14[%add3A_63, %add3A_147] : memref<256x128xf32, #tpu.memory_space<vmem>>[vector<16xi32>, vector<16xi32>], vector<16xf32>,
      %mul3A_149 = arith.mulf %gather3A_144, %gather3A_148 : vector<16xf32>
      %add3A_150 = arith.addf %add3A_140, %mul3A_149 : vector<16xf32>
      %add3A_151 = arith.constant 8 : i32
      %add3A_152 = vector.broadcast %add3A_151 : i32 to vector<16xi32>
      %add3A_153 = arith.addi %get3A_68, %add3A_152 : vector<16xi32>
      %gather3A_154 = tpu.vector_load_idx %arg13[%add3A_63, %add3A_153] : memref<256x128xf32, #tpu.memory_space<vmem>>[vector<16xi32>, vector<16xi32>], vector<16xf32>,
      %add3A_155 = arith.constant 8 : i32
      %add3A_156 = vector.broadcast %add3A_155 : i32 to vector<16xi32>
      %add3A_157 = arith.addi %get3A_70, %add3A_156 : vector<16xi32>
      %gather3A_158 = tpu.vector_load_idx %arg14[%add3A_63, %add3A_157] : memref<256x128xf32, #tpu.memory_space<vmem>>[vector<16xi32>, vector<16xi32>], vector<16xf32>,
      %mul3A_159 = arith.mulf %gather3A_154, %gather3A_158 : vector<16xf32>
      %add3A_160 = arith.addf %add3A_150, %mul3A_159 : vector<16xf32>
      %add3A_161 = arith.constant 9 : i32
      %add3A_162 = vector.broadcast %add3A_161 : i32 to vector<16xi32>
      %add3A_163 = arith.addi %get3A_68, %add3A_162 : vector<16xi32>
      %gather3A_164 = tpu.vector_load_idx %arg13[%add3A_63, %add3A_163] : memref<256x128xf32, #tpu.memory_space<vmem>>[vector<16xi32>, vector<16xi32>], vector<16xf32>,
      %add3A_165 = arith.constant 9 : i32
      %add3A_166 = vector.broadcast %add3A_165 : i32 to vector<16xi32>
      %add3A_167 = arith.addi %get3A_70, %add3A_166 : vector<16xi32>
      %gather3A_168 = tpu.vector_load_idx %arg14[%add3A_63, %add3A_167] : memref<256x128xf32, #tpu.memory_space<vmem>>[vector<16xi32>, vector<16xi32>], vector<16xf32>,
      %mul3A_169 = arith.mulf %gather3A_164, %gather3A_168 : vector<16xf32>
      %add3A_170 = arith.addf %add3A_160, %mul3A_169 : vector<16xf32>
      %add3A_171 = arith.constant 10 : i32
      %add3A_172 = vector.broadcast %add3A_171 : i32 to vector<16xi32>
      %add3A_173 = arith.addi %get3A_68, %add3A_172 : vector<16xi32>
      %gather3A_174 = tpu.vector_load_idx %arg13[%add3A_63, %add3A_173] : memref<256x128xf32, #tpu.memory_space<vmem>>[vector<16xi32>, vector<16xi32>], vector<16xf32>,
      %add3A_175 = arith.constant 10 : i32
      %add3A_176 = vector.broadcast %add3A_175 : i32 to vector<16xi32>
      %add3A_177 = arith.addi %get3A_70, %add3A_176 : vector<16xi32>
      %gather3A_178 = tpu.vector_load_idx %arg14[%add3A_63, %add3A_177] : memref<256x128xf32, #tpu.memory_space<vmem>>[vector<16xi32>, vector<16xi32>], vector<16xf32>,
      %mul3A_179 = arith.mulf %gather3A_174, %gather3A_178 : vector<16xf32>
      %add3A_180 = arith.addf %add3A_170, %mul3A_179 : vector<16xf32>
      %add3A_181 = arith.constant 11 : i32
      %add3A_182 = vector.broadcast %add3A_181 : i32 to vector<16xi32>
      %add3A_183 = arith.addi %get3A_68, %add3A_182 : vector<16xi32>
      %gather3A_184 = tpu.vector_load_idx %arg13[%add3A_63, %add3A_183] : memref<256x128xf32, #tpu.memory_space<vmem>>[vector<16xi32>, vector<16xi32>], vector<16xf32>,
      %add3A_185 = arith.constant 11 : i32
      %add3A_186 = vector.broadcast %add3A_185 : i32 to vector<16xi32>
      %add3A_187 = arith.addi %get3A_70, %add3A_186 : vector<16xi32>
      %gather3A_188 = tpu.vector_load_idx %arg14[%add3A_63, %add3A_187] : memref<256x128xf32, #tpu.memory_space<vmem>>[vector<16xi32>, vector<16xi32>], vector<16xf32>,
      %mul3A_189 = arith.mulf %gather3A_184, %gather3A_188 : vector<16xf32>
      %add3A_190 = arith.addf %add3A_180, %mul3A_189 : vector<16xf32>
      %add3A_191 = arith.constant 12 : i32
      %add3A_192 = vector.broadcast %add3A_191 : i32 to vector<16xi32>
      %add3A_193 = arith.addi %get3A_68, %add3A_192 : vector<16xi32>
      %gather3A_194 = tpu.vector_load_idx %arg13[%add3A_63, %add3A_193] : memref<256x128xf32, #tpu.memory_space<vmem>>[vector<16xi32>, vector<16xi32>], vector<16xf32>,
      %add3A_195 = arith.constant 12 : i32
      %add3A_196 = vector.broadcast %add3A_195 : i32 to vector<16xi32>
      %add3A_197 = arith.addi %get3A_70, %add3A_196 : vector<16xi32>
      %gather3A_198 = tpu.vector_load_idx %arg14[%add3A_63, %add3A_197] : memref<256x128xf32, #tpu.memory_space<vmem>>[vector<16xi32>, vector<16xi32>], vector<16xf32>,
      %mul3A_199 = arith.mulf %gather3A_194, %gather3A_198 : vector<16xf32>
      %add3A_200 = arith.addf %add3A_190, %mul3A_199 : vector<16xf32>
      %add3A_201 = arith.constant 13 : i32
      %add3A_202 = vector.broadcast %add3A_201 : i32 to vector<16xi32>
      %add3A_203 = arith.addi %get3A_68, %add3A_202 : vector<16xi32>
      %gather3A_204 = tpu.vector_load_idx %arg13[%add3A_63, %add3A_203] : memref<256x128xf32, #tpu.memory_space<vmem>>[vector<16xi32>, vector<16xi32>], vector<16xf32>,
      %add3A_205 = arith.constant 13 : i32
      %add3A_206 = vector.broadcast %add3A_205 : i32 to vector<16xi32>
      %add3A_207 = arith.addi %get3A_70, %add3A_206 : vector<16xi32>
      %gather3A_208 = tpu.vector_load_idx %arg14[%add3A_63, %add3A_207] : memref<256x128xf32, #tpu.memory_space<vmem>>[vector<16xi32>, vector<16xi32>], vector<16xf32>,
      %mul3A_209 = arith.mulf %gather3A_204, %gather3A_208 : vector<16xf32>
      %add3A_210 = arith.addf %add3A_200, %mul3A_209 : vector<16xf32>
      %add3A_211 = arith.constant 14 : i32
      %add3A_212 = vector.broadcast %add3A_211 : i32 to vector<16xi32>
      %add3A_213 = arith.addi %get3A_68, %add3A_212 : vector<16xi32>
      %gather3A_214 = tpu.vector_load_idx %arg13[%add3A_63, %add3A_213] : memref<256x128xf32, #tpu.memory_space<vmem>>[vector<16xi32>, vector<16xi32>], vector<16xf32>,
      %add3A_215 = arith.constant 14 : i32
      %add3A_216 = vector.broadcast %add3A_215 : i32 to vector<16xi32>
      %add3A_217 = arith.addi %get3A_70, %add3A_216 : vector<16xi32>
      %gather3A_218 = tpu.vector_load_idx %arg14[%add3A_63, %add3A_217] : memref<256x128xf32, #tpu.memory_space<vmem>>[vector<16xi32>, vector<16xi32>], vector<16xf32>,
      %mul3A_219 = arith.mulf %gather3A_214, %gather3A_218 : vector<16xf32>
      %add3A_220 = arith.addf %add3A_210, %mul3A_219 : vector<16xf32>
      %add3A_221 = arith.constant 15 : i32
      %add3A_222 = vector.broadcast %add3A_221 : i32 to vector<16xi32>
      %add3A_223 = arith.addi %get3A_68, %add3A_222 : vector<16xi32>
      %gather3A_224 = tpu.vector_load_idx %arg13[%add3A_63, %add3A_223] : memref<256x128xf32, #tpu.memory_space<vmem>>[vector<16xi32>, vector<16xi32>], vector<16xf32>,
      %add3A_225 = arith.constant 15 : i32
      %add3A_226 = vector.broadcast %add3A_225 : i32 to vector<16xi32>
      %add3A_227 = arith.addi %get3A_70, %add3A_226 : vector<16xi32>
      %gather3A_228 = tpu.vector_load_idx %arg14[%add3A_63, %add3A_227] : memref<256x128xf32, #tpu.memory_space<vmem>>[vector<16xi32>, vector<16xi32>], vector<16xf32>,
      %mul3A_229 = arith.mulf %gather3A_224, %gather3A_228 : vector<16xf32>
      %add3A_230 = arith.addf %add3A_220, %mul3A_229 : vector<16xf32>
      %add3A_231 = arith.constant 16 : i32
      %add3A_232 = vector.broadcast %add3A_231 : i32 to vector<16xi32>
      %add3A_233 = arith.addi %get3A_68, %add3A_232 : vector<16xi32>
      %gather3A_234 = tpu.vector_load_idx %arg13[%add3A_63, %add3A_233] : memref<256x128xf32, #tpu.memory_space<vmem>>[vector<16xi32>, vector<16xi32>], vector<16xf32>,
      %add3A_235 = arith.constant 16 : i32
      %add3A_236 = vector.broadcast %add3A_235 : i32 to vector<16xi32>
      %add3A_237 = arith.addi %get3A_70, %add3A_236 : vector<16xi32>
      %gather3A_238 = tpu.vector_load_idx %arg14[%add3A_63, %add3A_237] : memref<256x128xf32, #tpu.memory_space<vmem>>[vector<16xi32>, vector<16xi32>], vector<16xf32>,
      %mul3A_239 = arith.mulf %gather3A_234, %gather3A_238 : vector<16xf32>
      %add3A_240 = arith.addf %add3A_230, %mul3A_239 : vector<16xf32>
      %add3A_241 = arith.constant 17 : i32
      %add3A_242 = vector.broadcast %add3A_241 : i32 to vector<16xi32>
      %add3A_243 = arith.addi %get3A_68, %add3A_242 : vector<16xi32>
      %gather3A_244 = tpu.vector_load_idx %arg13[%add3A_63, %add3A_243] : memref<256x128xf32, #tpu.memory_space<vmem>>[vector<16xi32>, vector<16xi32>], vector<16xf32>,
      %add3A_245 = arith.constant 17 : i32
      %add3A_246 = vector.broadcast %add3A_245 : i32 to vector<16xi32>
      %add3A_247 = arith.addi %get3A_70, %add3A_246 : vector<16xi32>
      %gather3A_248 = tpu.vector_load_idx %arg14[%add3A_63, %add3A_247] : memref<256x128xf32, #tpu.memory_space<vmem>>[vector<16xi32>, vector<16xi32>], vector<16xf32>,
      %mul3A_249 = arith.mulf %gather3A_244, %gather3A_248 : vector<16xf32>
      %add3A_250 = arith.addf %add3A_240, %mul3A_249 : vector<16xf32>
      %add3A_251 = arith.constant 18 : i32
      %add3A_252 = vector.broadcast %add3A_251 : i32 to vector<16xi32>
      %add3A_253 = arith.addi %get3A_68, %add3A_252 : vector<16xi32>
      %gather3A_254 = tpu.vector_load_idx %arg13[%add3A_63, %add3A_253] : memref<256x128xf32, #tpu.memory_space<vmem>>[vector<16xi32>, vector<16xi32>], vector<16xf32>,
      %add3A_255 = arith.constant 18 : i32
      %add3A_256 = vector.broadcast %add3A_255 : i32 to vector<16xi32>
      %add3A_257 = arith.addi %get3A_70, %add3A_256 : vector<16xi32>
      %gather3A_258 = tpu.vector_load_idx %arg14[%add3A_63, %add3A_257] : memref<256x128xf32, #tpu.memory_space<vmem>>[vector<16xi32>, vector<16xi32>], vector<16xf32>,
      %mul3A_259 = arith.mulf %gather3A_254, %gather3A_258 : vector<16xf32>
      %add3A_260 = arith.addf %add3A_250, %mul3A_259 : vector<16xf32>
      %add3A_261 = arith.constant 19 : i32
      %add3A_262 = vector.broadcast %add3A_261 : i32 to vector<16xi32>
      %add3A_263 = arith.addi %get3A_68, %add3A_262 : vector<16xi32>
      %gather3A_264 = tpu.vector_load_idx %arg13[%add3A_63, %add3A_263] : memref<256x128xf32, #tpu.memory_space<vmem>>[vector<16xi32>, vector<16xi32>], vector<16xf32>,
      %add3A_265 = arith.constant 19 : i32
      %add3A_266 = vector.broadcast %add3A_265 : i32 to vector<16xi32>
      %add3A_267 = arith.addi %get3A_70, %add3A_266 : vector<16xi32>
      %gather3A_268 = tpu.vector_load_idx %arg14[%add3A_63, %add3A_267] : memref<256x128xf32, #tpu.memory_space<vmem>>[vector<16xi32>, vector<16xi32>], vector<16xf32>,
      %mul3A_269 = arith.mulf %gather3A_264, %gather3A_268 : vector<16xf32>
      %add3A_270 = arith.addf %add3A_260, %mul3A_269 : vector<16xf32>
      %add3A_271 = arith.constant 20 : i32
      %add3A_272 = vector.broadcast %add3A_271 : i32 to vector<16xi32>
      %add3A_273 = arith.addi %get3A_68, %add3A_272 : vector<16xi32>
      %gather3A_274 = tpu.vector_load_idx %arg13[%add3A_63, %add3A_273] : memref<256x128xf32, #tpu.memory_space<vmem>>[vector<16xi32>, vector<16xi32>], vector<16xf32>,
      %add3A_275 = arith.constant 20 : i32
      %add3A_276 = vector.broadcast %add3A_275 : i32 to vector<16xi32>
      %add3A_277 = arith.addi %get3A_70, %add3A_276 : vector<16xi32>
      %gather3A_278 = tpu.vector_load_idx %arg14[%add3A_63, %add3A_277] : memref<256x128xf32, #tpu.memory_space<vmem>>[vector<16xi32>, vector<16xi32>], vector<16xf32>,
      %mul3A_279 = arith.mulf %gather3A_274, %gather3A_278 : vector<16xf32>
      %add3A_280 = arith.addf %add3A_270, %mul3A_279 : vector<16xf32>
      %add3A_281 = arith.constant 21 : i32
      %add3A_282 = vector.broadcast %add3A_281 : i32 to vector<16xi32>
      %add3A_283 = arith.addi %get3A_68, %add3A_282 : vector<16xi32>
      %gather3A_284 = tpu.vector_load_idx %arg13[%add3A_63, %add3A_283] : memref<256x128xf32, #tpu.memory_space<vmem>>[vector<16xi32>, vector<16xi32>], vector<16xf32>,
      %add3A_285 = arith.constant 21 : i32
      %add3A_286 = vector.broadcast %add3A_285 : i32 to vector<16xi32>
      %add3A_287 = arith.addi %get3A_70, %add3A_286 : vector<16xi32>
      %gather3A_288 = tpu.vector_load_idx %arg14[%add3A_63, %add3A_287] : memref<256x128xf32, #tpu.memory_space<vmem>>[vector<16xi32>, vector<16xi32>], vector<16xf32>,
      %mul3A_289 = arith.mulf %gather3A_284, %gather3A_288 : vector<16xf32>
      %add3A_290 = arith.addf %add3A_280, %mul3A_289 : vector<16xf32>
      %add3A_291 = arith.constant 22 : i32
      %add3A_292 = vector.broadcast %add3A_291 : i32 to vector<16xi32>
      %add3A_293 = arith.addi %get3A_68, %add3A_292 : vector<16xi32>
      %gather3A_294 = tpu.vector_load_idx %arg13[%add3A_63, %add3A_293] : memref<256x128xf32, #tpu.memory_space<vmem>>[vector<16xi32>, vector<16xi32>], vector<16xf32>,
      %add3A_295 = arith.constant 22 : i32
      %add3A_296 = vector.broadcast %add3A_295 : i32 to vector<16xi32>
      %add3A_297 = arith.addi %get3A_70, %add3A_296 : vector<16xi32>
      %gather3A_298 = tpu.vector_load_idx %arg14[%add3A_63, %add3A_297] : memref<256x128xf32, #tpu.memory_space<vmem>>[vector<16xi32>, vector<16xi32>], vector<16xf32>,
      %mul3A_299 = arith.mulf %gather3A_294, %gather3A_298 : vector<16xf32>
      %add3A_300 = arith.addf %add3A_290, %mul3A_299 : vector<16xf32>
      %add3A_301 = arith.constant 23 : i32
      %add3A_302 = vector.broadcast %add3A_301 : i32 to vector<16xi32>
      %add3A_303 = arith.addi %get3A_68, %add3A_302 : vector<16xi32>
      %gather3A_304 = tpu.vector_load_idx %arg13[%add3A_63, %add3A_303] : memref<256x128xf32, #tpu.memory_space<vmem>>[vector<16xi32>, vector<16xi32>], vector<16xf32>,
      %add3A_305 = arith.constant 23 : i32
      %add3A_306 = vector.broadcast %add3A_305 : i32 to vector<16xi32>
      %add3A_307 = arith.addi %get3A_70, %add3A_306 : vector<16xi32>
      %gather3A_308 = tpu.vector_load_idx %arg14[%add3A_63, %add3A_307] : memref<256x128xf32, #tpu.memory_space<vmem>>[vector<16xi32>, vector<16xi32>], vector<16xf32>,
      %mul3A_309 = arith.mulf %gather3A_304, %gather3A_308 : vector<16xf32>
      %add3A_310 = arith.addf %add3A_300, %mul3A_309 : vector<16xf32>
      %add3A_311 = arith.constant 24 : i32
      %add3A_312 = vector.broadcast %add3A_311 : i32 to vector<16xi32>
      %add3A_313 = arith.addi %get3A_68, %add3A_312 : vector<16xi32>
      %gather3A_314 = tpu.vector_load_idx %arg13[%add3A_63, %add3A_313] : memref<256x128xf32, #tpu.memory_space<vmem>>[vector<16xi32>, vector<16xi32>], vector<16xf32>,
      %add3A_315 = arith.constant 24 : i32
      %add3A_316 = vector.broadcast %add3A_315 : i32 to vector<16xi32>
      %add3A_317 = arith.addi %get3A_70, %add3A_316 : vector<16xi32>
      %gather3A_318 = tpu.vector_load_idx %arg14[%add3A_63, %add3A_317] : memref<256x128xf32, #tpu.memory_space<vmem>>[vector<16xi32>, vector<16xi32>], vector<16xf32>,
      %mul3A_319 = arith.mulf %gather3A_314, %gather3A_318 : vector<16xf32>
      %add3A_320 = arith.addf %add3A_310, %mul3A_319 : vector<16xf32>
      %add3A_321 = arith.constant 25 : i32
      %add3A_322 = vector.broadcast %add3A_321 : i32 to vector<16xi32>
      %add3A_323 = arith.addi %get3A_68, %add3A_322 : vector<16xi32>
      %gather3A_324 = tpu.vector_load_idx %arg13[%add3A_63, %add3A_323] : memref<256x128xf32, #tpu.memory_space<vmem>>[vector<16xi32>, vector<16xi32>], vector<16xf32>,
      %add3A_325 = arith.constant 25 : i32
      %add3A_326 = vector.broadcast %add3A_325 : i32 to vector<16xi32>
      %add3A_327 = arith.addi %get3A_70, %add3A_326 : vector<16xi32>
      %gather3A_328 = tpu.vector_load_idx %arg14[%add3A_63, %add3A_327] : memref<256x128xf32, #tpu.memory_space<vmem>>[vector<16xi32>, vector<16xi32>], vector<16xf32>,
      %mul3A_329 = arith.mulf %gather3A_324, %gather3A_328 : vector<16xf32>
      %add3A_330 = arith.addf %add3A_320, %mul3A_329 : vector<16xf32>
      %add3A_331 = arith.constant 26 : i32
      %add3A_332 = vector.broadcast %add3A_331 : i32 to vector<16xi32>
      %add3A_333 = arith.addi %get3A_68, %add3A_332 : vector<16xi32>
      %gather3A_334 = tpu.vector_load_idx %arg13[%add3A_63, %add3A_333] : memref<256x128xf32, #tpu.memory_space<vmem>>[vector<16xi32>, vector<16xi32>], vector<16xf32>,
      %add3A_335 = arith.constant 26 : i32
      %add3A_336 = vector.broadcast %add3A_335 : i32 to vector<16xi32>
      %add3A_337 = arith.addi %get3A_70, %add3A_336 : vector<16xi32>
      %gather3A_338 = tpu.vector_load_idx %arg14[%add3A_63, %add3A_337] : memref<256x128xf32, #tpu.memory_space<vmem>>[vector<16xi32>, vector<16xi32>], vector<16xf32>,
      %mul3A_339 = arith.mulf %gather3A_334, %gather3A_338 : vector<16xf32>
      %add3A_340 = arith.addf %add3A_330, %mul3A_339 : vector<16xf32>
      %add3A_341 = arith.constant 27 : i32
      %add3A_342 = vector.broadcast %add3A_341 : i32 to vector<16xi32>
      %add3A_343 = arith.addi %get3A_68, %add3A_342 : vector<16xi32>
      %gather3A_344 = tpu.vector_load_idx %arg13[%add3A_63, %add3A_343] : memref<256x128xf32, #tpu.memory_space<vmem>>[vector<16xi32>, vector<16xi32>], vector<16xf32>,
      %add3A_345 = arith.constant 27 : i32
      %add3A_346 = vector.broadcast %add3A_345 : i32 to vector<16xi32>
      %add3A_347 = arith.addi %get3A_70, %add3A_346 : vector<16xi32>
      %gather3A_348 = tpu.vector_load_idx %arg14[%add3A_63, %add3A_347] : memref<256x128xf32, #tpu.memory_space<vmem>>[vector<16xi32>, vector<16xi32>], vector<16xf32>,
      %mul3A_349 = arith.mulf %gather3A_344, %gather3A_348 : vector<16xf32>
      %add3A_350 = arith.addf %add3A_340, %mul3A_349 : vector<16xf32>
      %add3A_351 = arith.constant 28 : i32
      %add3A_352 = vector.broadcast %add3A_351 : i32 to vector<16xi32>
      %add3A_353 = arith.addi %get3A_68, %add3A_352 : vector<16xi32>
      %gather3A_354 = tpu.vector_load_idx %arg13[%add3A_63, %add3A_353] : memref<256x128xf32, #tpu.memory_space<vmem>>[vector<16xi32>, vector<16xi32>], vector<16xf32>,
      %add3A_355 = arith.constant 28 : i32
      %add3A_356 = vector.broadcast %add3A_355 : i32 to vector<16xi32>
      %add3A_357 = arith.addi %get3A_70, %add3A_356 : vector<16xi32>
      %gather3A_358 = tpu.vector_load_idx %arg14[%add3A_63, %add3A_357] : memref<256x128xf32, #tpu.memory_space<vmem>>[vector<16xi32>, vector<16xi32>], vector<16xf32>,
      %mul3A_359 = arith.mulf %gather3A_354, %gather3A_358 : vector<16xf32>
      %add3A_360 = arith.addf %add3A_350, %mul3A_359 : vector<16xf32>
      %add3A_361 = arith.constant 29 : i32
      %add3A_362 = vector.broadcast %add3A_361 : i32 to vector<16xi32>
      %add3A_363 = arith.addi %get3A_68, %add3A_362 : vector<16xi32>
      %gather3A_364 = tpu.vector_load_idx %arg13[%add3A_63, %add3A_363] : memref<256x128xf32, #tpu.memory_space<vmem>>[vector<16xi32>, vector<16xi32>], vector<16xf32>,
      %add3A_365 = arith.constant 29 : i32
      %add3A_366 = vector.broadcast %add3A_365 : i32 to vector<16xi32>
      %add3A_367 = arith.addi %get3A_70, %add3A_366 : vector<16xi32>
      %gather3A_368 = tpu.vector_load_idx %arg14[%add3A_63, %add3A_367] : memref<256x128xf32, #tpu.memory_space<vmem>>[vector<16xi32>, vector<16xi32>], vector<16xf32>,
      %mul3A_369 = arith.mulf %gather3A_364, %gather3A_368 : vector<16xf32>
      %add3A_370 = arith.addf %add3A_360, %mul3A_369 : vector<16xf32>
      %add3A_371 = arith.constant 30 : i32
      %add3A_372 = vector.broadcast %add3A_371 : i32 to vector<16xi32>
      %add3A_373 = arith.addi %get3A_68, %add3A_372 : vector<16xi32>
      %gather3A_374 = tpu.vector_load_idx %arg13[%add3A_63, %add3A_373] : memref<256x128xf32, #tpu.memory_space<vmem>>[vector<16xi32>, vector<16xi32>], vector<16xf32>,
      %add3A_375 = arith.constant 30 : i32
      %add3A_376 = vector.broadcast %add3A_375 : i32 to vector<16xi32>
      %add3A_377 = arith.addi %get3A_70, %add3A_376 : vector<16xi32>
      %gather3A_378 = tpu.vector_load_idx %arg14[%add3A_63, %add3A_377] : memref<256x128xf32, #tpu.memory_space<vmem>>[vector<16xi32>, vector<16xi32>], vector<16xf32>,
      %mul3A_379 = arith.mulf %gather3A_374, %gather3A_378 : vector<16xf32>
      %add3A_380 = arith.addf %add3A_370, %mul3A_379 : vector<16xf32>
      %add3A_381 = arith.constant 31 : i32
      %add3A_382 = vector.broadcast %add3A_381 : i32 to vector<16xi32>
      %add3A_383 = arith.addi %get3A_68, %add3A_382 : vector<16xi32>
      %gather3A_384 = tpu.vector_load_idx %arg13[%add3A_63, %add3A_383] : memref<256x128xf32, #tpu.memory_space<vmem>>[vector<16xi32>, vector<16xi32>], vector<16xf32>,
      %add3A_385 = arith.constant 31 : i32
      %add3A_386 = vector.broadcast %add3A_385 : i32 to vector<16xi32>
      %add3A_387 = arith.addi %get3A_70, %add3A_386 : vector<16xi32>
      %gather3A_388 = tpu.vector_load_idx %arg14[%add3A_63, %add3A_387] : memref<256x128xf32, #tpu.memory_space<vmem>>[vector<16xi32>, vector<16xi32>], vector<16xf32>,
      %mul3A_389 = arith.mulf %gather3A_384, %gather3A_388 : vector<16xf32>
      %add3A_390 = arith.addf %add3A_380, %mul3A_389 : vector<16xf32>
      %swap3A = arith.index_cast %add3A_67 : i32 to index
      %swap3A_391 = tpu.vector_load %arg15[%swap3A] {strides = array<i32>} : memref<512xf32, #tpu.memory_space<vmem>>, vector<16xf32>,
      tpu.vector_store %arg15[%swap3A], %add3A_390 {strides = array<i32>} : memref<512xf32, #tpu.memory_space<vmem>>, vector<16xf32>,
    }
    %scan3A_29 = arith.constant 16 : i32
    %dma_start3A_30 = arith.constant 256 : i32
    %dma_start3A_31 = tpu.memref_slice %arg9[%dma_start3A_30] : memref<512xi32, #tpu.memory_space<vmem>> -> memref<256xi32, #tpu.memory_space<vmem>>
    %dma_start3A_32 = arith.constant 0 : i32
    %dma_start3A_33 = arith.constant 0 : i32
    %dma_start3A_34 = tpu.memref_slice %arg4[%dma_start3A_32, %dma_start3A_33] : memref<25000x128xf32, #tpu.memory_space<hbm>> -> memref<25000x128xf32, #tpu.memory_space<hbm>>
    tpu.enqueue_indirect_dma source(%dma_start3A_34 : memref<25000x128xf32, #tpu.memory_space<hbm>>) target(%arg13 : memref<256x128xf32, #tpu.memory_space<vmem>>) offsets(%dma_start3A_31 : memref<256xi32, #tpu.memory_space<vmem>>) semaphore(%arg16 : memref<!tpu.dma_semaphore, #tpu.memory_space<semaphore_mem>>)
    %dma_start3A_35 = arith.constant 256 : i32
    %dma_start3A_36 = tpu.memref_slice %arg10[%dma_start3A_35] : memref<512xi32, #tpu.memory_space<vmem>> -> memref<256xi32, #tpu.memory_space<vmem>>
    %dma_start3A_37 = arith.constant 0 : i32
    %dma_start3A_38 = arith.constant 0 : i32
    %dma_start3A_39 = tpu.memref_slice %arg5[%dma_start3A_37, %dma_start3A_38] : memref<250000x128xf32, #tpu.memory_space<hbm>> -> memref<250000x128xf32, #tpu.memory_space<hbm>>
    tpu.enqueue_indirect_dma source(%dma_start3A_39 : memref<250000x128xf32, #tpu.memory_space<hbm>>) target(%arg14 : memref<256x128xf32, #tpu.memory_space<vmem>>) offsets(%dma_start3A_36 : memref<256xi32, #tpu.memory_space<vmem>>) semaphore(%arg17 : memref<!tpu.dma_semaphore, #tpu.memory_space<semaphore_mem>>)
    %dma_wait3A_40 = arith.constant 256 : i32
    %dma_wait3A_41 = tpu.memref_slice %arg9[%dma_wait3A_40] : memref<512xi32, #tpu.memory_space<vmem>> -> memref<256xi32, #tpu.memory_space<vmem>>
    %dma_wait3A_42 = arith.constant 0 : i32
    %dma_wait3A_43 = arith.constant 0 : i32
    %dma_wait3A_44 = tpu.memref_slice %arg4[%dma_wait3A_42, %dma_wait3A_43] : memref<25000x128xf32, #tpu.memory_space<hbm>> -> memref<25000x128xf32, #tpu.memory_space<hbm>>
    tpu.wait_indirect_dma semaphore(%arg16 : memref<!tpu.dma_semaphore, #tpu.memory_space<semaphore_mem>>) src(%dma_wait3A_44 : memref<25000x128xf32, #tpu.memory_space<hbm>>) dst(%arg13 : memref<256x128xf32, #tpu.memory_space<vmem>>)
    %dma_wait3A_45 = arith.constant 256 : i32
    %dma_wait3A_46 = tpu.memref_slice %arg10[%dma_wait3A_45] : memref<512xi32, #tpu.memory_space<vmem>> -> memref<256xi32, #tpu.memory_space<vmem>>
    %dma_wait3A_47 = arith.constant 0 : i32
    %dma_wait3A_48 = arith.constant 0 : i32
    %dma_wait3A_49 = tpu.memref_slice %arg5[%dma_wait3A_47, %dma_wait3A_48] : memref<250000x128xf32, #tpu.memory_space<hbm>> -> memref<250000x128xf32, #tpu.memory_space<hbm>>
    tpu.wait_indirect_dma semaphore(%arg17 : memref<!tpu.dma_semaphore, #tpu.memory_space<semaphore_mem>>) src(%dma_wait3A_49 : memref<250000x128xf32, #tpu.memory_space<hbm>>) dst(%arg14 : memref<256x128xf32, #tpu.memory_space<vmem>>)
    %scan3A_50 = arith.constant 0 : i32
    %scan3A_51 = arith.constant 16 : i32
    %scan3A_52 = arith.addi %scan3A_50, %scan3A_51 : i32
    %scan3A_53 = arith.constant 1 : i32
    scf.for %scan3A_55 = %scan3A_50 to %scan3A_52 step %scan3A_53  : i32 {
      %mul3A_56 = arith.constant 1 : i32
      %mul3A_57 = arith.muli %scan3A_55, %mul3A_56 : i32
      %add3A_58 = arith.constant 0 : i32
      %add3A_59 = arith.addi %add3A_58, %mul3A_57 : i32
      %mul3A_60 = arith.constant 16 : i32
      %mul3A_61 = arith.muli %add3A_59, %mul3A_60 : i32
      %add3A_62 = vector.broadcast %mul3A_61 : i32 to vector<16xi32>
      %add3A_63 = arith.addi %add3A_62, %iota3A : vector<16xi32>
      %mul3A_64 = arith.constant 16 : i32
      %mul3A_65 = arith.muli %add3A_59, %mul3A_64 : i32
      %add3A_66 = arith.constant 256 : i32
      %add3A_67 = arith.addi %add3A_66, %mul3A_65 : i32
      %get3A = arith.index_cast %add3A_67 : i32 to index
      %get3A_68 = tpu.vector_load %arg11[%get3A] {strides = array<i32>} : memref<512xi32, #tpu.memory_space<vmem>>, vector<16xi32>,
      %get3A_69 = arith.index_cast %add3A_67 : i32 to index
      %get3A_70 = tpu.vector_load %arg12[%get3A_69] {strides = array<i32>} : memref<512xi32, #tpu.memory_space<vmem>>, vector<16xi32>,
      %broadcast_in_dim3A = arith.constant 0.000000e+00 : f32
      %broadcast_in_dim3A_71 = vector.broadcast %broadcast_in_dim3A : f32 to vector<16xf32>
      %add3A_72 = arith.constant 0 : i32
      %add3A_73 = vector.broadcast %add3A_72 : i32 to vector<16xi32>
      %add3A_74 = arith.addi %get3A_68, %add3A_73 : vector<16xi32>
      %gather3A = tpu.vector_load_idx %arg13[%add3A_63, %add3A_74] : memref<256x128xf32, #tpu.memory_space<vmem>>[vector<16xi32>, vector<16xi32>], vector<16xf32>,
      %add3A_75 = arith.constant 0 : i32
      %add3A_76 = vector.broadcast %add3A_75 : i32 to vector<16xi32>
      %add3A_77 = arith.addi %get3A_70, %add3A_76 : vector<16xi32>
      %gather3A_78 = tpu.vector_load_idx %arg14[%add3A_63, %add3A_77] : memref<256x128xf32, #tpu.memory_space<vmem>>[vector<16xi32>, vector<16xi32>], vector<16xf32>,
      %mul3A_79 = arith.mulf %gather3A, %gather3A_78 : vector<16xf32>
      %add3A_80 = arith.addf %broadcast_in_dim3A_71, %mul3A_79 : vector<16xf32>
      %add3A_81 = arith.constant 1 : i32
      %add3A_82 = vector.broadcast %add3A_81 : i32 to vector<16xi32>
      %add3A_83 = arith.addi %get3A_68, %add3A_82 : vector<16xi32>
      %gather3A_84 = tpu.vector_load_idx %arg13[%add3A_63, %add3A_83] : memref<256x128xf32, #tpu.memory_space<vmem>>[vector<16xi32>, vector<16xi32>], vector<16xf32>,
      %add3A_85 = arith.constant 1 : i32
      %add3A_86 = vector.broadcast %add3A_85 : i32 to vector<16xi32>
      %add3A_87 = arith.addi %get3A_70, %add3A_86 : vector<16xi32>
      %gather3A_88 = tpu.vector_load_idx %arg14[%add3A_63, %add3A_87] : memref<256x128xf32, #tpu.memory_space<vmem>>[vector<16xi32>, vector<16xi32>], vector<16xf32>,
      %mul3A_89 = arith.mulf %gather3A_84, %gather3A_88 : vector<16xf32>
      %add3A_90 = arith.addf %add3A_80, %mul3A_89 : vector<16xf32>
      %add3A_91 = arith.constant 2 : i32
      %add3A_92 = vector.broadcast %add3A_91 : i32 to vector<16xi32>
      %add3A_93 = arith.addi %get3A_68, %add3A_92 : vector<16xi32>
      %gather3A_94 = tpu.vector_load_idx %arg13[%add3A_63, %add3A_93] : memref<256x128xf32, #tpu.memory_space<vmem>>[vector<16xi32>, vector<16xi32>], vector<16xf32>,
      %add3A_95 = arith.constant 2 : i32
      %add3A_96 = vector.broadcast %add3A_95 : i32 to vector<16xi32>
      %add3A_97 = arith.addi %get3A_70, %add3A_96 : vector<16xi32>
      %gather3A_98 = tpu.vector_load_idx %arg14[%add3A_63, %add3A_97] : memref<256x128xf32, #tpu.memory_space<vmem>>[vector<16xi32>, vector<16xi32>], vector<16xf32>,
      %mul3A_99 = arith.mulf %gather3A_94, %gather3A_98 : vector<16xf32>
      %add3A_100 = arith.addf %add3A_90, %mul3A_99 : vector<16xf32>
      %add3A_101 = arith.constant 3 : i32
      %add3A_102 = vector.broadcast %add3A_101 : i32 to vector<16xi32>
      %add3A_103 = arith.addi %get3A_68, %add3A_102 : vector<16xi32>
      %gather3A_104 = tpu.vector_load_idx %arg13[%add3A_63, %add3A_103] : memref<256x128xf32, #tpu.memory_space<vmem>>[vector<16xi32>, vector<16xi32>], vector<16xf32>,
      %add3A_105 = arith.constant 3 : i32
      %add3A_106 = vector.broadcast %add3A_105 : i32 to vector<16xi32>
      %add3A_107 = arith.addi %get3A_70, %add3A_106 : vector<16xi32>
      %gather3A_108 = tpu.vector_load_idx %arg14[%add3A_63, %add3A_107] : memref<256x128xf32, #tpu.memory_space<vmem>>[vector<16xi32>, vector<16xi32>], vector<16xf32>,
      %mul3A_109 = arith.mulf %gather3A_104, %gather3A_108 : vector<16xf32>
      %add3A_110 = arith.addf %add3A_100, %mul3A_109 : vector<16xf32>
      %add3A_111 = arith.constant 4 : i32
      %add3A_112 = vector.broadcast %add3A_111 : i32 to vector<16xi32>
      %add3A_113 = arith.addi %get3A_68, %add3A_112 : vector<16xi32>
      %gather3A_114 = tpu.vector_load_idx %arg13[%add3A_63, %add3A_113] : memref<256x128xf32, #tpu.memory_space<vmem>>[vector<16xi32>, vector<16xi32>], vector<16xf32>,
      %add3A_115 = arith.constant 4 : i32
      %add3A_116 = vector.broadcast %add3A_115 : i32 to vector<16xi32>
      %add3A_117 = arith.addi %get3A_70, %add3A_116 : vector<16xi32>
      %gather3A_118 = tpu.vector_load_idx %arg14[%add3A_63, %add3A_117] : memref<256x128xf32, #tpu.memory_space<vmem>>[vector<16xi32>, vector<16xi32>], vector<16xf32>,
      %mul3A_119 = arith.mulf %gather3A_114, %gather3A_118 : vector<16xf32>
      %add3A_120 = arith.addf %add3A_110, %mul3A_119 : vector<16xf32>
      %add3A_121 = arith.constant 5 : i32
      %add3A_122 = vector.broadcast %add3A_121 : i32 to vector<16xi32>
      %add3A_123 = arith.addi %get3A_68, %add3A_122 : vector<16xi32>
      %gather3A_124 = tpu.vector_load_idx %arg13[%add3A_63, %add3A_123] : memref<256x128xf32, #tpu.memory_space<vmem>>[vector<16xi32>, vector<16xi32>], vector<16xf32>,
      %add3A_125 = arith.constant 5 : i32
      %add3A_126 = vector.broadcast %add3A_125 : i32 to vector<16xi32>
      %add3A_127 = arith.addi %get3A_70, %add3A_126 : vector<16xi32>
      %gather3A_128 = tpu.vector_load_idx %arg14[%add3A_63, %add3A_127] : memref<256x128xf32, #tpu.memory_space<vmem>>[vector<16xi32>, vector<16xi32>], vector<16xf32>,
      %mul3A_129 = arith.mulf %gather3A_124, %gather3A_128 : vector<16xf32>
      %add3A_130 = arith.addf %add3A_120, %mul3A_129 : vector<16xf32>
      %add3A_131 = arith.constant 6 : i32
      %add3A_132 = vector.broadcast %add3A_131 : i32 to vector<16xi32>
      %add3A_133 = arith.addi %get3A_68, %add3A_132 : vector<16xi32>
      %gather3A_134 = tpu.vector_load_idx %arg13[%add3A_63, %add3A_133] : memref<256x128xf32, #tpu.memory_space<vmem>>[vector<16xi32>, vector<16xi32>], vector<16xf32>,
      %add3A_135 = arith.constant 6 : i32
      %add3A_136 = vector.broadcast %add3A_135 : i32 to vector<16xi32>
      %add3A_137 = arith.addi %get3A_70, %add3A_136 : vector<16xi32>
      %gather3A_138 = tpu.vector_load_idx %arg14[%add3A_63, %add3A_137] : memref<256x128xf32, #tpu.memory_space<vmem>>[vector<16xi32>, vector<16xi32>], vector<16xf32>,
      %mul3A_139 = arith.mulf %gather3A_134, %gather3A_138 : vector<16xf32>
      %add3A_140 = arith.addf %add3A_130, %mul3A_139 : vector<16xf32>
      %add3A_141 = arith.constant 7 : i32
      %add3A_142 = vector.broadcast %add3A_141 : i32 to vector<16xi32>
      %add3A_143 = arith.addi %get3A_68, %add3A_142 : vector<16xi32>
      %gather3A_144 = tpu.vector_load_idx %arg13[%add3A_63, %add3A_143] : memref<256x128xf32, #tpu.memory_space<vmem>>[vector<16xi32>, vector<16xi32>], vector<16xf32>,
      %add3A_145 = arith.constant 7 : i32
      %add3A_146 = vector.broadcast %add3A_145 : i32 to vector<16xi32>
      %add3A_147 = arith.addi %get3A_70, %add3A_146 : vector<16xi32>
      %gather3A_148 = tpu.vector_load_idx %arg14[%add3A_63, %add3A_147] : memref<256x128xf32, #tpu.memory_space<vmem>>[vector<16xi32>, vector<16xi32>], vector<16xf32>,
      %mul3A_149 = arith.mulf %gather3A_144, %gather3A_148 : vector<16xf32>
      %add3A_150 = arith.addf %add3A_140, %mul3A_149 : vector<16xf32>
      %add3A_151 = arith.constant 8 : i32
      %add3A_152 = vector.broadcast %add3A_151 : i32 to vector<16xi32>
      %add3A_153 = arith.addi %get3A_68, %add3A_152 : vector<16xi32>
      %gather3A_154 = tpu.vector_load_idx %arg13[%add3A_63, %add3A_153] : memref<256x128xf32, #tpu.memory_space<vmem>>[vector<16xi32>, vector<16xi32>], vector<16xf32>,
      %add3A_155 = arith.constant 8 : i32
      %add3A_156 = vector.broadcast %add3A_155 : i32 to vector<16xi32>
      %add3A_157 = arith.addi %get3A_70, %add3A_156 : vector<16xi32>
      %gather3A_158 = tpu.vector_load_idx %arg14[%add3A_63, %add3A_157] : memref<256x128xf32, #tpu.memory_space<vmem>>[vector<16xi32>, vector<16xi32>], vector<16xf32>,
      %mul3A_159 = arith.mulf %gather3A_154, %gather3A_158 : vector<16xf32>
      %add3A_160 = arith.addf %add3A_150, %mul3A_159 : vector<16xf32>
      %add3A_161 = arith.constant 9 : i32
      %add3A_162 = vector.broadcast %add3A_161 : i32 to vector<16xi32>
      %add3A_163 = arith.addi %get3A_68, %add3A_162 : vector<16xi32>
      %gather3A_164 = tpu.vector_load_idx %arg13[%add3A_63, %add3A_163] : memref<256x128xf32, #tpu.memory_space<vmem>>[vector<16xi32>, vector<16xi32>], vector<16xf32>,
      %add3A_165 = arith.constant 9 : i32
      %add3A_166 = vector.broadcast %add3A_165 : i32 to vector<16xi32>
      %add3A_167 = arith.addi %get3A_70, %add3A_166 : vector<16xi32>
      %gather3A_168 = tpu.vector_load_idx %arg14[%add3A_63, %add3A_167] : memref<256x128xf32, #tpu.memory_space<vmem>>[vector<16xi32>, vector<16xi32>], vector<16xf32>,
      %mul3A_169 = arith.mulf %gather3A_164, %gather3A_168 : vector<16xf32>
      %add3A_170 = arith.addf %add3A_160, %mul3A_169 : vector<16xf32>
      %add3A_171 = arith.constant 10 : i32
      %add3A_172 = vector.broadcast %add3A_171 : i32 to vector<16xi32>
      %add3A_173 = arith.addi %get3A_68, %add3A_172 : vector<16xi32>
      %gather3A_174 = tpu.vector_load_idx %arg13[%add3A_63, %add3A_173] : memref<256x128xf32, #tpu.memory_space<vmem>>[vector<16xi32>, vector<16xi32>], vector<16xf32>,
      %add3A_175 = arith.constant 10 : i32
      %add3A_176 = vector.broadcast %add3A_175 : i32 to vector<16xi32>
      %add3A_177 = arith.addi %get3A_70, %add3A_176 : vector<16xi32>
      %gather3A_178 = tpu.vector_load_idx %arg14[%add3A_63, %add3A_177] : memref<256x128xf32, #tpu.memory_space<vmem>>[vector<16xi32>, vector<16xi32>], vector<16xf32>,
      %mul3A_179 = arith.mulf %gather3A_174, %gather3A_178 : vector<16xf32>
      %add3A_180 = arith.addf %add3A_170, %mul3A_179 : vector<16xf32>
      %add3A_181 = arith.constant 11 : i32
      %add3A_182 = vector.broadcast %add3A_181 : i32 to vector<16xi32>
      %add3A_183 = arith.addi %get3A_68, %add3A_182 : vector<16xi32>
      %gather3A_184 = tpu.vector_load_idx %arg13[%add3A_63, %add3A_183] : memref<256x128xf32, #tpu.memory_space<vmem>>[vector<16xi32>, vector<16xi32>], vector<16xf32>,
      %add3A_185 = arith.constant 11 : i32
      %add3A_186 = vector.broadcast %add3A_185 : i32 to vector<16xi32>
      %add3A_187 = arith.addi %get3A_70, %add3A_186 : vector<16xi32>
      %gather3A_188 = tpu.vector_load_idx %arg14[%add3A_63, %add3A_187] : memref<256x128xf32, #tpu.memory_space<vmem>>[vector<16xi32>, vector<16xi32>], vector<16xf32>,
      %mul3A_189 = arith.mulf %gather3A_184, %gather3A_188 : vector<16xf32>
      %add3A_190 = arith.addf %add3A_180, %mul3A_189 : vector<16xf32>
      %add3A_191 = arith.constant 12 : i32
      %add3A_192 = vector.broadcast %add3A_191 : i32 to vector<16xi32>
      %add3A_193 = arith.addi %get3A_68, %add3A_192 : vector<16xi32>
      %gather3A_194 = tpu.vector_load_idx %arg13[%add3A_63, %add3A_193] : memref<256x128xf32, #tpu.memory_space<vmem>>[vector<16xi32>, vector<16xi32>], vector<16xf32>,
      %add3A_195 = arith.constant 12 : i32
      %add3A_196 = vector.broadcast %add3A_195 : i32 to vector<16xi32>
      %add3A_197 = arith.addi %get3A_70, %add3A_196 : vector<16xi32>
      %gather3A_198 = tpu.vector_load_idx %arg14[%add3A_63, %add3A_197] : memref<256x128xf32, #tpu.memory_space<vmem>>[vector<16xi32>, vector<16xi32>], vector<16xf32>,
      %mul3A_199 = arith.mulf %gather3A_194, %gather3A_198 : vector<16xf32>
      %add3A_200 = arith.addf %add3A_190, %mul3A_199 : vector<16xf32>
      %add3A_201 = arith.constant 13 : i32
      %add3A_202 = vector.broadcast %add3A_201 : i32 to vector<16xi32>
      %add3A_203 = arith.addi %get3A_68, %add3A_202 : vector<16xi32>
      %gather3A_204 = tpu.vector_load_idx %arg13[%add3A_63, %add3A_203] : memref<256x128xf32, #tpu.memory_space<vmem>>[vector<16xi32>, vector<16xi32>], vector<16xf32>,
      %add3A_205 = arith.constant 13 : i32
      %add3A_206 = vector.broadcast %add3A_205 : i32 to vector<16xi32>
      %add3A_207 = arith.addi %get3A_70, %add3A_206 : vector<16xi32>
      %gather3A_208 = tpu.vector_load_idx %arg14[%add3A_63, %add3A_207] : memref<256x128xf32, #tpu.memory_space<vmem>>[vector<16xi32>, vector<16xi32>], vector<16xf32>,
      %mul3A_209 = arith.mulf %gather3A_204, %gather3A_208 : vector<16xf32>
      %add3A_210 = arith.addf %add3A_200, %mul3A_209 : vector<16xf32>
      %add3A_211 = arith.constant 14 : i32
      %add3A_212 = vector.broadcast %add3A_211 : i32 to vector<16xi32>
      %add3A_213 = arith.addi %get3A_68, %add3A_212 : vector<16xi32>
      %gather3A_214 = tpu.vector_load_idx %arg13[%add3A_63, %add3A_213] : memref<256x128xf32, #tpu.memory_space<vmem>>[vector<16xi32>, vector<16xi32>], vector<16xf32>,
      %add3A_215 = arith.constant 14 : i32
      %add3A_216 = vector.broadcast %add3A_215 : i32 to vector<16xi32>
      %add3A_217 = arith.addi %get3A_70, %add3A_216 : vector<16xi32>
      %gather3A_218 = tpu.vector_load_idx %arg14[%add3A_63, %add3A_217] : memref<256x128xf32, #tpu.memory_space<vmem>>[vector<16xi32>, vector<16xi32>], vector<16xf32>,
      %mul3A_219 = arith.mulf %gather3A_214, %gather3A_218 : vector<16xf32>
      %add3A_220 = arith.addf %add3A_210, %mul3A_219 : vector<16xf32>
      %add3A_221 = arith.constant 15 : i32
      %add3A_222 = vector.broadcast %add3A_221 : i32 to vector<16xi32>
      %add3A_223 = arith.addi %get3A_68, %add3A_222 : vector<16xi32>
      %gather3A_224 = tpu.vector_load_idx %arg13[%add3A_63, %add3A_223] : memref<256x128xf32, #tpu.memory_space<vmem>>[vector<16xi32>, vector<16xi32>], vector<16xf32>,
      %add3A_225 = arith.constant 15 : i32
      %add3A_226 = vector.broadcast %add3A_225 : i32 to vector<16xi32>
      %add3A_227 = arith.addi %get3A_70, %add3A_226 : vector<16xi32>
      %gather3A_228 = tpu.vector_load_idx %arg14[%add3A_63, %add3A_227] : memref<256x128xf32, #tpu.memory_space<vmem>>[vector<16xi32>, vector<16xi32>], vector<16xf32>,
      %mul3A_229 = arith.mulf %gather3A_224, %gather3A_228 : vector<16xf32>
      %add3A_230 = arith.addf %add3A_220, %mul3A_229 : vector<16xf32>
      %add3A_231 = arith.constant 16 : i32
      %add3A_232 = vector.broadcast %add3A_231 : i32 to vector<16xi32>
      %add3A_233 = arith.addi %get3A_68, %add3A_232 : vector<16xi32>
      %gather3A_234 = tpu.vector_load_idx %arg13[%add3A_63, %add3A_233] : memref<256x128xf32, #tpu.memory_space<vmem>>[vector<16xi32>, vector<16xi32>], vector<16xf32>,
      %add3A_235 = arith.constant 16 : i32
      %add3A_236 = vector.broadcast %add3A_235 : i32 to vector<16xi32>
      %add3A_237 = arith.addi %get3A_70, %add3A_236 : vector<16xi32>
      %gather3A_238 = tpu.vector_load_idx %arg14[%add3A_63, %add3A_237] : memref<256x128xf32, #tpu.memory_space<vmem>>[vector<16xi32>, vector<16xi32>], vector<16xf32>,
      %mul3A_239 = arith.mulf %gather3A_234, %gather3A_238 : vector<16xf32>
      %add3A_240 = arith.addf %add3A_230, %mul3A_239 : vector<16xf32>
      %add3A_241 = arith.constant 17 : i32
      %add3A_242 = vector.broadcast %add3A_241 : i32 to vector<16xi32>
      %add3A_243 = arith.addi %get3A_68, %add3A_242 : vector<16xi32>
      %gather3A_244 = tpu.vector_load_idx %arg13[%add3A_63, %add3A_243] : memref<256x128xf32, #tpu.memory_space<vmem>>[vector<16xi32>, vector<16xi32>], vector<16xf32>,
      %add3A_245 = arith.constant 17 : i32
      %add3A_246 = vector.broadcast %add3A_245 : i32 to vector<16xi32>
      %add3A_247 = arith.addi %get3A_70, %add3A_246 : vector<16xi32>
      %gather3A_248 = tpu.vector_load_idx %arg14[%add3A_63, %add3A_247] : memref<256x128xf32, #tpu.memory_space<vmem>>[vector<16xi32>, vector<16xi32>], vector<16xf32>,
      %mul3A_249 = arith.mulf %gather3A_244, %gather3A_248 : vector<16xf32>
      %add3A_250 = arith.addf %add3A_240, %mul3A_249 : vector<16xf32>
      %add3A_251 = arith.constant 18 : i32
      %add3A_252 = vector.broadcast %add3A_251 : i32 to vector<16xi32>
      %add3A_253 = arith.addi %get3A_68, %add3A_252 : vector<16xi32>
      %gather3A_254 = tpu.vector_load_idx %arg13[%add3A_63, %add3A_253] : memref<256x128xf32, #tpu.memory_space<vmem>>[vector<16xi32>, vector<16xi32>], vector<16xf32>,
      %add3A_255 = arith.constant 18 : i32
      %add3A_256 = vector.broadcast %add3A_255 : i32 to vector<16xi32>
      %add3A_257 = arith.addi %get3A_70, %add3A_256 : vector<16xi32>
      %gather3A_258 = tpu.vector_load_idx %arg14[%add3A_63, %add3A_257] : memref<256x128xf32, #tpu.memory_space<vmem>>[vector<16xi32>, vector<16xi32>], vector<16xf32>,
      %mul3A_259 = arith.mulf %gather3A_254, %gather3A_258 : vector<16xf32>
      %add3A_260 = arith.addf %add3A_250, %mul3A_259 : vector<16xf32>
      %add3A_261 = arith.constant 19 : i32
      %add3A_262 = vector.broadcast %add3A_261 : i32 to vector<16xi32>
      %add3A_263 = arith.addi %get3A_68, %add3A_262 : vector<16xi32>
      %gather3A_264 = tpu.vector_load_idx %arg13[%add3A_63, %add3A_263] : memref<256x128xf32, #tpu.memory_space<vmem>>[vector<16xi32>, vector<16xi32>], vector<16xf32>,
      %add3A_265 = arith.constant 19 : i32
      %add3A_266 = vector.broadcast %add3A_265 : i32 to vector<16xi32>
      %add3A_267 = arith.addi %get3A_70, %add3A_266 : vector<16xi32>
      %gather3A_268 = tpu.vector_load_idx %arg14[%add3A_63, %add3A_267] : memref<256x128xf32, #tpu.memory_space<vmem>>[vector<16xi32>, vector<16xi32>], vector<16xf32>,
      %mul3A_269 = arith.mulf %gather3A_264, %gather3A_268 : vector<16xf32>
      %add3A_270 = arith.addf %add3A_260, %mul3A_269 : vector<16xf32>
      %add3A_271 = arith.constant 20 : i32
      %add3A_272 = vector.broadcast %add3A_271 : i32 to vector<16xi32>
      %add3A_273 = arith.addi %get3A_68, %add3A_272 : vector<16xi32>
      %gather3A_274 = tpu.vector_load_idx %arg13[%add3A_63, %add3A_273] : memref<256x128xf32, #tpu.memory_space<vmem>>[vector<16xi32>, vector<16xi32>], vector<16xf32>,
      %add3A_275 = arith.constant 20 : i32
      %add3A_276 = vector.broadcast %add3A_275 : i32 to vector<16xi32>
      %add3A_277 = arith.addi %get3A_70, %add3A_276 : vector<16xi32>
      %gather3A_278 = tpu.vector_load_idx %arg14[%add3A_63, %add3A_277] : memref<256x128xf32, #tpu.memory_space<vmem>>[vector<16xi32>, vector<16xi32>], vector<16xf32>,
      %mul3A_279 = arith.mulf %gather3A_274, %gather3A_278 : vector<16xf32>
      %add3A_280 = arith.addf %add3A_270, %mul3A_279 : vector<16xf32>
      %add3A_281 = arith.constant 21 : i32
      %add3A_282 = vector.broadcast %add3A_281 : i32 to vector<16xi32>
      %add3A_283 = arith.addi %get3A_68, %add3A_282 : vector<16xi32>
      %gather3A_284 = tpu.vector_load_idx %arg13[%add3A_63, %add3A_283] : memref<256x128xf32, #tpu.memory_space<vmem>>[vector<16xi32>, vector<16xi32>], vector<16xf32>,
      %add3A_285 = arith.constant 21 : i32
      %add3A_286 = vector.broadcast %add3A_285 : i32 to vector<16xi32>
      %add3A_287 = arith.addi %get3A_70, %add3A_286 : vector<16xi32>
      %gather3A_288 = tpu.vector_load_idx %arg14[%add3A_63, %add3A_287] : memref<256x128xf32, #tpu.memory_space<vmem>>[vector<16xi32>, vector<16xi32>], vector<16xf32>,
      %mul3A_289 = arith.mulf %gather3A_284, %gather3A_288 : vector<16xf32>
      %add3A_290 = arith.addf %add3A_280, %mul3A_289 : vector<16xf32>
      %add3A_291 = arith.constant 22 : i32
      %add3A_292 = vector.broadcast %add3A_291 : i32 to vector<16xi32>
      %add3A_293 = arith.addi %get3A_68, %add3A_292 : vector<16xi32>
      %gather3A_294 = tpu.vector_load_idx %arg13[%add3A_63, %add3A_293] : memref<256x128xf32, #tpu.memory_space<vmem>>[vector<16xi32>, vector<16xi32>], vector<16xf32>,
      %add3A_295 = arith.constant 22 : i32
      %add3A_296 = vector.broadcast %add3A_295 : i32 to vector<16xi32>
      %add3A_297 = arith.addi %get3A_70, %add3A_296 : vector<16xi32>
      %gather3A_298 = tpu.vector_load_idx %arg14[%add3A_63, %add3A_297] : memref<256x128xf32, #tpu.memory_space<vmem>>[vector<16xi32>, vector<16xi32>], vector<16xf32>,
      %mul3A_299 = arith.mulf %gather3A_294, %gather3A_298 : vector<16xf32>
      %add3A_300 = arith.addf %add3A_290, %mul3A_299 : vector<16xf32>
      %add3A_301 = arith.constant 23 : i32
      %add3A_302 = vector.broadcast %add3A_301 : i32 to vector<16xi32>
      %add3A_303 = arith.addi %get3A_68, %add3A_302 : vector<16xi32>
      %gather3A_304 = tpu.vector_load_idx %arg13[%add3A_63, %add3A_303] : memref<256x128xf32, #tpu.memory_space<vmem>>[vector<16xi32>, vector<16xi32>], vector<16xf32>,
      %add3A_305 = arith.constant 23 : i32
      %add3A_306 = vector.broadcast %add3A_305 : i32 to vector<16xi32>
      %add3A_307 = arith.addi %get3A_70, %add3A_306 : vector<16xi32>
      %gather3A_308 = tpu.vector_load_idx %arg14[%add3A_63, %add3A_307] : memref<256x128xf32, #tpu.memory_space<vmem>>[vector<16xi32>, vector<16xi32>], vector<16xf32>,
      %mul3A_309 = arith.mulf %gather3A_304, %gather3A_308 : vector<16xf32>
      %add3A_310 = arith.addf %add3A_300, %mul3A_309 : vector<16xf32>
      %add3A_311 = arith.constant 24 : i32
      %add3A_312 = vector.broadcast %add3A_311 : i32 to vector<16xi32>
      %add3A_313 = arith.addi %get3A_68, %add3A_312 : vector<16xi32>
      %gather3A_314 = tpu.vector_load_idx %arg13[%add3A_63, %add3A_313] : memref<256x128xf32, #tpu.memory_space<vmem>>[vector<16xi32>, vector<16xi32>], vector<16xf32>,
      %add3A_315 = arith.constant 24 : i32
      %add3A_316 = vector.broadcast %add3A_315 : i32 to vector<16xi32>
      %add3A_317 = arith.addi %get3A_70, %add3A_316 : vector<16xi32>
      %gather3A_318 = tpu.vector_load_idx %arg14[%add3A_63, %add3A_317] : memref<256x128xf32, #tpu.memory_space<vmem>>[vector<16xi32>, vector<16xi32>], vector<16xf32>,
      %mul3A_319 = arith.mulf %gather3A_314, %gather3A_318 : vector<16xf32>
      %add3A_320 = arith.addf %add3A_310, %mul3A_319 : vector<16xf32>
      %add3A_321 = arith.constant 25 : i32
      %add3A_322 = vector.broadcast %add3A_321 : i32 to vector<16xi32>
      %add3A_323 = arith.addi %get3A_68, %add3A_322 : vector<16xi32>
      %gather3A_324 = tpu.vector_load_idx %arg13[%add3A_63, %add3A_323] : memref<256x128xf32, #tpu.memory_space<vmem>>[vector<16xi32>, vector<16xi32>], vector<16xf32>,
      %add3A_325 = arith.constant 25 : i32
      %add3A_326 = vector.broadcast %add3A_325 : i32 to vector<16xi32>
      %add3A_327 = arith.addi %get3A_70, %add3A_326 : vector<16xi32>
      %gather3A_328 = tpu.vector_load_idx %arg14[%add3A_63, %add3A_327] : memref<256x128xf32, #tpu.memory_space<vmem>>[vector<16xi32>, vector<16xi32>], vector<16xf32>,
      %mul3A_329 = arith.mulf %gather3A_324, %gather3A_328 : vector<16xf32>
      %add3A_330 = arith.addf %add3A_320, %mul3A_329 : vector<16xf32>
      %add3A_331 = arith.constant 26 : i32
      %add3A_332 = vector.broadcast %add3A_331 : i32 to vector<16xi32>
      %add3A_333 = arith.addi %get3A_68, %add3A_332 : vector<16xi32>
      %gather3A_334 = tpu.vector_load_idx %arg13[%add3A_63, %add3A_333] : memref<256x128xf32, #tpu.memory_space<vmem>>[vector<16xi32>, vector<16xi32>], vector<16xf32>,
      %add3A_335 = arith.constant 26 : i32
      %add3A_336 = vector.broadcast %add3A_335 : i32 to vector<16xi32>
      %add3A_337 = arith.addi %get3A_70, %add3A_336 : vector<16xi32>
      %gather3A_338 = tpu.vector_load_idx %arg14[%add3A_63, %add3A_337] : memref<256x128xf32, #tpu.memory_space<vmem>>[vector<16xi32>, vector<16xi32>], vector<16xf32>,
      %mul3A_339 = arith.mulf %gather3A_334, %gather3A_338 : vector<16xf32>
      %add3A_340 = arith.addf %add3A_330, %mul3A_339 : vector<16xf32>
      %add3A_341 = arith.constant 27 : i32
      %add3A_342 = vector.broadcast %add3A_341 : i32 to vector<16xi32>
      %add3A_343 = arith.addi %get3A_68, %add3A_342 : vector<16xi32>
      %gather3A_344 = tpu.vector_load_idx %arg13[%add3A_63, %add3A_343] : memref<256x128xf32, #tpu.memory_space<vmem>>[vector<16xi32>, vector<16xi32>], vector<16xf32>,
      %add3A_345 = arith.constant 27 : i32
      %add3A_346 = vector.broadcast %add3A_345 : i32 to vector<16xi32>
      %add3A_347 = arith.addi %get3A_70, %add3A_346 : vector<16xi32>
      %gather3A_348 = tpu.vector_load_idx %arg14[%add3A_63, %add3A_347] : memref<256x128xf32, #tpu.memory_space<vmem>>[vector<16xi32>, vector<16xi32>], vector<16xf32>,
      %mul3A_349 = arith.mulf %gather3A_344, %gather3A_348 : vector<16xf32>
      %add3A_350 = arith.addf %add3A_340, %mul3A_349 : vector<16xf32>
      %add3A_351 = arith.constant 28 : i32
      %add3A_352 = vector.broadcast %add3A_351 : i32 to vector<16xi32>
      %add3A_353 = arith.addi %get3A_68, %add3A_352 : vector<16xi32>
      %gather3A_354 = tpu.vector_load_idx %arg13[%add3A_63, %add3A_353] : memref<256x128xf32, #tpu.memory_space<vmem>>[vector<16xi32>, vector<16xi32>], vector<16xf32>,
      %add3A_355 = arith.constant 28 : i32
      %add3A_356 = vector.broadcast %add3A_355 : i32 to vector<16xi32>
      %add3A_357 = arith.addi %get3A_70, %add3A_356 : vector<16xi32>
      %gather3A_358 = tpu.vector_load_idx %arg14[%add3A_63, %add3A_357] : memref<256x128xf32, #tpu.memory_space<vmem>>[vector<16xi32>, vector<16xi32>], vector<16xf32>,
      %mul3A_359 = arith.mulf %gather3A_354, %gather3A_358 : vector<16xf32>
      %add3A_360 = arith.addf %add3A_350, %mul3A_359 : vector<16xf32>
      %add3A_361 = arith.constant 29 : i32
      %add3A_362 = vector.broadcast %add3A_361 : i32 to vector<16xi32>
      %add3A_363 = arith.addi %get3A_68, %add3A_362 : vector<16xi32>
      %gather3A_364 = tpu.vector_load_idx %arg13[%add3A_63, %add3A_363] : memref<256x128xf32, #tpu.memory_space<vmem>>[vector<16xi32>, vector<16xi32>], vector<16xf32>,
      %add3A_365 = arith.constant 29 : i32
      %add3A_366 = vector.broadcast %add3A_365 : i32 to vector<16xi32>
      %add3A_367 = arith.addi %get3A_70, %add3A_366 : vector<16xi32>
      %gather3A_368 = tpu.vector_load_idx %arg14[%add3A_63, %add3A_367] : memref<256x128xf32, #tpu.memory_space<vmem>>[vector<16xi32>, vector<16xi32>], vector<16xf32>,
      %mul3A_369 = arith.mulf %gather3A_364, %gather3A_368 : vector<16xf32>
      %add3A_370 = arith.addf %add3A_360, %mul3A_369 : vector<16xf32>
      %add3A_371 = arith.constant 30 : i32
      %add3A_372 = vector.broadcast %add3A_371 : i32 to vector<16xi32>
      %add3A_373 = arith.addi %get3A_68, %add3A_372 : vector<16xi32>
      %gather3A_374 = tpu.vector_load_idx %arg13[%add3A_63, %add3A_373] : memref<256x128xf32, #tpu.memory_space<vmem>>[vector<16xi32>, vector<16xi32>], vector<16xf32>,
      %add3A_375 = arith.constant 30 : i32
      %add3A_376 = vector.broadcast %add3A_375 : i32 to vector<16xi32>
      %add3A_377 = arith.addi %get3A_70, %add3A_376 : vector<16xi32>
      %gather3A_378 = tpu.vector_load_idx %arg14[%add3A_63, %add3A_377] : memref<256x128xf32, #tpu.memory_space<vmem>>[vector<16xi32>, vector<16xi32>], vector<16xf32>,
      %mul3A_379 = arith.mulf %gather3A_374, %gather3A_378 : vector<16xf32>
      %add3A_380 = arith.addf %add3A_370, %mul3A_379 : vector<16xf32>
      %add3A_381 = arith.constant 31 : i32
      %add3A_382 = vector.broadcast %add3A_381 : i32 to vector<16xi32>
      %add3A_383 = arith.addi %get3A_68, %add3A_382 : vector<16xi32>
      %gather3A_384 = tpu.vector_load_idx %arg13[%add3A_63, %add3A_383] : memref<256x128xf32, #tpu.memory_space<vmem>>[vector<16xi32>, vector<16xi32>], vector<16xf32>,
      %add3A_385 = arith.constant 31 : i32
      %add3A_386 = vector.broadcast %add3A_385 : i32 to vector<16xi32>
      %add3A_387 = arith.addi %get3A_70, %add3A_386 : vector<16xi32>
      %gather3A_388 = tpu.vector_load_idx %arg14[%add3A_63, %add3A_387] : memref<256x128xf32, #tpu.memory_space<vmem>>[vector<16xi32>, vector<16xi32>], vector<16xf32>,
      %mul3A_389 = arith.mulf %gather3A_384, %gather3A_388 : vector<16xf32>
      %add3A_390 = arith.addf %add3A_380, %mul3A_389 : vector<16xf32>
      %swap3A = arith.index_cast %add3A_67 : i32 to index
      %swap3A_391 = tpu.vector_load %arg15[%swap3A] {strides = array<i32>} : memref<512xf32, #tpu.memory_space<vmem>>, vector<16xf32>,
      tpu.vector_store %arg15[%swap3A], %add3A_390 {strides = array<i32>} : memref<512xf32, #tpu.memory_space<vmem>>, vector<16xf32>,
    }
    %scan3A_54 = arith.constant 16 : i32
    "tpu.region"() ({
      %run_scoped3A = tpu.sem_alloc : memref<!tpu.dma_semaphore, #tpu.memory_space<semaphore_mem>>
      %dma_start3A_55 = tpu.memref_slice %arg6[%mul3A_2] : memref<16384xf32, #tpu.memory_space<hbm>> -> memref<512xf32, #tpu.memory_space<hbm>>
      %dma_start3A_56 = tpu.memref_slice %arg6[%mul3A_2] : memref<16384xf32, #tpu.memory_space<hbm>> -> memref<512xf32, #tpu.memory_space<hbm>>
      tpu.enqueue_dma source(%arg15 : memref<512xf32, #tpu.memory_space<vmem>>) target(%dma_start3A_56 : memref<512xf32, #tpu.memory_space<hbm>>) target_semaphore(%run_scoped3A : memref<!tpu.dma_semaphore, #tpu.memory_space<semaphore_mem>>)
      %dma_wait3A_57 = tpu.memref_slice %arg6[%mul3A_2] : memref<16384xf32, #tpu.memory_space<hbm>> -> memref<512xf32, #tpu.memory_space<hbm>>
      %dma_wait3A_58 = tpu.memref_slice %arg6[%mul3A_2] : memref<16384xf32, #tpu.memory_space<hbm>> -> memref<512xf32, #tpu.memory_space<hbm>>
      tpu.wait_dma2 semaphore(%run_scoped3A : memref<!tpu.dma_semaphore, #tpu.memory_space<semaphore_mem>>) src(%arg15 : memref<512xf32, #tpu.memory_space<vmem>>) dst(%dma_wait3A_58 : memref<512xf32, #tpu.memory_space<hbm>>)
      tpu.yield
    }) : () -> ()
    return
  }
}

</mosaic_0001>

<sc_bundles>
// kernel: kernel.3.cloned.1.call-start
scs
__scs_entry_jumppad:
0x0: {  	(pc) =	sbr.rel $0x88, $3  }
0x1: {  	(tag) =	ssettag $0x0;
	lr =	simm.s32 $0x1  }
0x2: {  	[smem:$0x3F9D] =	sst lr;
	_ =	strace $0xD0000000  }
0x3: {  	_ = 	snop  }
0x4: {  	_ = 	snop  }
0x5: {  	_ = 	snop  }
0x6: {  	_ = 	snop  }
0x7: {  	_ = 	snop  }
__scs_overlays_trampoline_lowered:
0x8: {  	[smem:$0x3FAC] =	sst s0  }
0x9: {  	[smem:$0x3FAD] =	sst s1  }
0xa: {  	[smem:$0x3FAE] =	sst s2  }
0xb: {  	[smem:$0x3FAF] =	sst s3  }
0xc: {  	[smem:$0x3FB0] =	sst s4  }
0xd: {  	[smem:$0x3FB1] =	sst s5  }
0xe: {  	[smem:$0x3FB2] =	sst s6  }
0xf: {  	[smem:$0x3FB3] =	sst s7  }
0x10: {  	[smem:$0x3FB4] =	sst s8  }
0x11: {  	[smem:$0x3FB5] =	sst s9;
	s0 =	simm.s32 @!p0 $0x0  }
0x12: {  	s1 =	sld [smem:$0x3F9B];
	s0 =	simm.s32 @p0 $0x1  }
0x13: {  	[smem:$0x3FB6] =	sst s0;
	s0 =	simm.s32 @!p1 $0x0  }
0x14: {  	s2 =	sld [smem:$0x3F9A];
	s0 =	simm.s32 @p1 $0x1  }
0x15: {  	[smem:$0x3FB7] =	sst s0;
	s0 =	simm.s32 @!p2 $0x0  }
0x16: {  	s3 =	sld [smem:$0x3FDB];
	s0 =	simm.s32 @p2 $0x1  }
0x17: {  	s4 =	simm.s32 $0x1BF5;
	[smem:$0x3FB9] =	sst s0  }
0x18: {  	s0 =	sld [smem:$0x3F9C];
	_ =	swait.ge [sflag:s4], $0x0  }
0x19: {  	s7 =	sld [smem:$0x3F9D]  }
0x1a: {  	s8 =	sadd.s32 $0xFFFFE003, lr  }
0x1b: {  	s9 =	sadd.s32 $0xFFFFFEF7, lr;
	s5 =	simm.s32 $0xFFFFFFFF;
	p2 =	slt.u32 s8, $0xFFFFF086  }
0x1c: {  	p1 =	slt.u32 s9, $0xF7A;
	s5 =	simm.s32 @!p2 $0x0  }
0x1d: {  	s5 =	simm.s32 @p1 $0x1;
	p0 =	seq.s32 s7, s2  }
0x1e: {  	s7 =	smul.u32 @!p0 $0xF7A, s2;
	p2 =	seq.s32 @!p0 s5, $0x0  }
0x1f: {  	s9 =	smul.u32 $0xF7A, s1;
	s8 =	simm.s32 @!p0 $0x1BF5;
	p2 =	por !p2, p0  }
0x20: {  	[sflag:s8] =	ssyncset.s32 @!p0 $0xFFFFF086;
	s6 =	sadd.s32 @!p0 s3, s7;
	s7 =	simm.s32 @!p0 $0x108  }
0x21: {  	s3 =	sadd.s32 s3, s9;
	s6 =	sadd.s32 @!p0 $0x88, s6;
	s7 =	simm.s32 @p2 $0x1082  }
0x22: {  	[simem:s7], [sflag:s8] =	dma.local @!p0 [hbm:s6], $0xF7A  }
0x23: {  	s9 =	sor.u32 $0xD0000000, s2;
	s6 =	simm.s32 $0x108;
	_ =	swait.ge @!p0 [sflag:s8], $0x0  }
0x24: {  	s3 =	sadd.s32 $0x88, s3;
	s6 =	simm.s32 @!p1 $0x1082;
	[sflag:s4] =	ssyncset.s32 $0xFFFFF086  }
0x25: {  	[simem:s6], [sflag:s4] =	dma.local [hbm:s3], $0xF7A  }
0x26: {  	[smem:$0x3F9D] =	sst s1;
	(tag) =	ssettag s2;
	_ =	strace s9  }
0x27: {  	s1 =	sld [smem:$0x3FAD]  }
0x28: {  	s2 =	sld [smem:$0x3FAE]  }
0x29: {  	s4 =	sld [smem:$0x3FB0]  }
0x2a: {  	p0 =	seq.s32 s5, $0x0;
	s5 =	sld [smem:$0x3FB1]  }
0x2b: {  	s6 =	sld [smem:$0x3FB2]  }
0x2c: {  	s7 =	sld [smem:$0x3FB3]  }
0x2d: {  	s3 =	simm.s32 $0x108;
	s8 =	sld [smem:$0x3FB4]  }
0x2e: {  	s3 =	simm.s32 @!p0 $0x1082;
	s9 =	sld [smem:$0x3FB5]  }
0x2f: {  	lr =	sadd.s32 s0, s3;
	s0 =	sld [smem:$0x3FAC]  }
0x30: {  	s3 =	sld [smem:$0x3FAF]  }
0x31: {  	[smem:$0x3FB8] =	sst s10  }
0x32: {  	s10 =	sld [smem:$0x3FB6];
	_ =	sdelay $0x3  }
0x33: {  	p0 =	seq.s32 s10, $0x1;
	s10 =	sld [smem:$0x3FB8];
	_ =	sdelay $0x3  }
0x34: {  	[smem:$0x3FB8] =	sst s10  }
0x35: {  	s10 =	sld [smem:$0x3FB7];
	_ =	sdelay $0x3  }
0x36: {  	p1 =	seq.s32 s10, $0x1;
	s10 =	sld [smem:$0x3FB8];
	_ =	sdelay $0x3  }
0x37: {  	[smem:$0x3FB8] =	sst s10  }
0x38: {  	s10 =	sld [smem:$0x3FB9]  }
0x39: {  	_ = 	snop;
	(pc) =	sbr.ind lr, $3  }
0x3a: {  	_ = 	snop  }
0x3b: {  	_ = 	snop  }
0x3c: {  	p2 =	seq.s32 s10, $0x1;
	s10 =	sld [smem:$0x3FB8]  }
0x3d: {  	_ =	shalt  }
0x3e: {  	_ =	shalt  }
0x3f: {  	_ =	shalt  }
0x40: {  	_ =	shalt  }
0x41: {  	_ =	shalt  }
0x42: {  	_ =	shalt  }
0x43: {  	_ =	shalt  }
0x44: {  	_ =	shalt  }
0x45: {  	_ =	shalt  }
0x46: {  	_ =	shalt  }
0x47: {  	_ =	shalt  }
0x48: {  	_ =	shalt  }
0x49: {  	_ =	shalt  }
0x4a: {  	_ =	shalt  }
0x4b: {  	_ =	shalt  }
0x4c: {  	_ =	shalt  }
0x4d: {  	_ =	shalt  }
0x4e: {  	_ =	shalt  }
0x4f: {  	_ =	shalt  }
0x50: {  	_ =	shalt  }
0x51: {  	_ =	shalt  }
0x52: {  	_ =	shalt  }
0x53: {  	_ =	shalt  }
0x54: {  	_ =	shalt  }
0x55: {  	_ =	shalt  }
0x56: {  	_ =	shalt  }
0x57: {  	_ =	shalt  }
0x58: {  	_ =	shalt  }
0x59: {  	_ =	shalt  }
0x5a: {  	_ =	shalt  }
0x5b: {  	_ =	shalt  }
0x5c: {  	_ =	shalt  }
0x5d: {  	_ =	shalt  }
0x5e: {  	_ =	shalt  }
0x5f: {  	_ =	shalt  }
0x60: {  	_ =	shalt  }
0x61: {  	_ =	shalt  }
0x62: {  	_ =	shalt  }
0x63: {  	_ =	shalt  }
0x64: {  	_ =	shalt  }
0x65: {  	_ =	shalt  }
0x66: {  	_ =	shalt  }
0x67: {  	_ =	shalt  }
0x68: {  	_ =	shalt  }
0x69: {  	_ =	shalt  }
0x6a: {  	_ =	shalt  }
0x6b: {  	_ =	shalt  }
0x6c: {  	_ =	shalt  }
0x6d: {  	_ =	shalt  }
0x6e: {  	_ =	shalt  }
0x6f: {  	_ =	shalt  }
0x70: {  	_ =	shalt  }
0x71: {  	_ =	shalt  }
0x72: {  	_ =	shalt  }
0x73: {  	_ =	shalt  }
0x74: {  	_ =	shalt  }
0x75: {  	_ =	shalt  }
0x76: {  	_ =	shalt  }
0x77: {  	_ =	shalt  }
0x78: {  	_ =	shalt  }
0x79: {  	_ =	shalt  }
0x7a: {  	_ =	shalt  }
0x7b: {  	_ =	shalt  }
0x7c: {  	_ =	shalt  }
0x7d: {  	_ =	shalt  }
0x7e: {  	_ =	shalt  }
0x7f: {  	_ =	shalt  }
0x80: {  	_ =	shalt  }
0x81: {  	_ =	shalt  }
0x82: {  	_ =	shalt  }
0x83: {  	_ =	shalt  }
0x84: {  	_ =	shalt  }
0x85: {  	_ =	shalt  }
0x86: {  	_ =	shalt  }
0x87: {  	_ =	shalt  }
.Lfunc_end0:
.L_simem_size_0:
called_computation_lowered:
.L_overlay_start_0:
0x88: {  	s2 =	sld [smem:$0x3FD9]  }
0x89: {  	s3 =	sld [smem:$0x3FFE];
	_ =	sdelay $0x1  }
0x8a: {  	s1 =	srdreg.scid  }
0x8b: {  	s0 =	sand.u32 $0x1, s1  }
0x8c: {  	s17 =	sshll.u32 s0, $0xA;
	s2 =	sadd.s32 s3, s2  }
0x8d: {  	s2 =	sadd.s32 s2, s17  }
0x8e: {  	[smem:$0x3FC4] =	sst s2  }
0x8f: {  	_ = 	snop  }
0x90: {  	s2 =	sld [smem:$0x3FC9]  }
0x91: {  	s18 =	sld [smem:$0x3FC8]  }
0x92: {  	s4 =	sld [smem:$0x3FD0];
	(tm) =	ssettm $0x1  }
0x93: {  	s5 =	sld [smem:$0x3FFB];
	_ =	sdelay $0x3  }
0x94: {  	_ =	strace s5  }
0x95: {  	s5 =	sld [smem:$0x3FFC];
	_ =	sdelay $0x3  }
0x96: {  	_ =	strace s5  }
0x97: {  	s5 =	sld [smem:$0x3FFD];
	_ =	sdelay $0x3  }
0x98: {  	_ =	strace s5  }
0x99: {  	_ =	strace $0x8FFFFFFF  }
0x9a: {  	s19 =	sld [smem:$0x3FDB];
	_ =	sdelay $0x1  }
0x9b: {  	s6 =	simm.s32 $_scs_section_size  }
0x9c: {  	s7 =	simm.s32 $_size__tile_overlayer_lowered;
	s8 =	simm.s32 $_tile_overlayer_lowered  }
0x9d: {  	s22 =	simm.s32 $0x1BFF;
	s21 =	sshll.u32 s8, $0x1;
	s5 =	sadd.s32 s6, s19  }
0x9e: {  	s9 =	simm.s32 $0x0;
	s20 =	sshll.u32 s7, $0x1;
	s7 =	sadd.s32 s21, s5  }
0x9f: {  	[timem:s9], [sflag:s22] =	dma.local [hbm:s7], s20  }
0xa0: {  	_ =	swait.ge [sflag:s22], s20  }
0xa1: {  	s6 =	ssub.s32 $0x0, s20;
	[sflag:s22] =	ssyncset.done $0x0  }
0xa2: {  	[sflag:s22] =	ssyncadd.s32 s6;
	_ =	sdelay $0x1  }
0xa3: {  	s23 =	simm.s32 $0x1B8B  }
0xa4: {  	_ =	swait.ge [sflag:s23], $0x1  }
0xa5: {  	[sflag:s23] =	ssyncset.done $0x0  }
0xa6: {  	s25 =	simm.s32 $0x1B8E;
	s24 =	sld [smem:$0x3FFE];
	[sflag:s23] =	ssyncadd.s32 $0xFFFFFFFF  }
0xa7: {  	s26 =	simm.s32 $execute0_lowered;
	[smem:$0x3FD2] =	sst s25  }
0xa8: {  	s7 =	sshll.u32 s26, $0x1;
	_ =	strace $0x80000046;
	[dreg:$0x1] =	wrdreg $0xFFFFFFFF  }
0xa9: {  	s28 =	simm.s32 $_size_execute0_lowered;
	s5 =	sadd.s32 s5, s7;
	[dreg:$0x0] =	wrdreg $0x0  }
0xaa: {  	s7 =	sshll.u32 s28, $0x1;
	[dreg:$0x2] =	wrdreg s5  }
0xab: {  	[dreg:$0x3] =	wrdreg s7  }
0xac: {  	[dreg:$0x4] =	wrdreg $0xC0  }
0xad: {  	_ =	task [dreg:s9], $0x5FFFF  }
0xae: {  	[dreg:$0x1] =	wrdreg $0xFFFFFFFF  }
0xaf: {  	[dreg:$0x0] =	wrdreg $0x60  }
0xb0: {  	[dreg:$0x2] =	wrdreg s2  }
0xb1: {  	[dreg:$0x3] =	wrdreg s18  }
0xb2: {  	[dreg:$0x4] =	wrdreg s24  }
0xb3: {  	[dreg:$0x5] =	wrdreg s4  }
0xb4: {  	[dreg:$0x6] =	wrdreg $0x9  }
0xb5: {  	_ =	task.clear_ibuf [dreg:s9], $0x7FFFF;
	_ =	strace $0x90000046  }
0xb6: {  	s29 =	simm.s32 $0x9;
	_ =	strace $0x80000048  }
0xb7: {  	_ =	swait.ge [sflag:s29], $0x1  }
0xb8: {  	[sflag:s29] =	ssyncadd.s32 $0xFFFFFFFF  }
0xb9: {  	_ =	strace $0x90000048  }
0xba: {  	_ =	sfence  }
0xbb: {  	s30 =	sld [smem:$0x0];
	_ =	sdelay $0x2  }
0xbc: {  	s31 =	sshll.u32 s1, $0xD;
	s1 =	sshrl.u32 s1, $0x2  }
0xbd: {  	s3 =	sand.u32 $0x4000, s31;
	s1 =	sadd.s32 s1, s30  }
0xbe: {  	s0 =	sor.u32 s3, s0;
	s1 =	sshll.u32 s1, $0x11  }
0xbf: {  	s0 =	sor.u32 s1, s0  }
0xc0: {  	s0 =	sadd.s32 $0x8F2B, s0  }
0xc1: {  	[sflag:s0] =	ssyncadd.remote.s32 $0x1  }
0xc2: {  	_ =	sfence.sel $0xFFFF  }
0xc3: {  	[dreg:$0x0] =	wrdreg $0xFFFFFFFF;
	(pc) =	sbr.abs _section_cstart, $3  }
0xc4: {  	[dreg:$0x1] =	wrdreg $0xFFFFFFFF  }
0xc5: {  	_ =	task.clear_ibuf [dreg:s9], $0x2FFFF;
	_ =	strace $0x9FFFFFFF  }
0xc6: {  	(tm) =	ssettm $0x7FFFFFFF  }
0xc7: {  	_ =	shalt  }
tec
execute0_lowered:
.L_overlay_start_1:
0x0: {  	(tag) =	ssettag $0x1  }
0x1: {  	s5 =	rddreg [dreg:$0x0]  }
0x2: {  	s6 =	rddreg [dreg:$0x1]  }
0x3: {  	s4 =	rddreg [dreg:$0x2]  }
0x4: {  	s7 =	rddreg [dreg:$0x3]  }
0x5: {  	s0 =	rddreg [dreg:$0x4];
	s1 =	simm.s32 $0x0  }
0x6: {  	s8 =	srdreg.scid;
	s2 =	stileid.u32;
	s12 =	simm.s32 $0x400  }
0x7: {  	s13 =	simm.s32 $0xC00;
	s14 =	simm.s32 $0x600;
	s15 =	simm.s32 $0x8C00  }
0x8: {  	s16 =	simm.s32 $0x1;
	s17 =	simm.s32 $0x2;
	s18 =	simm.s32 $0x500  }
0x9: {  	s19 =	simm.s32 $0x700;
	s20 =	simm.s32 $0x10C00;
	s21 =	simm.s32 $0x0  }
0xa: {  	[smem:$0x7FF] =	sst s1;
	s3 =	sadd.s32 $0x187000, s4;
	s8 =	sand.u32 $0x1, s8  }
0xb: {  	s10 =	sshll.u32 s2, $0x7;
	s4 =	sadd.s32 $0xF42A00, s4;
	s9 =	ssub.s32 $0x2, s8  }
0xc: {  	v0 =	vlaneseq.u32;
	_ =	strace $0x80000047;
	s8 =	sshll.u32 s8, $0x6;
	s11 =	sshrl.u32 s9, $0x1  }
0xd: {  	v0 =	vmul.u32 $0x80, v0;
	s8 =	sor.u32 s8, s10;
	s10 =	simm.s32 $0x200;
	s9 =	ssub.s32 s9, s11  }
0xe: {  	s5 =	sadd.s32 s5, s8;
	s6 =	sadd.s32 s6, s8;
	s7 =	sadd.s32 s7, s8  }
0xf: {  	[tilespmem:$0x1FFF0] =	vst v0;
	s11 =	simm.s32 $0x100;
	s8 =	smax.u32 s9, $0x1;
	s9 =	simm.s32 $0x3  }
.LBB2_1:
0x10: {  	[tilespmem:s1], [sflag:$0x3] =	stream.linear.gather [hbm4b:s5+s1], $0x200, $0x38;
	[tilespmem:$0x10E00] =	vst v63  }
0x11: {  	_ =	swait.ge [sflag:s9], $0x200  }
0x12: {  	[sflag:s9] =	ssyncset.done $0x0  }
0x13: {  	[sflag:s9] =	ssyncadd.s32 $0xFFFFFE00  }
0x14: {  	[tilespmem:s10], [sflag:$0x3] =	stream.linear.gather [hbm4b:s6+s1], $0x200, $0x38;
	[tilespmem:$0x10E00] =	vst v63  }
0x15: {  	_ =	swait.ge [sflag:s9], $0x200  }
0x16: {  	[sflag:s9] =	ssyncset.done $0x0  }
0x17: {  	s22 =	simm.s32 $0x0;
	[sflag:s9] =	ssyncadd.s32 $0xFFFFFE00  }
0x18: {  	v2 =	vld [tilespmem:s22+$0x200]  }
0x19: {  	v1 =	vld [tilespmem:s22+$0x0];
	_ =	sdelay $0x1  }
0x1a: {  	s23 =	simm.s32 $0x40  }
.LBB2_2:
0x1b: {  	p0 =	sne.s32 s23, $0x7C0  }
.Ltmp0:
0x1c: {  	s24 =	sshra.s32 s23, $0x2;
	s23 =	sadd.s32 $0x40, s23;
	v3 =	vshrl.u32 v2, $0x2;
	v4 =	vshll.u32 v2, $0x5;
	(pc) =	sbr.rel @p0 .LBB2_2-.Ltmp0, $4  }
0x1d: {  	v2 =	vld [tilespmem:s24+$0x200];
	v5 =	vshrl.u32 v1, $0x2;
	[tilespmem:s22+$0x600] =	vst v3;
	v3 =	vshll.u32 v1, $0x5;
	v4 =	vand.u32 $0x60, v4  }
0x1e: {  	v1 =	vld [tilespmem:s24+$0x0];
	v3 =	vand.u32 $0x60, v3;
	[tilespmem:s22+$0xA00] =	vst v4  }
0x1f: {  	[tilespmem:s22+$0x800] =	vst v3  }
0x20: {  	[tilespmem:s22+$0x400] =	vst v5;
	s22 =	smov.u32 s24  }
0x21: {  	_ = 	snop  }
0x22: {  	v3 =	vshrl.u32 v2, $0x2;
	v2 =	vshll.u32 v2, $0x5  }
0x23: {  	[tilespmem:s22+$0x600] =	vst v3;
	v2 =	vand.u32 $0x60, v2  }
0x24: {  	v3 =	vshll.u32 v1, $0x5;
	v1 =	vshrl.u32 v1, $0x2;
	[tilespmem:s22+$0xA00] =	vst v2  }
0x25: {  	v3 =	vand.u32 $0x60, v3;
	[tilespmem:s22+$0x400] =	vst v1  }
0x26: {  	[tilespmem:s22+$0x800] =	vst v3  }
0x27: {  	[tilespmem:s13], [sflag:$0x1] =	stream.indirect.gather [hbm4b:s3+s11], $0x80, s12, s11, $0xb8;
	[tilespmem:$0x10E00] =	vst v63  }
0x28: {  	_ = 	snop  }
0x29: {  	[tilespmem:s15], [sflag:$0x2] =	stream.indirect.gather [hbm4b:s4+s11], $0x80, s14, s11, $0xb8;
	[tilespmem:$0x10E00] =	vst v63  }
0x2a: {  	_ =	swait.ge [sflag:s16], $0x8000  }
0x2b: {  	[sflag:s16] =	ssyncset.done $0x0  }
0x2c: {  	[sflag:s16] =	ssyncadd.s32 $0xFFFF8000  }
0x2d: {  	_ =	swait.ge [sflag:s17], $0x8000  }
0x2e: {  	[sflag:s17] =	ssyncset.done $0x0  }
0x2f: {  	s29 =	simm.s32 $0x800;
	[sflag:s17] =	ssyncadd.s32 $0xFFFF8000  }
0x30: {  	v2 =	vld [tilespmem:s29+$0x0];
	_ =	sdelay $0x1  }
0x31: {  	s30 =	simm.s32 $0x0  }
0x32: {  	v1 =	vmov s30  }
0x33: {  	v1 =	vshll.u32 v1, $0x7  }
0x34: {  	v1 =	vor.u32 v0, v1;
	v3 =	vadd.s32 $0x1E, v2  }
0x35: {  	v4 =	vadd.s32 $0x1F, v2;
	v5 =	vadd.s32 $0x1B, v2;
	v6 =	vadd.s32 $0x1C, v2  }
0x36: {  	v7 =	vadd.s32 $0x1D, v2;
	v8 =	vadd.s32 $0x17, v2;
	v9 =	vadd.s32 $0x19, v2  }
0x37: {  	v10 =	vadd.s32 $0x1A, v2;
	v11 =	vadd.s32 $0x14, v2;
	v12 =	vadd.s32 $0x15, v2  }
0x38: {  	v13 =	vadd.s32 $0x16, v2;
	v14 =	vadd.s32 $0x11, v2;
	v15 =	vadd.s32 $0x12, v2  }
0x39: {  	v16 =	vadd.s32 $0x13, v2;
	v17 =	vadd.s32 $0xD, v2;
	v18 =	vadd.s32 $0xE, v2  }
0x3a: {  	v19 =	vadd.s32 $0xF, v2;
	v20 =	vadd.s32 $0xA, v2;
	v21 =	vadd.s32 $0xB, v2  }
0x3b: {  	v22 =	vadd.s32 $0xC, v2;
	v23 =	vadd.s32 $0x6, v2;
	v24 =	vadd.s32 $0x7, v2  }
0x3c: {  	v25 =	vadd.s32 $0x9, v2;
	v26 =	vadd.s32 $0x3, v2;
	v27 =	vadd.s32 $0x4, v2  }
0x3d: {  	v28 =	vadd.s32 $0x5, v2;
	v29 =	vand.u32 $0x7, v2;
	v30 =	vadd.s32 $0x1, v2  }
0x3e: {  	v31 =	vadd.s32 $0x2, v2;
	v32 =	vand.u32 $0xFFFFFFF8, v2;
	v33 =	vand.u32 $0xFFFFFFF8, v4  }
0x3f: {  	v2 =	vand.u32 $0x7, v4;
	v34 =	vand.u32 $0x7, v7;
	v4 =	vand.u32 $0xFFFFFFF8, v3  }
0x40: {  	v35 =	vand.u32 $0xFFFFFFF8, v6;
	v36 =	vand.u32 $0x7, v6;
	v6 =	vand.u32 $0xFFFFFFF8, v7  }
0x41: {  	v7 =	vand.u32 $0x7, v10;
	v37 =	vand.u32 $0xFFFFFFF8, v5;
	v38 =	vand.u32 $0x7, v5  }
0x42: {  	v39 =	vand.u32 $0xFFFFFFF8, v9;
	v40 =	vand.u32 $0x7, v9;
	v9 =	vand.u32 $0xFFFFFFF8, v10  }
0x43: {  	v10 =	vand.u32 $0x7, v13;
	v41 =	vand.u32 $0xFFFFFFF8, v8;
	v42 =	vand.u32 $0x7, v8  }
0x44: {  	v8 =	vand.u32 $0xFFFFFFF8, v12;
	v43 =	vand.u32 $0x7, v12;
	v12 =	vand.u32 $0xFFFFFFF8, v13  }
0x45: {  	v13 =	vand.u32 $0x7, v16;
	v44 =	vand.u32 $0xFFFFFFF8, v11;
	v45 =	vand.u32 $0x7, v11  }
0x46: {  	v11 =	vand.u32 $0xFFFFFFF8, v15;
	v15 =	vand.u32 $0x7, v15;
	v16 =	vand.u32 $0xFFFFFFF8, v16  }
0x47: {  	v46 =	vand.u32 $0x7, v19;
	v47 =	vand.u32 $0xFFFFFFF8, v14;
	v48 =	vand.u32 $0x7, v14  }
0x48: {  	v14 =	vand.u32 $0xFFFFFFF8, v18;
	v49 =	vand.u32 $0x7, v18;
	v18 =	vand.u32 $0xFFFFFFF8, v19  }
0x49: {  	v50 =	vand.u32 $0x7, v22;
	v19 =	vand.u32 $0xFFFFFFF8, v17;
	v17 =	vand.u32 $0x7, v17  }
0x4a: {  	v51 =	vand.u32 $0xFFFFFFF8, v21;
	v52 =	vand.u32 $0x7, v21;
	v21 =	vand.u32 $0xFFFFFFF8, v22  }
0x4b: {  	v22 =	vand.u32 $0x7, v25;
	v53 =	vand.u32 $0xFFFFFFF8, v20;
	v54 =	vand.u32 $0x7, v20  }
0x4c: {  	v20 =	vand.u32 $0xFFFFFFF8, v24;
	v55 =	vand.u32 $0x7, v24;
	v24 =	vand.u32 $0xFFFFFFF8, v25  }
0x4d: {  	v25 =	vand.u32 $0x7, v28;
	v56 =	vand.u32 $0xFFFFFFF8, v23;
	v23 =	vand.u32 $0x7, v23  }
0x4e: {  	v57 =	vand.u32 $0xFFFFFFF8, v27;
	v27 =	vand.u32 $0x7, v27;
	v28 =	vand.u32 $0xFFFFFFF8, v28  }
0x4f: {  	v58 =	vand.u32 $0x7, v31;
	v59 =	vand.u32 $0xFFFFFFF8, v26;
	v60 =	vand.u32 $0x7, v26  }
0x50: {  	v26 =	vand.u32 $0xFFFFFFF8, v30;
	v30 =	vand.u32 $0x7, v30;
	v31 =	vand.u32 $0xFFFFFFF8, v31  }
0x51: {  	v32 =	vadd.s32 v1, v32;
	v5 =	vadd.s32 v1, v4;
	v4 =	vadd.s32 v1, v33  }
0x52: {  	v33 =	vadd.s32 v1, v37;
	v35 =	vadd.s32 v1, v35;
	v6 =	vadd.s32 v1, v6  }
0x53: {  	v37 =	vadd.s32 v1, v41;
	v39 =	vadd.s32 v1, v39;
	v9 =	vadd.s32 v1, v9  }
0x54: {  	v41 =	vadd.s32 v1, v44;
	v44 =	vadd.s32 v1, v8;
	v61 =	vadd.s32 v1, v12  }
0x55: {  	v47 =	vadd.s32 v1, v47;
	v62 =	vadd.s32 v1, v11;
	v63 =	vadd.s32 v1, v16  }
0x56: {  	[tilespmem:$0x1FF60] =	vst v2;
	v2 =	vadd.s32 v1, v19;
	v8 =	vadd.s32 v1, v14;
	v11 =	vadd.s32 v1, v18  }
0x57: {  	v53 =	vadd.s32 v1, v53;
	v51 =	vadd.s32 v1, v51;
	v12 =	vadd.s32 v1, v21  }
0x58: {  	v56 =	vadd.s32 v1, v56;
	v14 =	vadd.s32 v1, v20;
	v16 =	vadd.s32 v1, v24  }
0x59: {  	v59 =	vadd.s32 v1, v59;
	v57 =	vadd.s32 v1, v57;
	v18 =	vadd.s32 v1, v28  }
0x5a: {  	v19 =	vor.u32 v29, v32;
	v20 =	vadd.s32 v1, v26;
	v21 =	vadd.s32 v1, v31  }
0x5b: {  	v6 =	vor.u32 v34, v6;
	v9 =	vor.u32 v7, v9;
	v33 =	vor.u32 v38, v33  }
0x5c: {  	v7 =	vor.u32 v36, v35;
	v36 =	vor.u32 v42, v37;
	v35 =	vadd.s32 $0x18, v19  }
0x5d: {  	v34 =	vor.u32 v40, v39;
	v39 =	vor.u32 v45, v41;
	v38 =	vor.u32 v43, v44  }
0x5e: {  	s31 =	simm.s32 $0xA00;
	v37 =	vor.u32 v10, v61;
	v24 =	vor.u32 v48, v47;
	v41 =	vor.u32 v15, v62  }
0x5f: {  	v40 =	vor.u32 v13, v63;
	v10 =	vld [tilespmem:s31+$0x0];
	v29 =	vor.u32 v49, v8;
	v28 =	vor.u32 v46, v11  }
0x60: {  	v26 =	vadd.s32 $0x10, v19;
	v8 =	vor.u32 v52, v51;
	v32 =	vor.u32 v50, v12  }
0x61: {  	v31 =	vor.u32 v17, v2;
	v2 =	vadd.s32 $0x8, v19;
	v11 =	vor.u32 v22, v16  }
0x62: {  	v12 =	vor.u32 v54, v53;
	v16 =	vor.u32 v25, v18;
	v18 =	vor.u32 v23, v56  }
0x63: {  	v14 =	vor.u32 v55, v14;
	v21 =	vor.u32 v58, v21;
	v42 =	vor.u32 v60, v59  }
0x64: {  	v43 =	vor.u32 v27, v57;
	v20 =	vor.u32 v30, v20;
	v23 =	vadd.s32 $0x17, v10  }
0x65: {  	v22 =	vand.u32 $0xFFFFFFF8, v10;
	v27 =	vadd.s32 $0x15, v10;
	v25 =	vadd.s32 $0x16, v10  }
0x66: {  	v30 =	vand.u32 $0x7, v10;
	v56 =	vadd.s32 $0x1, v10;
	v58 =	vadd.s32 $0x2, v10  }
0x67: {  	v47 =	vadd.s32 $0xF, v10;
	v60 =	vadd.s32 $0x3, v10;
	v22 =	vadd.s32 v1, v22  }
0x68: {  	v49 =	vadd.s32 $0xE, v10;
	v57 =	vand.u32 $0xFFFFFFF8, v56;
	v22 =	vor.u32 v30, v22  }
0x69: {  	v62 =	vadd.s32 $0x4, v10;
	v44 =	vand.u32 $0x7, v56;
	v45 =	vadd.s32 v1, v57  }
0x6a: {  	v19 =	vld.idx.msk [tilespmem:v19+s13+$0x0], $0xffff;
	v52 =	vadd.s32 $0xD, v10;
	v59 =	vand.u32 $0xFFFFFFF8, v58;
	v44 =	vor.u32 v44, v45  }
0x6b: {  	v20 =	vld.idx.msk [tilespmem:v20+s13+$0x0], $0xffff;
	v54 =	vadd.s32 $0xC, v10;
	v46 =	vand.u32 $0x7, v58;
	v45 =	vadd.s32 v1, v59  }
0x6c: {  	v21 =	vld.idx.msk [tilespmem:v21+s13+$0x0], $0xffff;
	v61 =	vand.u32 $0xFFFFFFF8, v60;
	v48 =	vand.u32 $0x7, v60;
	v45 =	vor.u32 v46, v45  }
0x6d: {  	v50 =	vand.u32 $0x7, v62;
	v58 =	vadd.s32 $0x5, v10;
	v46 =	vadd.s32 v1, v61;
	v63 =	vld.idx.msk [tilespmem:v22+s15+$0x0], $0xffff  }
0x6e: {  	v42 =	vld.idx.msk [tilespmem:v42+s13+$0x0], $0xffff;
	v60 =	vadd.s32 $0x6, v10;
	v57 =	vand.u32 $0xFFFFFFF8, v62;
	v46 =	vor.u32 v48, v46  }
0x6f: {  	v55 =	vand.u32 $0xFFFFFFF8, v49;
	v30 =	vadd.s32 $0x14, v10;
	v48 =	vadd.s32 v1, v57;
	v44 =	vld.idx.msk [tilespmem:v44+s15+$0x0], $0xffff  }
0x70: {  	v43 =	vld.idx.msk [tilespmem:v43+s13+$0x0], $0xffff;
	v62 =	vadd.s32 $0x7, v10;
	v59 =	vand.u32 $0xFFFFFFF8, v58;
	v48 =	vor.u32 v50, v48  }
0x71: {  	v53 =	vand.u32 $0x7, v58;
	v58 =	vand.u32 $0x7, v62;
	v50 =	vadd.s32 v1, v59;
	v45 =	vld.idx.msk [tilespmem:v45+s15+$0x0], $0xffff  }
0x72: {  	v16 =	vld.idx.msk [tilespmem:v16+s13+$0x0], $0xffff;
	v61 =	vand.u32 $0xFFFFFFF8, v60;
	v50 =	vor.u32 v53, v50;
	v19 =	vmul.f32 v63, v19  }
0x73: {  	v57 =	vand.u32 $0xFFFFFFF8, v62;
	v53 =	vadd.s32 v1, v61;
	v46 =	vld.idx.msk [tilespmem:v46+s15+$0x0], $0xffff;
	v63 =	vand.u32 $0x7, v60  }
0x74: {  	v18 =	vld.idx.msk [tilespmem:v18+s13+$0x0], $0xffff;
	v51 =	vor.u32 v63, v53;
	v20 =	vmul.f32 v44, v20;
	v19 =	vadd.f32 $0.0e+00, v19  }
0x75: {  	v59 =	vadd.s32 v1, v57;
	v61 =	vadd.s32 $0x8, v22;
	v48 =	vld.idx.msk [tilespmem:v48+s15+$0x0], $0xffff;
	v60 =	vadd.s32 $0xB, v10  }
0x76: {  	v14 =	vld.idx.msk [tilespmem:v14+s13+$0x0], $0xffff;
	v44 =	vor.u32 v58, v59;
	v19 =	vadd.f32 v20, v19;
	v20 =	vmul.f32 v45, v21  }
0x77: {  	v53 =	vadd.s32 $0xA, v10;
	v59 =	vand.u32 $0xFFFFFFF8, v60;
	v21 =	vadd.s32 $0x9, v10;
	v45 =	vld.idx.msk [tilespmem:v50+s15+$0x0], $0xffff  }
0x78: {  	v2 =	vld.idx.msk [tilespmem:v2+s13+$0x0], $0xffff;
	v62 =	vand.u32 $0xFFFFFFF8, v21;
	v19 =	vadd.f32 v20, v19;
	v20 =	vmul.f32 v46, v42  }
0x79: {  	v56 =	vand.u32 $0xFFFFFFF8, v53;
	v21 =	vand.u32 $0x7, v21;
	v63 =	vadd.s32 v1, v62;
	v46 =	vld.idx.msk [tilespmem:v51+s15+$0x0], $0xffff  }
0x7a: {  	v61 =	vld.idx.msk [tilespmem:v61+s15+$0x0], $0xffff;
	v21 =	vor.u32 v21, v63;
	v19 =	vadd.f32 v20, v19;
	v20 =	vmul.f32 v48, v43  }
0x7b: {  	v60 =	vand.u32 $0x7, v60;
	v57 =	vand.u32 $0x7, v53;
	v42 =	vadd.s32 v1, v56;
	v58 =	vld.idx.msk [tilespmem:v44+s15+$0x0], $0xffff  }
0x7c: {  	v42 =	vor.u32 v57, v42;
	v16 =	vmul.f32 v45, v16;
	v19 =	vadd.f32 v20, v19  }
0x7d: {  	v53 =	vand.u32 $0xFFFFFFF8, v52;
	v62 =	vand.u32 $0xFFFFFFF8, v54;
	v20 =	vadd.s32 v1, v59  }
0x7e: {  	v11 =	vld.idx.msk [tilespmem:v11+s13+$0x0], $0xffff;
	v20 =	vor.u32 v60, v20;
	v18 =	vmul.f32 v46, v18;
	v16 =	vadd.f32 v16, v19  }
0x7f: {  	v2 =	vmul.f32 v61, v2;
	v63 =	vand.u32 $0x7, v54;
	v19 =	vadd.s32 v1, v62;
	v21 =	vld.idx.msk [tilespmem:v21+s15+$0x0], $0xffff  }
0x80: {  	v12 =	vld.idx.msk [tilespmem:v12+s13+$0x0], $0xffff;
	v14 =	vmul.f32 v58, v14;
	v19 =	vor.u32 v63, v19;
	v16 =	vadd.f32 v18, v16  }
0x81: {  	v56 =	vand.u32 $0x7, v49;
	v54 =	vand.u32 $0x7, v52;
	v42 =	vld.idx.msk [tilespmem:v42+s15+$0x0], $0xffff;
	v18 =	vadd.s32 v1, v53  }
0x82: {  	v8 =	vld.idx.msk [tilespmem:v8+s13+$0x0], $0xffff;
	v18 =	vor.u32 v54, v18;
	v14 =	vadd.f32 v14, v16;
	v16 =	vadd.s32 v1, v55  }
0x83: {  	v57 =	vand.u32 $0xFFFFFFF8, v47;
	v58 =	vand.u32 $0x7, v47;
	v20 =	vld.idx.msk [tilespmem:v20+s15+$0x0], $0xffff;
	v16 =	vor.u32 v56, v16  }
0x84: {  	v32 =	vld.idx.msk [tilespmem:v32+s13+$0x0], $0xffff;
	v11 =	vmul.f32 v21, v11;
	v2 =	vadd.f32 v2, v14;
	v14 =	vadd.s32 v1, v57  }
0x85: {  	v59 =	vadd.s32 $0x13, v10;
	v60 =	vadd.s32 $0x10, v22;
	v19 =	vld.idx.msk [tilespmem:v19+s15+$0x0], $0xffff;
	v14 =	vor.u32 v58, v14  }
0x86: {  	v31 =	vld.idx.msk [tilespmem:v31+s13+$0x0], $0xffff;
	v2 =	vadd.f32 v11, v2;
	v11 =	vmul.f32 v42, v12;
	v12 =	vadd.s32 $0x11, v10  }
0x87: {  	v21 =	vadd.s32 $0x12, v10;
	v18 =	vld.idx.msk [tilespmem:v18+s15+$0x0], $0xffff;
	v61 =	vand.u32 $0xFFFFFFF8, v12;
	v12 =	vand.u32 $0x7, v12  }
0x88: {  	v29 =	vld.idx.msk [tilespmem:v29+s13+$0x0], $0xffff;
	v8 =	vmul.f32 v20, v8;
	v2 =	vadd.f32 v11, v2;
	v11 =	vadd.s32 v1, v61  }
0x89: {  	v20 =	vand.u32 $0x7, v21;
	v16 =	vld.idx.msk [tilespmem:v16+s15+$0x0], $0xffff;
	v11 =	vor.u32 v12, v11;
	v12 =	vand.u32 $0xFFFFFFF8, v21  }
0x8a: {  	v21 =	vld.idx.msk [tilespmem:v28+s13+$0x0], $0xffff;
	v2 =	vadd.f32 v8, v2;
	v8 =	vmul.f32 v19, v32;
	v12 =	vadd.s32 v1, v12  }
0x8b: {  	v14 =	vld.idx.msk [tilespmem:v14+s15+$0x0], $0xffff;
	v19 =	vand.u32 $0xFFFFFFF8, v59;
	v12 =	vor.u32 v20, v12;
	v20 =	vand.u32 $0x7, v59  }
0x8c: {  	v26 =	vld.idx.msk [tilespmem:v26+s13+$0x0], $0xffff;
	v2 =	vadd.f32 v8, v2;
	v8 =	vmul.f32 v18, v31;
	v18 =	vadd.s32 v1, v19  }
0x8d: {  	v28 =	vand.u32 $0x7, v30;
	v19 =	vld.idx.msk [tilespmem:v60+s15+$0x0], $0xffff;
	v18 =	vor.u32 v20, v18;
	v20 =	vand.u32 $0xFFFFFFF8, v30  }
0x8e: {  	v24 =	vld.idx.msk [tilespmem:v24+s13+$0x0], $0xffff;
	v2 =	vadd.f32 v8, v2;
	v8 =	vmul.f32 v16, v29;
	v16 =	vadd.s32 v1, v20  }
0x8f: {  	v11 =	vld.idx.msk [tilespmem:v11+s15+$0x0], $0xffff;
	v20 =	vand.u32 $0xFFFFFFF8, v27;
	v27 =	vand.u32 $0x7, v27;
	v16 =	vor.u32 v28, v16  }
0x90: {  	v28 =	vld.idx.msk [tilespmem:v41+s13+$0x0], $0xffff;
	v2 =	vadd.f32 v8, v2;
	v8 =	vmul.f32 v14, v21;
	v14 =	vadd.s32 v1, v20  }
0x91: {  	v12 =	vld.idx.msk [tilespmem:v12+s15+$0x0], $0xffff;
	v20 =	vand.u32 $0xFFFFFFF8, v25;
	v21 =	vand.u32 $0x7, v25;
	v14 =	vor.u32 v27, v14  }
0x92: {  	v25 =	vld.idx.msk [tilespmem:v40+s13+$0x0], $0xffff;
	v2 =	vadd.f32 v8, v2;
	v8 =	vmul.f32 v19, v26;
	v19 =	vadd.s32 v1, v20  }
0x93: {  	v18 =	vld.idx.msk [tilespmem:v18+s15+$0x0], $0xffff;
	v20 =	vand.u32 $0xFFFFFFF8, v23;
	v19 =	vor.u32 v21, v19;
	v21 =	vand.u32 $0x7, v23  }
0x94: {  	v23 =	vld.idx.msk [tilespmem:v39+s13+$0x0], $0xffff;
	v2 =	vadd.f32 v8, v2;
	v8 =	vmul.f32 v11, v24;
	v11 =	vadd.s32 v1, v20  }
0x95: {  	v22 =	vadd.s32 $0x18, v22;
	v16 =	vld.idx.msk [tilespmem:v16+s15+$0x0], $0xffff;
	v20 =	vadd.s32 $0x1A, v10;
	v11 =	vor.u32 v21, v11  }
0x96: {  	v24 =	vld.idx.msk [tilespmem:v38+s13+$0x0], $0xffff;
	v2 =	vadd.f32 v8, v2;
	v8 =	vmul.f32 v12, v28;
	v12 =	vadd.s32 $0x19, v10  }
0x97: {  	v21 =	vadd.s32 $0x1B, v10;
	v14 =	vld.idx.msk [tilespmem:v14+s15+$0x0], $0xffff;
	v26 =	vand.u32 $0xFFFFFFF8, v12;
	v12 =	vand.u32 $0x7, v12  }
0x98: {  	v27 =	vld.idx.msk [tilespmem:v37+s13+$0x0], $0xffff;
	v2 =	vadd.f32 v8, v2;
	v8 =	vmul.f32 v18, v25;
	v18 =	vadd.s32 v1, v26  }
0x99: {  	v19 =	vld.idx.msk [tilespmem:v19+s15+$0x0], $0xffff;
	v12 =	vor.u32 v12, v18;
	v18 =	vand.u32 $0xFFFFFFF8, v20;
	v20 =	vand.u32 $0x7, v20  }
0x9a: {  	v25 =	vld.idx.msk [tilespmem:v36+s13+$0x0], $0xffff;
	v2 =	vadd.f32 v8, v2;
	v8 =	vmul.f32 v16, v23;
	v16 =	vadd.s32 v1, v18  }
0x9b: {  	v11 =	vld.idx.msk [tilespmem:v11+s15+$0x0], $0xffff;
	v18 =	vand.u32 $0xFFFFFFF8, v21;
	v16 =	vor.u32 v20, v16  }
0x9c: {  	v20 =	vand.u32 $0x7, v21;
	v21 =	vld.idx.msk [tilespmem:v35+s13+$0x0], $0xffff;
	v2 =	vadd.f32 v8, v2;
	v8 =	vmul.f32 v14, v24  }
0x9d: {  	v14 =	vadd.s32 v1, v18;
	v18 =	vld.idx.msk [tilespmem:v22+s15+$0x0], $0xffff  }
0x9e: {  	v22 =	vld.idx.msk [tilespmem:v34+s13+$0x0], $0xffff;
	v2 =	vadd.f32 v8, v2;
	v8 =	vmul.f32 v19, v27  }
0x9f: {  	v3 =	vand.u32 $0x7, v3;
	v12 =	vld.idx.msk [tilespmem:v12+s15+$0x0], $0xffff  }
0xa0: {  	v17 =	vadd.s32 $0x1C, v10;
	v2 =	vadd.f32 v8, v2;
	v8 =	vmul.f32 v11, v25  }
0xa1: {  	v14 =	vor.u32 v20, v14;
	v20 =	vand.u32 $0xFFFFFFF8, v17;
	v17 =	vand.u32 $0x7, v17  }
0xa2: {  	v19 =	vadd.s32 v1, v20;
	v2 =	vadd.f32 v8, v2;
	v8 =	vmul.f32 v18, v21  }
0xa3: {  	v3 =	vor.u32 v3, v5;
	v15 =	vadd.s32 $0x1D, v10;
	v9 =	vld.idx.msk [tilespmem:v9+s13+$0x0], $0xffff;
	v17 =	vor.u32 v17, v19  }
0xa4: {  	v19 =	vand.u32 $0xFFFFFFF8, v15;
	v2 =	vadd.f32 v8, v2;
	v8 =	vmul.f32 v12, v22;
	v12 =	vld [tilespmem:$0x1FF60]  }
0xa5: {  	v13 =	vadd.s32 $0x1E, v10;
	v15 =	vand.u32 $0x7, v15;
	v11 =	vadd.s32 v1, v19;
	v16 =	vld.idx.msk [tilespmem:v16+s15+$0x0], $0xffff  }
0xa6: {  	v5 =	vadd.s32 $0x1F, v10;
	v19 =	vld.idx.msk [tilespmem:v33+s13+$0x0], $0xffff;
	v11 =	vor.u32 v15, v11;
	v15 =	vand.u32 $0xFFFFFFF8, v13  }
0xa7: {  	v13 =	vand.u32 $0x7, v13;
	v15 =	vadd.s32 v1, v15;
	v10 =	vld.idx.msk [tilespmem:v14+s15+$0x0], $0xffff;
	v14 =	vand.u32 $0xFFFFFFF8, v5  }
0xa8: {  	v7 =	vld.idx.msk [tilespmem:v7+s13+$0x0], $0xffff;
	v5 =	vand.u32 $0x7, v5;
	v13 =	vor.u32 v13, v15;
	v1 =	vadd.s32 v1, v14  }
0xa9: {  	v1 =	vor.u32 v5, v1;
	v4 =	vor.u32 v12, v4;
	v12 =	vld.idx.msk [tilespmem:v17+s15+$0x0], $0xffff  }
0xaa: {  	v6 =	vld.idx.msk [tilespmem:v6+s13+$0x0], $0xffff;
	v5 =	vmul.f32 v16, v9;
	v2 =	vadd.f32 v8, v2  }
0xab: {  	v8 =	vld.idx.msk [tilespmem:v11+s15+$0x0], $0xffff  }
0xac: {  	v3 =	vld.idx.msk [tilespmem:v3+s13+$0x0], $0xffff;
	v2 =	vadd.f32 v5, v2;
	v5 =	vmul.f32 v10, v19  }
0xad: {  	v9 =	vld.idx.msk [tilespmem:v13+s15+$0x0], $0xffff  }
0xae: {  	v1 =	vld.idx.msk [tilespmem:v1+s15+$0x0], $0xffff;
	v2 =	vadd.f32 v5, v2;
	v5 =	vmul.f32 v12, v7  }
0xaf: {  	v4 =	vld.idx.msk [tilespmem:v4+s13+$0x0], $0xffff  }
0xb0: {  	v2 =	vadd.f32 v5, v2;
	v5 =	vmul.f32 v8, v6;
	_ =	sdelay $0x1  }
0xb1: {  	v3 =	vmul.f32 v9, v3;
	v2 =	vadd.f32 v5, v2;
	_ =	sdelay $0x1  }
0xb2: {  	v1 =	vmul.f32 v1, v4;
	v2 =	vadd.f32 v3, v2;
	_ =	sdelay $0x1  }
0xb3: {  	v1 =	vadd.f32 v1, v2  }
0xb4: {  	s22 =	simm.s32 $0x10C00  }
0xb5: {  	s23 =	simm.s32 $0x810;
	[tilespmem:s22+$0x0] =	vst v1  }
0xb6: {  	v2 =	vld [tilespmem:s23+$0x0];
	_ =	sdelay $0x1  }
0xb7: {  	s24 =	simm.s32 $0x10  }
0xb8: {  	v1 =	vmov s24  }
0xb9: {  	v1 =	vshll.u32 v1, $0x7  }
0xba: {  	v1 =	vor.u32 v0, v1;
	v3 =	vadd.s32 $0x1E, v2;
	v4 =	vadd.s32 $0x1F, v2  }
0xbb: {  	v5 =	vadd.s32 $0x1B, v2;
	v6 =	vadd.s32 $0x1C, v2;
	v7 =	vadd.s32 $0x1D, v2  }
0xbc: {  	v8 =	vadd.s32 $0x17, v2;
	v9 =	vadd.s32 $0x19, v2;
	v10 =	vadd.s32 $0x1A, v2  }
0xbd: {  	v11 =	vadd.s32 $0x14, v2;
	v12 =	vadd.s32 $0x15, v2;
	v13 =	vadd.s32 $0x16, v2  }
0xbe: {  	v14 =	vadd.s32 $0x11, v2;
	v15 =	vadd.s32 $0x12, v2;
	v16 =	vadd.s32 $0x13, v2  }
0xbf: {  	v17 =	vadd.s32 $0xD, v2;
	v18 =	vadd.s32 $0xE, v2;
	v19 =	vadd.s32 $0xF, v2  }
0xc0: {  	v20 =	vadd.s32 $0xA, v2;
	v21 =	vadd.s32 $0xB, v2;
	v22 =	vadd.s32 $0xC, v2  }
0xc1: {  	v23 =	vadd.s32 $0x6, v2;
	v24 =	vadd.s32 $0x7, v2;
	v25 =	vadd.s32 $0x9, v2  }
0xc2: {  	v28 =	vadd.s32 $0x3, v2;
	v29 =	vadd.s32 $0x4, v2;
	v30 =	vadd.s32 $0x5, v2  }
0xc3: {  	v26 =	vand.u32 $0x7, v2;
	v62 =	vadd.s32 $0x1, v2;
	v63 =	vadd.s32 $0x2, v2  }
0xc4: {  	v2 =	vand.u32 $0xFFFFFFF8, v2;
	v35 =	vand.u32 $0xFFFFFFF8, v4;
	v4 =	vand.u32 $0x7, v4  }
0xc5: {  	v43 =	vand.u32 $0x7, v7;
	v36 =	vand.u32 $0xFFFFFFF8, v3;
	v3 =	vand.u32 $0x7, v3  }
0xc6: {  	v37 =	vand.u32 $0xFFFFFFF8, v6;
	v38 =	vand.u32 $0xFFFFFFF8, v5;
	v39 =	vand.u32 $0xFFFFFFF8, v9  }
0xc7: {  	v45 =	vand.u32 $0x7, v8;
	v40 =	vand.u32 $0xFFFFFFF8, v12;
	v46 =	vand.u32 $0x7, v12  }
0xc8: {  	[tilespmem:$0x1FF70] =	vst v26;
	v41 =	vand.u32 $0xFFFFFFF8, v11;
	v0 =	vand.u32 $0x7, v11;
	v47 =	vand.u32 $0xFFFFFFF8, v15  }
0xc9: {  	v44 =	vand.u32 $0x7, v15;
	v48 =	vand.u32 $0x7, v19;
	[tilespmem:$0x1FF80] =	vst v3;
	v3 =	vand.u32 $0x7, v6  }
0xca: {  	v49 =	vand.u32 $0xFFFFFFF8, v14;
	v50 =	vand.u32 $0x7, v14;
	[tilespmem:$0x1FFB0] =	vst v3;
	v3 =	vand.u32 $0x7, v5  }
0xcb: {  	v14 =	vand.u32 $0xFFFFFFF8, v18;
	v42 =	vand.u32 $0x7, v18;
	[tilespmem:$0x1FFA0] =	vst v3;
	v3 =	vand.u32 $0x7, v9  }
0xcc: {  	v19 =	vand.u32 $0xFFFFFFF8, v19;
	v51 =	vand.u32 $0x7, v22;
	[tilespmem:$0x1FFC0] =	vst v3;
	v3 =	vand.u32 $0x7, v13  }
0xcd: {  	v52 =	vand.u32 $0xFFFFFFF8, v17;
	v53 =	vand.u32 $0x7, v17;
	[tilespmem:$0x1FFD0] =	vst v3;
	v3 =	vand.u32 $0xFFFFFFF8, v13  }
0xce: {  	v17 =	vand.u32 $0xFFFFFFF8, v21;
	v32 =	vand.u32 $0x7, v21;
	v15 =	vadd.s32 v1, v3;
	v3 =	vld [tilespmem:$0x1FF70]  }
0xcf: {  	v54 =	vand.u32 $0xFFFFFFF8, v22;
	v55 =	vand.u32 $0x7, v25;
	v56 =	vand.u32 $0xFFFFFFF8, v20  }
0xd0: {  	v57 =	vand.u32 $0x7, v20;
	v20 =	vand.u32 $0xFFFFFFF8, v24;
	v25 =	vand.u32 $0xFFFFFFF8, v25  }
0xd1: {  	v26 =	vand.u32 $0x7, v30;
	v58 =	vand.u32 $0xFFFFFFF8, v23;
	v27 =	vand.u32 $0x7, v23  }
0xd2: {  	v23 =	vand.u32 $0xFFFFFFF8, v29;
	v59 =	vand.u32 $0xFFFFFFF8, v28;
	v2 =	vadd.s32 v1, v2  }
0xd3: {  	v31 =	vand.u32 $0x7, v28;
	v61 =	vadd.s32 v1, v36;
	v36 =	vor.u32 v3, v2;
	v3 =	vld [tilespmem:$0x1FFA0]  }
0xd4: {  	v28 =	vand.u32 $0xFFFFFFF8, v62;
	v33 =	vand.u32 $0x7, v62;
	[tilespmem:$0x1FF90] =	vst v4;
	v4 =	vand.u32 $0x7, v16  }
0xd5: {  	v60 =	vand.u32 $0xFFFFFFF8, v63;
	v6 =	vand.u32 $0xFFFFFFF8, v7;
	[tilespmem:$0x1FFE0] =	vst v4;
	v4 =	vand.u32 $0x7, v24  }
0xd6: {  	v24 =	vand.u32 $0x7, v29;
	v29 =	vand.u32 $0xFFFFFFF8, v30;
	v30 =	vand.u32 $0x7, v63  }
0xd7: {  	v63 =	vadd.s32 v1, v38;
	v6 =	vadd.s32 v1, v6;
	v13 =	vadd.s32 v1, v41  }
0xd8: {  	v41 =	vadd.s32 v1, v60;
	v60 =	vor.u32 v43, v6;
	v6 =	vor.u32 v3, v63;
	v3 =	vld [tilespmem:$0x1FFB0]  }
0xd9: {  	v7 =	vand.u32 $0x7, v10;
	v16 =	vand.u32 $0xFFFFFFF8, v16;
	v62 =	vadd.s32 v1, v35  }
0xda: {  	v12 =	vadd.s32 v1, v40;
	v49 =	vadd.s32 v1, v49;
	v47 =	vadd.s32 v1, v47  }
0xdb: {  	v52 =	vadd.s32 v1, v52;
	v11 =	vadd.s32 v1, v14;
	v19 =	vadd.s32 v1, v19  }
0xdc: {  	v56 =	vadd.s32 v1, v56;
	v21 =	vadd.s32 v1, v17;
	v5 =	vadd.s32 v1, v37;
	v2 =	vld [tilespmem:$0x1FF80]  }
0xdd: {  	v54 =	vadd.s32 v1, v54;
	v34 =	vadd.s32 v1, v58;
	v5 =	vor.u32 v3, v5;
	v3 =	vld [tilespmem:$0x1FFC0]  }
0xde: {  	v35 =	vadd.s32 v1, v20;
	v58 =	vadd.s32 v1, v25;
	v18 =	vadd.s32 v1, v16  }
0xdf: {  	v37 =	vadd.s32 v1, v59;
	v38 =	vadd.s32 v1, v23;
	v20 =	vor.u32 v42, v11  }
0xe0: {  	v19 =	vor.u32 v48, v19;
	v25 =	vor.u32 v32, v21;
	v9 =	vand.u32 $0xFFFFFFF8, v10  }
0xe1: {  	v10 =	vand.u32 $0xFFFFFFF8, v8;
	v8 =	vadd.s32 v1, v39;
	v59 =	vor.u32 v2, v61;
	v2 =	vld [tilespmem:$0x1FF90]  }
0xe2: {  	v23 =	vor.u32 v51, v54;
	v21 =	vor.u32 v53, v52;
	v8 =	vor.u32 v3, v8;
	v3 =	vld [tilespmem:$0x1FFD0]  }
0xe3: {  	v40 =	vadd.s32 v1, v29;
	v39 =	vadd.s32 v1, v28;
	v14 =	vld [tilespmem:$0x1FFE0];
	v29 =	vor.u32 v55, v58  }
0xe4: {  	v28 =	vor.u32 v57, v56;
	v10 =	vadd.s32 v1, v10;
	v9 =	vadd.s32 v1, v9  }
0xe5: {  	v7 =	vor.u32 v7, v9;
	v10 =	vor.u32 v45, v10;
	v9 =	vadd.s32 $0x18, v36  }
0xe6: {  	v32 =	vadd.s32 $0x8, v36;
	v61 =	vor.u32 v0, v13;
	v0 =	vor.u32 v46, v12  }
0xe7: {  	s24 =	simm.s32 $0xA10;
	v13 =	vor.u32 v50, v49;
	v2 =	vor.u32 v2, v62;
	v12 =	vor.u32 v3, v15  }
0xe8: {  	s25 =	simm.s32 $0x20;
	v11 =	vld [tilespmem:s24+$0x0];
	v3 =	vor.u32 v44, v47;
	v15 =	vor.u32 v14, v18;
	v18 =	vadd.s32 $0x10, v36  }
.LBB2_4:
0xe9: {  	_ =	sdelay $0x1  }
0xea: {  	v40 =	vor.u32 v26, v40;
	v42 =	vor.u32 v27, v34;
	v43 =	vor.u32 v4, v35  }
0xeb: {  	v41 =	vor.u32 v30, v41;
	v44 =	vor.u32 v31, v37;
	v38 =	vor.u32 v24, v38  }
0xec: {  	v39 =	vor.u32 v33, v39;
	v24 =	vadd.s32 $0x1E, v11;
	v22 =	vadd.s32 $0x1F, v11  }
0xed: {  	v31 =	vadd.s32 $0x17, v11;
	v27 =	vadd.s32 $0x1C, v11;
	v26 =	vadd.s32 $0x1D, v11  }
0xee: {  	v30 =	vand.u32 $0xFFFFFFF8, v11;
	v34 =	vadd.s32 $0x15, v11;
	v33 =	vadd.s32 $0x16, v11  }
0xef: {  	v55 =	vand.u32 $0x7, v11;
	v56 =	vadd.s32 $0x1, v11;
	v35 =	vadd.s32 $0x14, v11  }
0xf0: {  	v46 =	vadd.s32 $0x2, v11;
	v48 =	vadd.s32 $0x3, v11;
	v30 =	vadd.s32 v1, v30  }
0xf1: {  	v49 =	vadd.s32 $0xE, v11;
	v45 =	vand.u32 $0xFFFFFFF8, v56;
	v30 =	vor.u32 v55, v30  }
0xf2: {  	v51 =	vadd.s32 $0x4, v11;
	v37 =	vand.u32 $0x7, v56;
	v45 =	vadd.s32 v1, v45  }
0xf3: {  	v52 =	vadd.s32 $0xD, v11;
	v47 =	vand.u32 $0xFFFFFFF8, v46;
	v45 =	vor.u32 v37, v45  }
0xf4: {  	v36 =	vld.idx.msk [tilespmem:v36+s13+$0x0], $0xffff;
	v46 =	vand.u32 $0x7, v46;
	v57 =	vand.u32 $0xFFFFFFF8, v48;
	v47 =	vadd.s32 v1, v47  }
0xf5: {  	v48 =	vand.u32 $0x7, v48;
	v39 =	vld.idx.msk [tilespmem:v39+s13+$0x0], $0xffff;
	v46 =	vor.u32 v46, v47;
	v47 =	vadd.s32 v1, v57  }
0xf6: {  	v53 =	vadd.s32 $0x5, v11;
	v54 =	vadd.s32 $0xC, v11;
	v47 =	vor.u32 v48, v47;
	v50 =	vld.idx.msk [tilespmem:v30+s15+$0x0], $0xffff  }
0xf7: {  	v58 =	vand.u32 $0xFFFFFFF8, v51;
	v51 =	vand.u32 $0x7, v51;
	v41 =	vld.idx.msk [tilespmem:v41+s13+$0x0], $0xffff;
	v62 =	vand.u32 $0xFFFFFFF8, v53  }
0xf8: {  	v53 =	vand.u32 $0x7, v53;
	v56 =	vadd.s32 $0x7, v11;
	v48 =	vadd.s32 v1, v58;
	v45 =	vld.idx.msk [tilespmem:v45+s15+$0x0], $0xffff  }
0xf9: {  	v44 =	vld.idx.msk [tilespmem:v44+s13+$0x0], $0xffff;
	v55 =	vadd.s32 $0x6, v11;
	v37 =	vadd.s32 $0xF, v11;
	v48 =	vor.u32 v51, v48  }
0xfa: {  	v63 =	vand.u32 $0xFFFFFFF8, v55;
	v57 =	vand.u32 $0x7, v56;
	v51 =	vadd.s32 v1, v62;
	v46 =	vld.idx.msk [tilespmem:v46+s15+$0x0], $0xffff  }
0xfb: {  	v62 =	vand.u32 $0x7, v55;
	v51 =	vor.u32 v53, v51;
	v47 =	vld.idx.msk [tilespmem:v47+s15+$0x0], $0xffff;
	v36 =	vmul.f32 v50, v36  }
0xfc: {  	v32 =	vld.idx.msk [tilespmem:v32+s13+$0x0], $0xffff;
	v55 =	vadd.s32 $0xB, v11;
	v53 =	vadd.s32 v1, v63;
	v63 =	vand.u32 $0xFFFFFFF8, v56  }
0xfd: {  	v38 =	vld.idx.msk [tilespmem:v38+s13+$0x0], $0xffff;
	v50 =	vor.u32 v62, v53;
	v39 =	vmul.f32 v45, v39;
	v36 =	vadd.f32 $0.0e+00, v36  }
0xfe: {  	v56 =	vand.u32 $0xFFFFFFF8, v55;
	v58 =	vadd.s32 v1, v63;
	v62 =	vadd.s32 $0x9, v11;
	v45 =	vld.idx.msk [tilespmem:v48+s15+$0x0], $0xffff  }
0xff: {  	v40 =	vld.idx.msk [tilespmem:v40+s13+$0x0], $0xffff;
	v48 =	vor.u32 v57, v58;
	v36 =	vadd.f32 v39, v36;
	v39 =	vmul.f32 v46, v41  }
0x100: {  	v53 =	vadd.s32 $0xA, v11;
	v63 =	vand.u32 $0xFFFFFFF8, v62;
	v57 =	vmul.f32 v47, v44;
	v41 =	vld.idx.msk [tilespmem:v51+s15+$0x0], $0xffff  }
0x101: {  	v42 =	vld.idx.msk [tilespmem:v42+s13+$0x0], $0xffff;
	v58 =	vadd.s32 v1, v63;
	v51 =	vadd.s32 $0x8, v30;
	v36 =	vadd.f32 v39, v36  }
0x102: {  	v63 =	vand.u32 $0x7, v53;
	v46 =	vand.u32 $0x7, v62;
	v62 =	vand.u32 $0xFFFFFFF8, v53;
	v44 =	vld.idx.msk [tilespmem:v50+s15+$0x0], $0xffff  }
0x103: {  	v43 =	vld.idx.msk [tilespmem:v43+s13+$0x0], $0xffff;
	v46 =	vor.u32 v46, v58;
	v38 =	vmul.f32 v45, v38;
	v36 =	vadd.f32 v57, v36  }
0x104: {  	v53 =	vadd.s32 v1, v62;
	v62 =	vadd.s32 v1, v56;
	v50 =	vand.u32 $0xFFFFFFF8, v49;
	v39 =	vld.idx.msk [tilespmem:v48+s15+$0x0], $0xffff  }
0x105: {  	v29 =	vld.idx.msk [tilespmem:v29+s13+$0x0], $0xffff;
	v45 =	vor.u32 v63, v53;
	v58 =	vmul.f32 v41, v40;
	v36 =	vadd.f32 v38, v36  }
0x106: {  	v63 =	vand.u32 $0xFFFFFFF8, v54;
	v53 =	vand.u32 $0x7, v54;
	v57 =	vand.u32 $0x7, v55;
	v40 =	vld.idx.msk [tilespmem:v51+s15+$0x0], $0xffff  }
0x107: {  	v28 =	vld.idx.msk [tilespmem:v28+s13+$0x0], $0xffff;
	v41 =	vor.u32 v57, v62;
	v54 =	vmul.f32 v44, v42;
	v36 =	vadd.f32 v58, v36  }
0x108: {  	v56 =	vadd.s32 v1, v63;
	v57 =	vand.u32 $0xFFFFFFF8, v52;
	v51 =	vand.u32 $0x7, v49;
	v55 =	vld.idx.msk [tilespmem:v46+s15+$0x0], $0xffff  }
0x109: {  	v25 =	vld.idx.msk [tilespmem:v25+s13+$0x0], $0xffff;
	v44 =	vor.u32 v53, v56;
	v62 =	vmul.f32 v39, v43;
	v36 =	vadd.f32 v54, v36  }
0x10a: {  	v48 =	vadd.s32 v1, v57;
	v53 =	vadd.s32 v1, v50;
	v63 =	vld.idx.msk [tilespmem:v45+s15+$0x0], $0xffff;
	v58 =	vand.u32 $0x7, v52  }
0x10b: {  	v23 =	vld.idx.msk [tilespmem:v23+s13+$0x0], $0xffff;
	v43 =	vor.u32 v58, v48;
	v32 =	vmul.f32 v40, v32;
	v36 =	vadd.f32 v62, v36  }
0x10c: {  	v52 =	vld.idx.msk [tilespmem:v41+s15+$0x0], $0xffff;
	v40 =	vor.u32 v51, v53;
	v54 =	vand.u32 $0xFFFFFFF8, v37;
	v37 =	vand.u32 $0x7, v37  }
0x10d: {  	v21 =	vld.idx.msk [tilespmem:v21+s13+$0x0], $0xffff;
	v29 =	vmul.f32 v55, v29;
	v41 =	vadd.s32 v1, v54;
	v32 =	vadd.f32 v32, v36  }
0x10e: {  	v56 =	vadd.s32 $0x12, v11;
	v57 =	vadd.s32 $0x13, v11;
	v55 =	vld.idx.msk [tilespmem:v44+s15+$0x0], $0xffff;
	v37 =	vor.u32 v37, v41  }
0x10f: {  	v20 =	vld.idx.msk [tilespmem:v20+s13+$0x0], $0xffff;
	v28 =	vmul.f32 v63, v28;
	v62 =	vadd.s32 $0x11, v11;
	v29 =	vadd.f32 v29, v32  }
0x110: {  	v63 =	vadd.s32 $0x10, v30;
	v48 =	vand.u32 $0xFFFFFFF8, v62;
	v39 =	vand.u32 $0x7, v62;
	v58 =	vld.idx.msk [tilespmem:v43+s15+$0x0], $0xffff  }
0x111: {  	v19 =	vld.idx.msk [tilespmem:v19+s13+$0x0], $0xffff;
	v49 =	vadd.s32 v1, v48;
	v25 =	vmul.f32 v52, v25;
	v28 =	vadd.f32 v28, v29  }
0x112: {  	v50 =	vand.u32 $0xFFFFFFF8, v56;
	v51 =	vand.u32 $0x7, v56;
	v38 =	vor.u32 v39, v49;
	v29 =	vld.idx.msk [tilespmem:v40+s15+$0x0], $0xffff  }
0x113: {  	v18 =	vld.idx.msk [tilespmem:v18+s13+$0x0], $0xffff;
	v52 =	vadd.s32 v1, v50;
	v23 =	vmul.f32 v55, v23;
	v25 =	vadd.f32 v25, v28  }
0x114: {  	v53 =	vand.u32 $0xFFFFFFF8, v57;
	v54 =	vand.u32 $0x7, v57;
	v36 =	vor.u32 v51, v52;
	v28 =	vld.idx.msk [tilespmem:v37+s15+$0x0], $0xffff  }
0x115: {  	v17 =	vld.idx.msk [tilespmem:v13+s13+$0x0], $0xffff;
	v55 =	vadd.s32 v1, v53;
	v21 =	vmul.f32 v58, v21;
	v23 =	vadd.f32 v23, v25  }
0x116: {  	v56 =	vand.u32 $0xFFFFFFF8, v35;
	v35 =	vand.u32 $0x7, v35;
	v32 =	vor.u32 v54, v55;
	v25 =	vld.idx.msk [tilespmem:v63+s15+$0x0], $0xffff  }
0x117: {  	v16 =	vld.idx.msk [tilespmem:v3+s13+$0x0], $0xffff;
	v20 =	vmul.f32 v29, v20;
	v29 =	vadd.s32 v1, v56;
	v21 =	vadd.f32 v21, v23  }
0x118: {  	v57 =	vand.u32 $0xFFFFFFF8, v34;
	v34 =	vand.u32 $0x7, v34;
	v23 =	vld.idx.msk [tilespmem:v38+s15+$0x0], $0xffff;
	v29 =	vor.u32 v35, v29  }
0x119: {  	v15 =	vld.idx.msk [tilespmem:v15+s13+$0x0], $0xffff;
	v19 =	vmul.f32 v28, v19;
	v28 =	vadd.s32 v1, v57;
	v20 =	vadd.f32 v20, v21  }
0x11a: {  	v58 =	vand.u32 $0xFFFFFFF8, v33;
	v33 =	vand.u32 $0x7, v33;
	v21 =	vld.idx.msk [tilespmem:v36+s15+$0x0], $0xffff;
	v28 =	vor.u32 v34, v28  }
0x11b: {  	v14 =	vld.idx.msk [tilespmem:v61+s13+$0x0], $0xffff;
	v18 =	vmul.f32 v25, v18;
	v25 =	vadd.s32 v1, v58;
	v19 =	vadd.f32 v19, v20  }
0x11c: {  	v61 =	vand.u32 $0xFFFFFFF8, v31;
	v31 =	vand.u32 $0x7, v31;
	v20 =	vld.idx.msk [tilespmem:v32+s15+$0x0], $0xffff;
	v25 =	vor.u32 v33, v25  }
0x11d: {  	v17 =	vmul.f32 v23, v17;
	v23 =	vadd.s32 v1, v61;
	v18 =	vadd.f32 v18, v19  }
0x11e: {  	v19 =	vld.idx.msk [tilespmem:v29+s15+$0x0], $0xffff;
	v23 =	vor.u32 v31, v23;
	v29 =	vadd.s32 $0x1A, v11;
	v31 =	vadd.s32 $0x1B, v11  }
0x11f: {  	v13 =	vld.idx.msk [tilespmem:v0+s13+$0x0], $0xffff;
	v11 =	vadd.s32 $0x19, v11;
	v16 =	vmul.f32 v21, v16;
	v17 =	vadd.f32 v17, v18  }
0x120: {  	v21 =	vadd.s32 $0x18, v30;
	v18 =	vld.idx.msk [tilespmem:v28+s15+$0x0], $0xffff;
	v28 =	vand.u32 $0xFFFFFFF8, v11;
	v11 =	vand.u32 $0x7, v11  }
0x121: {  	v12 =	vld.idx.msk [tilespmem:v12+s13+$0x0], $0xffff;
	v15 =	vmul.f32 v20, v15;
	v20 =	vadd.s32 v1, v28;
	v16 =	vadd.f32 v16, v17  }
0x122: {  	v17 =	vld.idx.msk [tilespmem:v25+s15+$0x0], $0xffff;
	v11 =	vor.u32 v11, v20  }
0x123: {  	v10 =	vld.idx.msk [tilespmem:v10+s13+$0x0], $0xffff;
	v20 =	vand.u32 $0xFFFFFFF8, v29;
	v14 =	vmul.f32 v19, v14;
	v15 =	vadd.f32 v15, v16  }
0x124: {  	v25 =	vand.u32 $0x7, v29;
	v19 =	vadd.s32 v1, v20;
	v20 =	vand.u32 $0xFFFFFFF8, v31;
	v16 =	vld.idx.msk [tilespmem:v23+s15+$0x0], $0xffff  }
0x125: {  	v9 =	vld.idx.msk [tilespmem:v9+s13+$0x0], $0xffff;
	v19 =	vor.u32 v25, v19;
	v13 =	vmul.f32 v18, v13;
	v14 =	vadd.f32 v14, v15  }
0x126: {  	v23 =	vand.u32 $0x7, v31;
	v18 =	vadd.s32 v1, v20;
	v20 =	vand.u32 $0xFFFFFFF8, v27;
	v15 =	vld.idx.msk [tilespmem:v21+s15+$0x0], $0xffff  }
0x127: {  	v8 =	vld.idx.msk [tilespmem:v8+s13+$0x0], $0xffff;
	v18 =	vor.u32 v23, v18;
	v12 =	vmul.f32 v17, v12;
	v13 =	vadd.f32 v13, v14  }
0x128: {  	v21 =	vand.u32 $0x7, v27;
	v11 =	vld.idx.msk [tilespmem:v11+s15+$0x0], $0xffff;
	v17 =	vand.u32 $0xFFFFFFF8, v26;
	v14 =	vadd.s32 v1, v20  }
0x129: {  	v7 =	vld.idx.msk [tilespmem:v7+s13+$0x0], $0xffff;
	v14 =	vor.u32 v21, v14;
	v10 =	vmul.f32 v16, v10;
	v12 =	vadd.f32 v12, v13  }
0x12a: {  	v20 =	vand.u32 $0x7, v26;
	v16 =	vadd.s32 v1, v17;
	v17 =	vand.u32 $0xFFFFFFF8, v24;
	v13 =	vld.idx.msk [tilespmem:v19+s15+$0x0], $0xffff  }
0x12b: {  	v6 =	vld.idx.msk [tilespmem:v6+s13+$0x0], $0xffff;
	v16 =	vor.u32 v20, v16;
	v9 =	vmul.f32 v15, v9;
	v10 =	vadd.f32 v10, v12  }
0x12c: {  	v19 =	vand.u32 $0x7, v24;
	v15 =	vadd.s32 v1, v17;
	v17 =	vand.u32 $0xFFFFFFF8, v22;
	v12 =	vld.idx.msk [tilespmem:v18+s15+$0x0], $0xffff  }
0x12d: {  	v5 =	vld.idx.msk [tilespmem:v5+s13+$0x0], $0xffff;
	v15 =	vor.u32 v19, v15;
	v8 =	vmul.f32 v11, v8;
	v9 =	vadd.f32 v9, v10  }
0x12e: {  	v18 =	vand.u32 $0x7, v22;
	v1 =	vadd.s32 v1, v17;
	v10 =	vld.idx.msk [tilespmem:v14+s15+$0x0], $0xffff  }
0x12f: {  	v4 =	vld.idx.msk [tilespmem:v60+s13+$0x0], $0xffff;
	v1 =	vor.u32 v18, v1;
	v7 =	vmul.f32 v13, v7;
	v8 =	vadd.f32 v8, v9  }
0x130: {  	v9 =	vld.idx.msk [tilespmem:v16+s15+$0x0], $0xffff  }
0x131: {  	v3 =	vld.idx.msk [tilespmem:v59+s13+$0x0], $0xffff;
	v6 =	vmul.f32 v12, v6;
	v7 =	vadd.f32 v7, v8  }
0x132: {  	v8 =	vld.idx.msk [tilespmem:v15+s15+$0x0], $0xffff  }
0x133: {  	v2 =	vld.idx.msk [tilespmem:v2+s13+$0x0], $0xffff;
	v5 =	vmul.f32 v10, v5;
	v6 =	vadd.f32 v6, v7  }
0x134: {  	v1 =	vld.idx.msk [tilespmem:v1+s15+$0x0], $0xffff  }
0x135: {  	v4 =	vmul.f32 v9, v4;
	v5 =	vadd.f32 v5, v6;
	_ =	sdelay $0x1  }
0x136: {  	v3 =	vmul.f32 v8, v3;
	v4 =	vadd.f32 v4, v5;
	_ =	sdelay $0x1  }
0x137: {  	v1 =	vmul.f32 v1, v2;
	v3 =	vadd.f32 v3, v4;
	_ =	sdelay $0x1  }
0x138: {  	v1 =	vadd.f32 v1, v3  }
0x139: {  	s22 =	sadd.s32 $0x10, s22  }
0x13a: {  	s23 =	sadd.s32 $0x10, s23;
	v0 =	vld [tilespmem:$0x1FFF0];
	[tilespmem:s22+$0x0] =	vst v1  }
0x13b: {  	v2 =	vld [tilespmem:s23+$0x0];
	_ =	sdelay $0x2  }
0x13c: {  	v1 =	vmov s25  }
0x13d: {  	v1 =	vshll.u32 v1, $0x7  }
0x13e: {  	v1 =	vor.u32 v0, v1;
	v3 =	vadd.s32 $0x1E, v2;
	v4 =	vadd.s32 $0x1F, v2  }
0x13f: {  	v5 =	vadd.s32 $0x1B, v2;
	v6 =	vadd.s32 $0x1C, v2;
	v7 =	vadd.s32 $0x1D, v2  }
0x140: {  	v8 =	vadd.s32 $0x17, v2;
	v9 =	vadd.s32 $0x19, v2;
	v10 =	vadd.s32 $0x1A, v2  }
0x141: {  	v11 =	vadd.s32 $0x14, v2;
	v12 =	vadd.s32 $0x15, v2;
	v13 =	vadd.s32 $0x16, v2  }
0x142: {  	v14 =	vadd.s32 $0x11, v2;
	v15 =	vadd.s32 $0x12, v2;
	v16 =	vadd.s32 $0x13, v2  }
0x143: {  	v17 =	vadd.s32 $0xD, v2;
	v18 =	vadd.s32 $0xE, v2;
	v19 =	vadd.s32 $0xF, v2  }
0x144: {  	v20 =	vadd.s32 $0xA, v2;
	v21 =	vadd.s32 $0xB, v2;
	v22 =	vadd.s32 $0xC, v2  }
0x145: {  	v23 =	vadd.s32 $0x6, v2;
	v24 =	vadd.s32 $0x7, v2;
	v25 =	vadd.s32 $0x9, v2  }
0x146: {  	v28 =	vadd.s32 $0x3, v2;
	v29 =	vadd.s32 $0x4, v2;
	v30 =	vadd.s32 $0x5, v2  }
0x147: {  	v0 =	vand.u32 $0x7, v2;
	v62 =	vadd.s32 $0x1, v2;
	v63 =	vadd.s32 $0x2, v2  }
0x148: {  	v2 =	vand.u32 $0xFFFFFFF8, v2;
	[tilespmem:$0x1FF30] =	vst v0;
	v35 =	vand.u32 $0xFFFFFFF8, v4;
	v0 =	vand.u32 $0x7, v4  }
0x149: {  	v42 =	vand.u32 $0x7, v7;
	v36 =	vand.u32 $0xFFFFFFF8, v3;
	v32 =	vand.u32 $0x7, v3  }
0x14a: {  	v37 =	vand.u32 $0xFFFFFFF8, v6;
	v38 =	vand.u32 $0xFFFFFFF8, v5;
	v5 =	vand.u32 $0x7, v5  }
0x14b: {  	v39 =	vand.u32 $0xFFFFFFF8, v9;
	v44 =	vand.u32 $0x7, v9;
	v9 =	vand.u32 $0xFFFFFFF8, v10  }
0x14c: {  	v45 =	vand.u32 $0x7, v13;
	v40 =	vand.u32 $0xFFFFFFF8, v12;
	v12 =	vand.u32 $0x7, v12  }
0x14d: {  	v13 =	vand.u32 $0xFFFFFFF8, v13;
	v46 =	vand.u32 $0x7, v16;
	v41 =	vand.u32 $0xFFFFFFF8, v11  }
0x14e: {  	v11 =	vand.u32 $0x7, v11;
	v47 =	vand.u32 $0xFFFFFFF8, v15;
	v15 =	vand.u32 $0x7, v15  }
0x14f: {  	v16 =	vand.u32 $0xFFFFFFF8, v16;
	v48 =	vand.u32 $0x7, v19;
	v49 =	vand.u32 $0xFFFFFFF8, v14  }
0x150: {  	v50 =	vand.u32 $0x7, v14;
	v14 =	vand.u32 $0xFFFFFFF8, v18;
	v18 =	vand.u32 $0x7, v18  }
0x151: {  	v19 =	vand.u32 $0xFFFFFFF8, v19;
	v51 =	vand.u32 $0x7, v22;
	v52 =	vand.u32 $0xFFFFFFF8, v17  }
0x152: {  	v53 =	vand.u32 $0x7, v17;
	v17 =	vand.u32 $0xFFFFFFF8, v21;
	v21 =	vand.u32 $0x7, v21  }
0x153: {  	v54 =	vand.u32 $0xFFFFFFF8, v22;
	v55 =	vand.u32 $0x7, v25;
	v56 =	vand.u32 $0xFFFFFFF8, v20  }
0x154: {  	v57 =	vand.u32 $0x7, v20;
	v20 =	vand.u32 $0xFFFFFFF8, v24;
	v4 =	vand.u32 $0x7, v24  }
0x155: {  	v25 =	vand.u32 $0xFFFFFFF8, v25;
	v26 =	vand.u32 $0x7, v30;
	v58 =	vand.u32 $0xFFFFFFF8, v23  }
0x156: {  	v27 =	vand.u32 $0x7, v23;
	v23 =	vand.u32 $0xFFFFFFF8, v29;
	v24 =	vand.u32 $0x7, v29  }
0x157: {  	v29 =	vand.u32 $0xFFFFFFF8, v30;
	v30 =	vand.u32 $0x7, v63;
	v59 =	vand.u32 $0xFFFFFFF8, v28  }
0x158: {  	v31 =	vand.u32 $0x7, v28;
	v28 =	vand.u32 $0xFFFFFFF8, v62;
	v33 =	vand.u32 $0x7, v62  }
0x159: {  	v60 =	vand.u32 $0xFFFFFFF8, v63;
	v2 =	vadd.s32 v1, v2;
	[tilespmem:$0x1FF40] =	vst v0;
	v0 =	vand.u32 $0x7, v6  }
0x15a: {  	v6 =	vand.u32 $0xFFFFFFF8, v7;
	v7 =	vand.u32 $0x7, v10;
	v10 =	vand.u32 $0xFFFFFFF8, v8  }
0x15b: {  	v8 =	vand.u32 $0x7, v8;
	v61 =	vadd.s32 v1, v36;
	v62 =	vadd.s32 v1, v35  }
0x15c: {  	v63 =	vadd.s32 v1, v38;
	v3 =	vadd.s32 v1, v39;
	v9 =	vadd.s32 v1, v9  }
0x15d: {  	v22 =	vadd.s32 v1, v41;
	v43 =	vadd.s32 v1, v40;
	v13 =	vadd.s32 v1, v13  }
0x15e: {  	v49 =	vadd.s32 v1, v49;
	v47 =	vadd.s32 v1, v47;
	v16 =	vadd.s32 v1, v16  }
0x15f: {  	v52 =	vadd.s32 v1, v52;
	v14 =	vadd.s32 v1, v14;
	v19 =	vadd.s32 v1, v19  }
0x160: {  	v56 =	vadd.s32 v1, v56;
	v17 =	vadd.s32 v1, v17;
	v54 =	vadd.s32 v1, v54  }
0x161: {  	v34 =	vadd.s32 v1, v58;
	v35 =	vadd.s32 v1, v20;
	v58 =	vadd.s32 v1, v25  }
0x162: {  	v38 =	vadd.s32 v1, v23;
	v40 =	vadd.s32 v1, v29;
	v20 =	vld [tilespmem:$0x1FF30];
	v39 =	vadd.s32 v1, v28  }
0x163: {  	v41 =	vadd.s32 v1, v60;
	[tilespmem:$0x1FF50] =	vst v0;
	v0 =	vadd.s32 v1, v37;
	v6 =	vadd.s32 v1, v6  }
0x164: {  	v10 =	vadd.s32 v1, v10;
	v37 =	vadd.s32 v1, v59;
	v59 =	vor.u32 v32, v61  }
0x165: {  	v7 =	vor.u32 v7, v9;
	v61 =	vor.u32 v11, v22;
	v19 =	vor.u32 v48, v19  }
0x166: {  	v25 =	vor.u32 v21, v17;
	v60 =	vor.u32 v42, v6;
	v6 =	vor.u32 v5, v63;
	v5 =	vld [tilespmem:$0x1FF50]  }
0x167: {  	p0 =	sne.s32 s25, $0xF0;
	v23 =	vor.u32 v51, v54;
	v21 =	vor.u32 v53, v52;
	v36 =	vor.u32 v20, v2;
	v2 =	vld [tilespmem:$0x1FF40]  }
.Ltmp1:
0x168: {  	v29 =	vor.u32 v55, v58;
	v28 =	vor.u32 v57, v56;
	v10 =	vor.u32 v8, v10;
	(pc) =	sbr.rel @p0 .LBB2_4-.Ltmp1, $4  }
0x169: {  	v8 =	vor.u32 v44, v3;
	v3 =	vor.u32 v15, v47;
	v15 =	vor.u32 v46, v16  }
0x16a: {  	v20 =	vor.u32 v18, v14;
	v9 =	vadd.s32 $0x18, v36;
	v18 =	vadd.s32 $0x10, v36  }
0x16b: {  	s24 =	sadd.s32 $0x10, s24;
	v32 =	vadd.s32 $0x8, v36;
	v5 =	vor.u32 v5, v0;
	v0 =	vor.u32 v12, v43  }
0x16c: {  	s25 =	sadd.s32 $0x10, s25;
	v11 =	vld [tilespmem:s24+$0x0];
	v12 =	vor.u32 v45, v13;
	v13 =	vor.u32 v50, v49;
	v2 =	vor.u32 v2, v62  }
0x16d: {  	_ = 	snop  }
0x16e: {  	v14 =	vor.u32 v26, v40  }
0x16f: {  	v16 =	vor.u32 v27, v34;
	v4 =	vor.u32 v4, v35;
	v17 =	vor.u32 v30, v41  }
0x170: {  	v58 =	vor.u32 v31, v37;
	v62 =	vor.u32 v24, v38;
	v63 =	vor.u32 v33, v39  }
0x171: {  	v22 =	vadd.s32 $0x1E, v11;
	v30 =	vadd.s32 $0x17, v11;
	v26 =	vadd.s32 $0x1C, v11  }
0x172: {  	v27 =	vand.u32 $0xFFFFFFF8, v11;
	v33 =	vadd.s32 $0x15, v11;
	v31 =	vadd.s32 $0x16, v11  }
0x173: {  	v46 =	vand.u32 $0x7, v11;
	v47 =	vadd.s32 $0x1, v11;
	v49 =	vadd.s32 $0x2, v11  }
0x174: {  	v42 =	vadd.s32 $0xF, v11;
	v43 =	vadd.s32 $0x3, v11;
	v27 =	vadd.s32 v1, v27  }
0x175: {  	v44 =	vadd.s32 $0xE, v11;
	v48 =	vand.u32 $0xFFFFFFF8, v47;
	v27 =	vor.u32 v46, v27  }
0x176: {  	v45 =	vadd.s32 $0x4, v11;
	v39 =	vand.u32 $0x7, v47;
	v40 =	vadd.s32 v1, v48  }
0x177: {  	v50 =	vand.u32 $0xFFFFFFF8, v49;
	v41 =	vand.u32 $0x7, v49;
	v39 =	vor.u32 v39, v40  }
0x178: {  	v36 =	vld.idx.msk [tilespmem:v36+s13+$0x0], $0xffff;
	v51 =	vand.u32 $0xFFFFFFF8, v43;
	v43 =	vand.u32 $0x7, v43;
	v40 =	vadd.s32 v1, v50  }
0x179: {  	v52 =	vand.u32 $0xFFFFFFF8, v45;
	v47 =	vadd.s32 $0xD, v11;
	v38 =	vld.idx.msk [tilespmem:v63+s13+$0x0], $0xffff;
	v40 =	vor.u32 v41, v40  }
0x17a: {  	v45 =	vand.u32 $0x7, v45;
	v49 =	vadd.s32 $0xC, v11;
	v41 =	vadd.s32 v1, v51;
	v46 =	vld.idx.msk [tilespmem:v27+s15+$0x0], $0xffff  }
0x17b: {  	v37 =	vld.idx.msk [tilespmem:v62+s13+$0x0], $0xffff;
	v62 =	vadd.s32 $0xA, v11;
	v48 =	vadd.s32 $0x5, v11;
	v41 =	vor.u32 v43, v41  }
0x17c: {  	v63 =	vadd.s32 $0x9, v11;
	v53 =	vand.u32 $0xFFFFFFF8, v48;
	v43 =	vadd.s32 v1, v52;
	v39 =	vld.idx.msk [tilespmem:v39+s15+$0x0], $0xffff  }
0x17d: {  	v17 =	vld.idx.msk [tilespmem:v17+s13+$0x0], $0xffff;
	v48 =	vand.u32 $0x7, v48;
	v50 =	vadd.s32 $0x6, v11;
	v43 =	vor.u32 v45, v43  }
0x17e: {  	v54 =	vand.u32 $0xFFFFFFF8, v50;
	v51 =	vadd.s32 $0x7, v11;
	v45 =	vadd.s32 v1, v53;
	v40 =	vld.idx.msk [tilespmem:v40+s15+$0x0], $0xffff  }
0x17f: {  	v35 =	vld.idx.msk [tilespmem:v58+s13+$0x0], $0xffff;
	v55 =	vand.u32 $0x7, v50;
	v45 =	vor.u32 v48, v45;
	v36 =	vmul.f32 v46, v36  }
0x180: {  	v50 =	vadd.s32 $0xB, v11;
	v56 =	vand.u32 $0xFFFFFFF8, v51;
	v48 =	vadd.s32 v1, v54;
	v41 =	vld.idx.msk [tilespmem:v41+s15+$0x0], $0xffff  }
0x181: {  	v46 =	vor.u32 v55, v48;
	v38 =	vmul.f32 v39, v38;
	v36 =	vadd.f32 $0.0e+00, v36  }
0x182: {  	v57 =	vand.u32 $0x7, v51;
	v51 =	vand.u32 $0xFFFFFFF8, v50;
	v58 =	vadd.s32 v1, v56;
	v43 =	vld.idx.msk [tilespmem:v43+s15+$0x0], $0xffff  }
0x183: {  	v14 =	vld.idx.msk [tilespmem:v14+s13+$0x0], $0xffff;
	v39 =	vor.u32 v57, v58;
	v17 =	vmul.f32 v40, v17;
	v36 =	vadd.f32 v38, v36  }
0x184: {  	v52 =	vand.u32 $0x7, v50;
	v53 =	vadd.s32 v1, v51;
	v54 =	vadd.s32 $0x8, v27;
	v40 =	vld.idx.msk [tilespmem:v45+s15+$0x0], $0xffff  }
0x185: {  	v16 =	vld.idx.msk [tilespmem:v16+s13+$0x0], $0xffff;
	v55 =	vand.u32 $0xFFFFFFF8, v63;
	v35 =	vmul.f32 v41, v35;
	v17 =	vadd.f32 v17, v36  }
0x186: {  	v56 =	vadd.s32 v1, v55;
	v58 =	vand.u32 $0xFFFFFFF8, v62;
	v38 =	vand.u32 $0x7, v63;
	v57 =	vld.idx.msk [tilespmem:v46+s15+$0x0], $0xffff  }
0x187: {  	v4 =	vld.idx.msk [tilespmem:v4+s13+$0x0], $0xffff;
	v63 =	vmul.f32 v43, v37;
	v36 =	vor.u32 v38, v56;
	v17 =	vadd.f32 v35, v17  }
0x188: {  	v62 =	vand.u32 $0x7, v62;
	v55 =	vand.u32 $0xFFFFFFF8, v49;
	v43 =	vadd.s32 v1, v58;
	v48 =	vld.idx.msk [tilespmem:v39+s15+$0x0], $0xffff  }
0x189: {  	v32 =	vld.idx.msk [tilespmem:v32+s13+$0x0], $0xffff;
	v37 =	vor.u32 v62, v43;
	v14 =	vmul.f32 v40, v14;
	v17 =	vadd.f32 v63, v17  }
0x18a: {  	v54 =	vld.idx.msk [tilespmem:v54+s15+$0x0], $0xffff;
	v45 =	vand.u32 $0x7, v42;
	v58 =	vand.u32 $0x7, v47;
	v62 =	vand.u32 $0xFFFFFFF8, v44  }
0x18b: {  	v29 =	vld.idx.msk [tilespmem:v29+s13+$0x0], $0xffff;
	v35 =	vor.u32 v52, v53;
	v16 =	vmul.f32 v57, v16;
	v14 =	vadd.f32 v14, v17  }
0x18c: {  	v56 =	vand.u32 $0x7, v49;
	v57 =	vand.u32 $0xFFFFFFF8, v47;
	v36 =	vld.idx.msk [tilespmem:v36+s15+$0x0], $0xffff;
	v17 =	vadd.s32 v1, v55  }
0x18d: {  	v28 =	vld.idx.msk [tilespmem:v28+s13+$0x0], $0xffff;
	v4 =	vmul.f32 v48, v4;
	v17 =	vor.u32 v56, v17;
	v14 =	vadd.f32 v16, v14  }
0x18e: {  	v43 =	vadd.s32 v1, v62;
	v37 =	vld.idx.msk [tilespmem:v37+s15+$0x0], $0xffff;
	v63 =	vand.u32 $0x7, v44;
	v16 =	vadd.s32 v1, v57  }
0x18f: {  	v25 =	vld.idx.msk [tilespmem:v25+s13+$0x0], $0xffff;
	v16 =	vor.u32 v58, v16;
	v4 =	vadd.f32 v4, v14;
	v14 =	vmul.f32 v54, v32  }
0x190: {  	v46 =	vadd.s32 $0x12, v11;
	v44 =	vand.u32 $0xFFFFFFF8, v42;
	v35 =	vld.idx.msk [tilespmem:v35+s15+$0x0], $0xffff;
	v32 =	vor.u32 v63, v43  }
0x191: {  	v23 =	vld.idx.msk [tilespmem:v23+s13+$0x0], $0xffff;
	v4 =	vadd.f32 v14, v4;
	v14 =	vmul.f32 v36, v29;
	v29 =	vadd.s32 v1, v44  }
0x192: {  	v34 =	vadd.s32 $0x14, v11;
	v50 =	vand.u32 $0x7, v46;
	v17 =	vld.idx.msk [tilespmem:v17+s15+$0x0], $0xffff;
	v29 =	vor.u32 v45, v29  }
0x193: {  	v21 =	vld.idx.msk [tilespmem:v21+s13+$0x0], $0xffff;
	v4 =	vadd.f32 v14, v4;
	v14 =	vmul.f32 v37, v28;
	v28 =	vadd.s32 $0x11, v11  }
0x194: {  	v48 =	vadd.s32 $0x10, v27;
	v16 =	vld.idx.msk [tilespmem:v16+s15+$0x0], $0xffff;
	v49 =	vand.u32 $0xFFFFFFF8, v28;
	v28 =	vand.u32 $0x7, v28  }
0x195: {  	v20 =	vld.idx.msk [tilespmem:v20+s13+$0x0], $0xffff;
	v4 =	vadd.f32 v14, v4;
	v14 =	vmul.f32 v35, v25;
	v25 =	vadd.s32 v1, v49  }
0x196: {  	v47 =	vadd.s32 $0x13, v11;
	v32 =	vld.idx.msk [tilespmem:v32+s15+$0x0], $0xffff;
	v25 =	vor.u32 v28, v25;
	v28 =	vand.u32 $0xFFFFFFF8, v46  }
0x197: {  	v19 =	vld.idx.msk [tilespmem:v19+s13+$0x0], $0xffff;
	v4 =	vadd.f32 v14, v4;
	v14 =	vmul.f32 v17, v23;
	v17 =	vadd.s32 v1, v28  }
0x198: {  	v23 =	vld.idx.msk [tilespmem:v29+s15+$0x0], $0xffff;
	v28 =	vand.u32 $0xFFFFFFF8, v47;
	v29 =	vand.u32 $0x7, v47;
	v17 =	vor.u32 v50, v17  }
0x199: {  	v18 =	vld.idx.msk [tilespmem:v18+s13+$0x0], $0xffff;
	v4 =	vadd.f32 v14, v4;
	v14 =	vmul.f32 v16, v21;
	v16 =	vadd.s32 v1, v28  }
0x19a: {  	v21 =	vld.idx.msk [tilespmem:v48+s15+$0x0], $0xffff;
	v28 =	vand.u32 $0xFFFFFFF8, v34;
	v16 =	vor.u32 v29, v16;
	v29 =	vand.u32 $0x7, v34  }
0x19b: {  	v13 =	vld.idx.msk [tilespmem:v13+s13+$0x0], $0xffff;
	v4 =	vadd.f32 v14, v4;
	v14 =	vmul.f32 v32, v20;
	v20 =	vadd.s32 v1, v28  }
0x19c: {  	v25 =	vld.idx.msk [tilespmem:v25+s15+$0x0], $0xffff;
	v28 =	vand.u32 $0xFFFFFFF8, v33;
	v20 =	vor.u32 v29, v20;
	v29 =	vand.u32 $0x7, v33  }
0x19d: {  	v3 =	vld.idx.msk [tilespmem:v3+s13+$0x0], $0xffff;
	v4 =	vadd.f32 v14, v4;
	v14 =	vmul.f32 v23, v19;
	v19 =	vadd.s32 v1, v28  }
0x19e: {  	v17 =	vld.idx.msk [tilespmem:v17+s15+$0x0], $0xffff;
	v23 =	vand.u32 $0xFFFFFFF8, v31;
	v28 =	vand.u32 $0x7, v31;
	v19 =	vor.u32 v29, v19  }
0x19f: {  	v15 =	vld.idx.msk [tilespmem:v15+s13+$0x0], $0xffff;
	v4 =	vadd.f32 v14, v4;
	v14 =	vmul.f32 v21, v18;
	v18 =	vadd.s32 v1, v23  }
0x1a0: {  	v16 =	vld.idx.msk [tilespmem:v16+s15+$0x0], $0xffff;
	v21 =	vand.u32 $0xFFFFFFF8, v30;
	v23 =	vand.u32 $0x7, v30;
	v18 =	vor.u32 v28, v18  }
0x1a1: {  	v28 =	vld.idx.msk [tilespmem:v61+s13+$0x0], $0xffff;
	v13 =	vmul.f32 v25, v13;
	v4 =	vadd.f32 v14, v4;
	v14 =	vadd.s32 v1, v21  }
0x1a2: {  	v24 =	vadd.s32 $0x1D, v11;
	v20 =	vld.idx.msk [tilespmem:v20+s15+$0x0], $0xffff;
	v21 =	vadd.s32 $0x1A, v11;
	v14 =	vor.u32 v23, v14  }
0x1a3: {  	v0 =	vld.idx.msk [tilespmem:v0+s13+$0x0], $0xffff;
	v3 =	vmul.f32 v17, v3;
	v4 =	vadd.f32 v13, v4;
	v13 =	vadd.s32 $0x19, v11  }
0x1a4: {  	v17 =	vld.idx.msk [tilespmem:v19+s15+$0x0], $0xffff;
	v19 =	vadd.s32 $0x18, v27;
	v25 =	vand.u32 $0xFFFFFFF8, v13;
	v13 =	vand.u32 $0x7, v13  }
0x1a5: {  	v12 =	vld.idx.msk [tilespmem:v12+s13+$0x0], $0xffff;
	v3 =	vadd.f32 v3, v4;
	v4 =	vmul.f32 v16, v15;
	v15 =	vadd.s32 v1, v25  }
0x1a6: {  	v16 =	vld.idx.msk [tilespmem:v18+s15+$0x0], $0xffff;
	v18 =	vand.u32 $0x7, v21;
	v13 =	vor.u32 v13, v15;
	v15 =	vand.u32 $0xFFFFFFF8, v21  }
0x1a7: {  	v10 =	vld.idx.msk [tilespmem:v10+s13+$0x0], $0xffff;
	v3 =	vadd.f32 v4, v3;
	v4 =	vmul.f32 v20, v28;
	v15 =	vadd.s32 v1, v15  }
0x1a8: {  	v23 =	vadd.s32 $0x1B, v11;
	v11 =	vadd.s32 $0x1F, v11;
	v14 =	vld.idx.msk [tilespmem:v14+s15+$0x0], $0xffff;
	v15 =	vor.u32 v18, v15  }
0x1a9: {  	v9 =	vld.idx.msk [tilespmem:v9+s13+$0x0], $0xffff;
	v18 =	vand.u32 $0xFFFFFFF8, v23;
	v0 =	vmul.f32 v17, v0;
	v3 =	vadd.f32 v4, v3  }
0x1aa: {  	v20 =	vand.u32 $0x7, v23;
	v17 =	vld.idx.msk [tilespmem:v19+s15+$0x0], $0xffff;
	v4 =	vadd.s32 v1, v18;
	v18 =	vand.u32 $0xFFFFFFF8, v26  }
0x1ab: {  	v8 =	vld.idx.msk [tilespmem:v8+s13+$0x0], $0xffff;
	v4 =	vor.u32 v20, v4;
	v0 =	vadd.f32 v0, v3;
	v3 =	vmul.f32 v16, v12  }
0x1ac: {  	v19 =	vand.u32 $0x7, v26;
	v12 =	vadd.s32 v1, v18;
	v13 =	vld.idx.msk [tilespmem:v13+s15+$0x0], $0xffff;
	v16 =	vand.u32 $0xFFFFFFF8, v24  }
0x1ad: {  	v7 =	vld.idx.msk [tilespmem:v7+s13+$0x0], $0xffff;
	v12 =	vor.u32 v19, v12;
	v0 =	vadd.f32 v3, v0;
	v3 =	vmul.f32 v14, v10  }
0x1ae: {  	v18 =	vand.u32 $0x7, v24;
	v10 =	vadd.s32 v1, v16;
	v14 =	vld.idx.msk [tilespmem:v15+s15+$0x0], $0xffff;
	v15 =	vand.u32 $0xFFFFFFF8, v22  }
0x1af: {  	v6 =	vld.idx.msk [tilespmem:v6+s13+$0x0], $0xffff;
	v10 =	vor.u32 v18, v10;
	v0 =	vadd.f32 v3, v0;
	v3 =	vmul.f32 v17, v9  }
0x1b0: {  	v16 =	vand.u32 $0x7, v22;
	v9 =	vadd.s32 v1, v15;
	v4 =	vld.idx.msk [tilespmem:v4+s15+$0x0], $0xffff;
	v15 =	vand.u32 $0xFFFFFFF8, v11  }
0x1b1: {  	v5 =	vld.idx.msk [tilespmem:v5+s13+$0x0], $0xffff;
	v9 =	vor.u32 v16, v9;
	v0 =	vadd.f32 v3, v0;
	v3 =	vmul.f32 v13, v8  }
0x1b2: {  	v1 =	vadd.s32 v1, v15;
	v8 =	vand.u32 $0x7, v11;
	v11 =	vld.idx.msk [tilespmem:v12+s15+$0x0], $0xffff  }
0x1b3: {  	v12 =	vld.idx.msk [tilespmem:v60+s13+$0x0], $0xffff;
	v1 =	vor.u32 v8, v1;
	v0 =	vadd.f32 v3, v0;
	v3 =	vmul.f32 v14, v7  }
0x1b4: {  	v7 =	vld.idx.msk [tilespmem:v10+s15+$0x0], $0xffff  }
0x1b5: {  	v8 =	vld.idx.msk [tilespmem:v59+s13+$0x0], $0xffff;
	v0 =	vadd.f32 v3, v0;
	v3 =	vmul.f32 v4, v6  }
0x1b6: {  	v4 =	vld.idx.msk [tilespmem:v9+s15+$0x0], $0xffff  }
0x1b7: {  	v2 =	vld.idx.msk [tilespmem:v2+s13+$0x0], $0xffff;
	v0 =	vadd.f32 v3, v0;
	v3 =	vmul.f32 v11, v5  }
0x1b8: {  	v1 =	vld.idx.msk [tilespmem:v1+s15+$0x0], $0xffff  }
0x1b9: {  	v0 =	vadd.f32 v3, v0;
	v3 =	vmul.f32 v7, v12;
	_ =	sdelay $0x1  }
0x1ba: {  	v0 =	vadd.f32 v3, v0;
	v3 =	vmul.f32 v4, v8;
	_ =	sdelay $0x1  }
0x1bb: {  	v1 =	vmul.f32 v1, v2;
	v0 =	vadd.f32 v3, v0;
	_ =	sdelay $0x1  }
0x1bc: {  	v0 =	vadd.f32 v1, v0  }
0x1bd: {  	s22 =	sadd.s32 $0x10, s22  }
0x1be: {  	[tilespmem:s22+$0x0] =	vst v0  }
0x1bf: {  	[tilespmem:s13], [sflag:$0x1] =	stream.indirect.gather [hbm4b:s3+s11], $0x80, s18, s11, $0xb8;
	[tilespmem:$0x10E00] =	vst v63  }
0x1c0: {  	_ = 	snop  }
0x1c1: {  	[tilespmem:s15], [sflag:$0x2] =	stream.indirect.gather [hbm4b:s4+s11], $0x80, s19, s11, $0xb8;
	[tilespmem:$0x10E00] =	vst v63  }
0x1c2: {  	_ =	swait.ge [sflag:s16], $0x8000  }
0x1c3: {  	[sflag:s16] =	ssyncset.done $0x0  }
0x1c4: {  	[sflag:s16] =	ssyncadd.s32 $0xFFFF8000  }
0x1c5: {  	_ =	swait.ge [sflag:s17], $0x8000  }
0x1c6: {  	[sflag:s17] =	ssyncset.done $0x0  }
0x1c7: {  	s29 =	simm.s32 $0x900;
	v2 =	vld [tilespmem:$0x1FFF0];
	[sflag:s17] =	ssyncadd.s32 $0xFFFF8000  }
0x1c8: {  	v0 =	vld [tilespmem:s29+$0x0]  }
0x1c9: {  	s30 =	simm.s32 $0x0  }
0x1ca: {  	v1 =	vmov s30  }
0x1cb: {  	v1 =	vshll.u32 v1, $0x7  }
0x1cc: {  	v1 =	vor.u32 v2, v1  }
0x1cd: {  	v3 =	vadd.s32 $0x1E, v0;
	v2 =	vadd.s32 $0x1F, v0;
	v4 =	vadd.s32 $0x1B, v0  }
0x1ce: {  	v5 =	vadd.s32 $0x1C, v0;
	v6 =	vadd.s32 $0x1D, v0;
	v7 =	vadd.s32 $0x17, v0  }
0x1cf: {  	v8 =	vadd.s32 $0x19, v0;
	v9 =	vadd.s32 $0x1A, v0;
	v10 =	vadd.s32 $0x14, v0  }
0x1d0: {  	v11 =	vadd.s32 $0x15, v0;
	v12 =	vadd.s32 $0x16, v0;
	v13 =	vadd.s32 $0x11, v0  }
0x1d1: {  	v14 =	vadd.s32 $0x12, v0;
	v15 =	vadd.s32 $0x13, v0;
	v16 =	vadd.s32 $0xD, v0  }
0x1d2: {  	v17 =	vadd.s32 $0xE, v0;
	v18 =	vadd.s32 $0xF, v0;
	v19 =	vadd.s32 $0xA, v0  }
0x1d3: {  	v20 =	vadd.s32 $0xB, v0;
	v21 =	vadd.s32 $0xC, v0;
	v22 =	vadd.s32 $0x6, v0  }
0x1d4: {  	v23 =	vadd.s32 $0x7, v0;
	v24 =	vadd.s32 $0x9, v0;
	v25 =	vadd.s32 $0x3, v0  }
0x1d5: {  	v26 =	vadd.s32 $0x4, v0;
	v27 =	vadd.s32 $0x5, v0;
	v28 =	vand.u32 $0x7, v0  }
0x1d6: {  	v29 =	vadd.s32 $0x1, v0;
	v30 =	vadd.s32 $0x2, v0;
	v0 =	vand.u32 $0xFFFFFFF8, v0  }
0x1d7: {  	v31 =	vand.u32 $0xFFFFFFF8, v2;
	v2 =	vand.u32 $0x7, v2;
	v32 =	vand.u32 $0x7, v6  }
0x1d8: {  	v33 =	vand.u32 $0xFFFFFFF8, v3;
	v34 =	vand.u32 $0xFFFFFFF8, v5;
	v35 =	vand.u32 $0x7, v5  }
0x1d9: {  	v6 =	vand.u32 $0xFFFFFFF8, v6;
	v36 =	vand.u32 $0x7, v9;
	v37 =	vand.u32 $0xFFFFFFF8, v4  }
0x1da: {  	v38 =	vand.u32 $0x7, v4;
	v39 =	vand.u32 $0xFFFFFFF8, v8;
	v40 =	vand.u32 $0x7, v8  }
0x1db: {  	v8 =	vand.u32 $0xFFFFFFF8, v9;
	v41 =	vand.u32 $0x7, v12;
	v9 =	vand.u32 $0xFFFFFFF8, v7  }
0x1dc: {  	v42 =	vand.u32 $0x7, v7;
	v7 =	vand.u32 $0xFFFFFFF8, v11;
	v43 =	vand.u32 $0x7, v11  }
0x1dd: {  	v11 =	vand.u32 $0xFFFFFFF8, v12;
	v44 =	vand.u32 $0x7, v15;
	v12 =	vand.u32 $0xFFFFFFF8, v10  }
0x1de: {  	v10 =	vand.u32 $0x7, v10;
	v45 =	vand.u32 $0xFFFFFFF8, v14;
	v46 =	vand.u32 $0x7, v14  }
0x1df: {  	v14 =	vand.u32 $0xFFFFFFF8, v15;
	v15 =	vand.u32 $0x7, v18;
	v47 =	vand.u32 $0xFFFFFFF8, v13  }
0x1e0: {  	v13 =	vand.u32 $0x7, v13;
	v48 =	vand.u32 $0xFFFFFFF8, v17;
	v17 =	vand.u32 $0x7, v17  }
0x1e1: {  	v18 =	vand.u32 $0xFFFFFFF8, v18;
	v49 =	vand.u32 $0x7, v21;
	v50 =	vand.u32 $0xFFFFFFF8, v16  }
0x1e2: {  	v51 =	vand.u32 $0x7, v16;
	v16 =	vand.u32 $0xFFFFFFF8, v20;
	v52 =	vand.u32 $0x7, v20  }
0x1e3: {  	v20 =	vand.u32 $0xFFFFFFF8, v21;
	v53 =	vand.u32 $0x7, v24;
	v21 =	vand.u32 $0xFFFFFFF8, v19  }
0x1e4: {  	v54 =	vand.u32 $0x7, v19;
	v19 =	vand.u32 $0xFFFFFFF8, v23;
	v23 =	vand.u32 $0x7, v23  }
0x1e5: {  	v24 =	vand.u32 $0xFFFFFFF8, v24;
	v55 =	vand.u32 $0x7, v27;
	v56 =	vand.u32 $0xFFFFFFF8, v22  }
0x1e6: {  	v22 =	vand.u32 $0x7, v22;
	v57 =	vand.u32 $0xFFFFFFF8, v26;
	v58 =	vand.u32 $0x7, v26  }
0x1e7: {  	v26 =	vand.u32 $0xFFFFFFF8, v27;
	v27 =	vand.u32 $0x7, v30;
	v59 =	vand.u32 $0xFFFFFFF8, v25  }
0x1e8: {  	v25 =	vand.u32 $0x7, v25;
	v60 =	vand.u32 $0xFFFFFFF8, v29;
	v61 =	vand.u32 $0x7, v29  }
0x1e9: {  	v29 =	vand.u32 $0xFFFFFFF8, v30;
	v0 =	vadd.s32 v1, v0;
	[tilespmem:$0x1FEC0] =	vst v2;
	v2 =	vand.u32 $0x7, v3  }
0x1ea: {  	v5 =	vadd.s32 v1, v33;
	v4 =	vadd.s32 v1, v31;
	v30 =	vadd.s32 v1, v37  }
0x1eb: {  	v31 =	vadd.s32 v1, v34;
	v6 =	vadd.s32 v1, v6;
	v33 =	vadd.s32 v1, v9  }
0x1ec: {  	v34 =	vadd.s32 v1, v39;
	v8 =	vadd.s32 v1, v8;
	v37 =	vadd.s32 v1, v12  }
0x1ed: {  	v39 =	vadd.s32 v1, v7;
	v62 =	vadd.s32 v1, v11;
	v47 =	vadd.s32 v1, v47  }
0x1ee: {  	v45 =	vadd.s32 v1, v45;
	v63 =	vadd.s32 v1, v14;
	v50 =	vadd.s32 v1, v50  }
0x1ef: {  	v48 =	vadd.s32 v1, v48;
	v3 =	vadd.s32 v1, v21;
	v7 =	vadd.s32 v1, v16  }
0x1f0: {  	v9 =	vadd.s32 v1, v20;
	v56 =	vadd.s32 v1, v56;
	v11 =	vadd.s32 v1, v19  }
0x1f1: {  	v12 =	vadd.s32 v1, v24;
	v59 =	vadd.s32 v1, v59;
	v57 =	vadd.s32 v1, v57  }
0x1f2: {  	v14 =	vadd.s32 v1, v26;
	v0 =	vor.u32 v28, v0;
	v16 =	vadd.s32 v1, v60  }
0x1f3: {  	[tilespmem:$0x1FEB0] =	vst v2;
	v2 =	vadd.s32 v1, v18;
	v18 =	vadd.s32 v1, v29;
	v6 =	vor.u32 v32, v6  }
0x1f4: {  	v36 =	vor.u32 v36, v8;
	v8 =	vor.u32 v38, v30;
	v60 =	vor.u32 v35, v31  }
0x1f5: {  	v38 =	vor.u32 v42, v33;
	v35 =	vadd.s32 $0x18, v0;
	v33 =	vor.u32 v40, v34  }
0x1f6: {  	v19 =	vor.u32 v10, v37;
	v37 =	vor.u32 v43, v39;
	v34 =	vor.u32 v41, v62  }
0x1f7: {  	s31 =	simm.s32 $0xB00;
	v24 =	vor.u32 v13, v47;
	v21 =	vor.u32 v46, v45;
	v20 =	vor.u32 v44, v63  }
0x1f8: {  	v10 =	vld [tilespmem:s31+$0x0];
	v29 =	vor.u32 v17, v48;
	v26 =	vadd.s32 $0x10, v0;
	v32 =	vor.u32 v49, v9  }
0x1f9: {  	v31 =	vor.u32 v51, v50;
	v9 =	vor.u32 v53, v12;
	v3 =	vor.u32 v54, v3  }
0x1fa: {  	v12 =	vor.u32 v55, v14;
	v14 =	vor.u32 v22, v56;
	v11 =	vor.u32 v23, v11  }
0x1fb: {  	v39 =	vor.u32 v25, v59;
	v40 =	vor.u32 v58, v57;
	v16 =	vor.u32 v61, v16  }
0x1fc: {  	v28 =	vor.u32 v15, v2;
	v2 =	vor.u32 v52, v7;
	v7 =	vadd.s32 $0x8, v0  }
0x1fd: {  	v18 =	vor.u32 v27, v18;
	v23 =	vadd.s32 $0x17, v10;
	v17 =	vadd.s32 $0x1C, v10  }
0x1fe: {  	v22 =	vand.u32 $0xFFFFFFF8, v10;
	v27 =	vadd.s32 $0x15, v10;
	v25 =	vadd.s32 $0x16, v10  }
0x1ff: {  	v30 =	vand.u32 $0x7, v10;
	v51 =	vadd.s32 $0x1, v10;
	v53 =	vadd.s32 $0x2, v10  }
0x200: {  	v44 =	vadd.s32 $0xF, v10;
	v55 =	vadd.s32 $0x3, v10;
	v22 =	vadd.s32 v1, v22  }
0x201: {  	v46 =	vadd.s32 $0xE, v10;
	v52 =	vand.u32 $0xFFFFFFF8, v51;
	v22 =	vor.u32 v30, v22  }
0x202: {  	v57 =	vadd.s32 $0x4, v10;
	v41 =	vand.u32 $0x7, v51;
	v42 =	vadd.s32 v1, v52  }
0x203: {  	v49 =	vadd.s32 $0xD, v10;
	v54 =	vand.u32 $0xFFFFFFF8, v53;
	v41 =	vor.u32 v41, v42  }
0x204: {  	v0 =	vld.idx.msk [tilespmem:v0+s13+$0x0], $0xffff;
	v61 =	vadd.s32 $0x5, v10;
	v43 =	vand.u32 $0x7, v53;
	v42 =	vadd.s32 v1, v54  }
0x205: {  	v16 =	vld.idx.msk [tilespmem:v16+s13+$0x0], $0xffff;
	v63 =	vadd.s32 $0x6, v10;
	v56 =	vand.u32 $0xFFFFFFF8, v55;
	v42 =	vor.u32 v43, v42  }
0x206: {  	v45 =	vand.u32 $0x7, v55;
	v59 =	vand.u32 $0xFFFFFFF8, v57;
	v43 =	vadd.s32 v1, v56;
	v58 =	vld.idx.msk [tilespmem:v22+s15+$0x0], $0xffff  }
0x207: {  	v39 =	vld.idx.msk [tilespmem:v39+s13+$0x0], $0xffff;
	v47 =	vand.u32 $0x7, v57;
	v62 =	vand.u32 $0xFFFFFFF8, v61;
	v43 =	vor.u32 v45, v43  }
0x208: {  	v51 =	vadd.s32 $0xC, v10;
	v50 =	vand.u32 $0x7, v61;
	v45 =	vadd.s32 v1, v59;
	v41 =	vld.idx.msk [tilespmem:v41+s15+$0x0], $0xffff  }
0x209: {  	v18 =	vld.idx.msk [tilespmem:v18+s13+$0x0], $0xffff;
	v57 =	vadd.s32 $0x7, v10;
	v55 =	vand.u32 $0x7, v49;
	v45 =	vor.u32 v47, v45  }
0x20a: {  	v61 =	vand.u32 $0x7, v57;
	v56 =	vand.u32 $0xFFFFFFF8, v63;
	v47 =	vadd.s32 v1, v62;
	v42 =	vld.idx.msk [tilespmem:v42+s15+$0x0], $0xffff  }
0x20b: {  	v40 =	vld.idx.msk [tilespmem:v40+s13+$0x0], $0xffff;
	v59 =	vand.u32 $0xFFFFFFF8, v57;
	v47 =	vor.u32 v50, v47;
	v0 =	vmul.f32 v58, v0  }
0x20c: {  	v62 =	vadd.s32 v1, v59;
	v50 =	vadd.s32 v1, v56;
	v43 =	vld.idx.msk [tilespmem:v43+s15+$0x0], $0xffff;
	v58 =	vand.u32 $0x7, v63  }
0x20d: {  	v12 =	vld.idx.msk [tilespmem:v12+s13+$0x0], $0xffff;
	v48 =	vor.u32 v58, v50;
	v16 =	vmul.f32 v41, v16;
	v0 =	vadd.f32 $0.0e+00, v0  }
0x20e: {  	v30 =	vadd.s32 $0x14, v10;
	v45 =	vld.idx.msk [tilespmem:v45+s15+$0x0], $0xffff;
	v63 =	vadd.s32 $0xA, v10;
	v41 =	vor.u32 v61, v62  }
0x20f: {  	v14 =	vld.idx.msk [tilespmem:v14+s13+$0x0], $0xffff;
	v59 =	vand.u32 $0xFFFFFFF8, v63;
	v0 =	vadd.f32 v16, v0;
	v16 =	vmul.f32 v42, v18  }
0x210: {  	v61 =	vand.u32 $0x7, v63;
	v18 =	vadd.s32 $0x9, v10;
	v42 =	vld.idx.msk [tilespmem:v47+s15+$0x0], $0xffff;
	v47 =	vadd.s32 $0x8, v22  }
0x211: {  	v11 =	vld.idx.msk [tilespmem:v11+s13+$0x0], $0xffff;
	v56 =	vand.u32 $0xFFFFFFF8, v18;
	v0 =	vadd.f32 v16, v0;
	v16 =	vmul.f32 v43, v39  }
0x212: {  	v18 =	vand.u32 $0x7, v18;
	v57 =	vadd.s32 v1, v56;
	v58 =	vld.idx.msk [tilespmem:v48+s15+$0x0], $0xffff;
	v39 =	vadd.s32 v1, v59  }
0x213: {  	v9 =	vld.idx.msk [tilespmem:v9+s13+$0x0], $0xffff;
	v18 =	vor.u32 v18, v57;
	v0 =	vadd.f32 v16, v0;
	v16 =	vmul.f32 v45, v40  }
0x214: {  	v52 =	vadd.s32 $0xB, v10;
	v53 =	vand.u32 $0x7, v51;
	v62 =	vld.idx.msk [tilespmem:v41+s15+$0x0], $0xffff;
	v39 =	vor.u32 v61, v39  }
0x215: {  	v7 =	vld.idx.msk [tilespmem:v7+s13+$0x0], $0xffff;
	v63 =	vand.u32 $0xFFFFFFF8, v52;
	v12 =	vmul.f32 v42, v12;
	v0 =	vadd.f32 v16, v0  }
0x216: {  	v48 =	vand.u32 $0x7, v52;
	v52 =	vand.u32 $0xFFFFFFF8, v51;
	v50 =	vld.idx.msk [tilespmem:v47+s15+$0x0], $0xffff;
	v16 =	vadd.s32 v1, v63  }
0x217: {  	v3 =	vld.idx.msk [tilespmem:v3+s13+$0x0], $0xffff;
	v16 =	vor.u32 v48, v16;
	v0 =	vadd.f32 v12, v0;
	v12 =	vmul.f32 v58, v14  }
0x218: {  	v54 =	vand.u32 $0xFFFFFFF8, v49;
	v56 =	vand.u32 $0xFFFFFFF8, v46;
	v14 =	vadd.s32 v1, v52;
	v18 =	vld.idx.msk [tilespmem:v18+s15+$0x0], $0xffff  }
0x219: {  	v11 =	vmul.f32 v62, v11;
	v39 =	vld.idx.msk [tilespmem:v39+s15+$0x0], $0xffff;
	v14 =	vor.u32 v53, v14;
	v0 =	vadd.f32 v12, v0  }
0x21a: {  	v59 =	vand.u32 $0x7, v44;
	v57 =	vand.u32 $0x7, v46;
	v12 =	vadd.s32 v1, v54  }
0x21b: {  	v2 =	vld.idx.msk [tilespmem:v2+s13+$0x0], $0xffff;
	v7 =	vmul.f32 v50, v7;
	v12 =	vor.u32 v55, v12;
	v0 =	vadd.f32 v11, v0  }
0x21c: {  	v61 =	vadd.s32 $0x13, v10;
	v58 =	vand.u32 $0xFFFFFFF8, v44;
	v11 =	vadd.s32 v1, v56;
	v16 =	vld.idx.msk [tilespmem:v16+s15+$0x0], $0xffff  }
0x21d: {  	v32 =	vld.idx.msk [tilespmem:v32+s13+$0x0], $0xffff;
	v11 =	vor.u32 v57, v11;
	v0 =	vadd.f32 v7, v0;
	v7 =	vmul.f32 v18, v9  }
0x21e: {  	v62 =	vadd.s32 $0x10, v22;
	v3 =	vmul.f32 v39, v3;
	v9 =	vadd.s32 v1, v58;
	v14 =	vld.idx.msk [tilespmem:v14+s15+$0x0], $0xffff  }
0x21f: {  	v31 =	vld.idx.msk [tilespmem:v31+s13+$0x0], $0xffff;
	v9 =	vor.u32 v59, v9;
	v0 =	vadd.f32 v7, v0;
	v7 =	vadd.s32 $0x11, v10  }
0x220: {  	v18 =	vadd.s32 $0x12, v10;
	v12 =	vld.idx.msk [tilespmem:v12+s15+$0x0], $0xffff;
	v63 =	vand.u32 $0xFFFFFFF8, v7;
	v7 =	vand.u32 $0x7, v7  }
0x221: {  	v29 =	vld.idx.msk [tilespmem:v29+s13+$0x0], $0xffff;
	v2 =	vmul.f32 v16, v2;
	v0 =	vadd.f32 v3, v0;
	v3 =	vadd.s32 v1, v63  }
0x222: {  	v16 =	vand.u32 $0x7, v18;
	v11 =	vld.idx.msk [tilespmem:v11+s15+$0x0], $0xffff;
	v3 =	vor.u32 v7, v3;
	v7 =	vand.u32 $0xFFFFFFF8, v18  }
0x223: {  	v18 =	vld.idx.msk [tilespmem:v28+s13+$0x0], $0xffff;
	v0 =	vadd.f32 v2, v0;
	v2 =	vmul.f32 v14, v32;
	v7 =	vadd.s32 v1, v7  }
0x224: {  	v9 =	vld.idx.msk [tilespmem:v9+s15+$0x0], $0xffff;
	v14 =	vand.u32 $0xFFFFFFF8, v61;
	v7 =	vor.u32 v16, v7;
	v16 =	vand.u32 $0x7, v61  }
0x225: {  	v26 =	vld.idx.msk [tilespmem:v26+s13+$0x0], $0xffff;
	v0 =	vadd.f32 v2, v0;
	v2 =	vmul.f32 v12, v31;
	v12 =	vadd.s32 v1, v14  }
0x226: {  	v28 =	vand.u32 $0x7, v30;
	v14 =	vld.idx.msk [tilespmem:v62+s15+$0x0], $0xffff;
	v12 =	vor.u32 v16, v12;
	v16 =	vand.u32 $0xFFFFFFF8, v30  }
0x227: {  	v24 =	vld.idx.msk [tilespmem:v24+s13+$0x0], $0xffff;
	v0 =	vadd.f32 v2, v0;
	v2 =	vmul.f32 v11, v29;
	v11 =	vadd.s32 v1, v16  }
0x228: {  	v3 =	vld.idx.msk [tilespmem:v3+s15+$0x0], $0xffff;
	v16 =	vand.u32 $0xFFFFFFF8, v27;
	v27 =	vand.u32 $0x7, v27;
	v11 =	vor.u32 v28, v11  }
0x229: {  	v21 =	vld.idx.msk [tilespmem:v21+s13+$0x0], $0xffff;
	v0 =	vadd.f32 v2, v0;
	v2 =	vmul.f32 v9, v18;
	v9 =	vadd.s32 v1, v16  }
0x22a: {  	v7 =	vld.idx.msk [tilespmem:v7+s15+$0x0], $0xffff;
	v16 =	vand.u32 $0xFFFFFFF8, v25;
	v18 =	vand.u32 $0x7, v25;
	v9 =	vor.u32 v27, v9  }
0x22b: {  	v20 =	vld.idx.msk [tilespmem:v20+s13+$0x0], $0xffff;
	v0 =	vadd.f32 v2, v0;
	v2 =	vmul.f32 v14, v26;
	v14 =	vadd.s32 v1, v16  }
0x22c: {  	v12 =	vld.idx.msk [tilespmem:v12+s15+$0x0], $0xffff;
	v16 =	vand.u32 $0xFFFFFFF8, v23;
	v14 =	vor.u32 v18, v14;
	v18 =	vand.u32 $0x7, v23  }
0x22d: {  	v19 =	vld.idx.msk [tilespmem:v19+s13+$0x0], $0xffff;
	v0 =	vadd.f32 v2, v0;
	v2 =	vmul.f32 v3, v24;
	v3 =	vadd.s32 v1, v16  }
0x22e: {  	v11 =	vld.idx.msk [tilespmem:v11+s15+$0x0], $0xffff;
	v16 =	vadd.s32 $0x1A, v10;
	v3 =	vor.u32 v18, v3;
	v18 =	vadd.s32 $0x1B, v10  }
0x22f: {  	v23 =	vld.idx.msk [tilespmem:v37+s13+$0x0], $0xffff;
	v0 =	vadd.f32 v2, v0;
	v2 =	vmul.f32 v7, v21;
	v7 =	vadd.s32 $0x19, v10  }
0x230: {  	v9 =	vld.idx.msk [tilespmem:v9+s15+$0x0], $0xffff;
	v21 =	vadd.s32 $0x18, v22;
	v22 =	vand.u32 $0xFFFFFFF8, v7;
	v7 =	vand.u32 $0x7, v7  }
0x231: {  	v24 =	vld.idx.msk [tilespmem:v34+s13+$0x0], $0xffff;
	v0 =	vadd.f32 v2, v0;
	v2 =	vmul.f32 v12, v20;
	v12 =	vadd.s32 v1, v22  }
0x232: {  	v14 =	vld.idx.msk [tilespmem:v14+s15+$0x0], $0xffff;
	v7 =	vor.u32 v7, v12;
	v12 =	vand.u32 $0xFFFFFFF8, v16;
	v16 =	vand.u32 $0x7, v16  }
0x233: {  	v20 =	vld.idx.msk [tilespmem:v38+s13+$0x0], $0xffff;
	v0 =	vadd.f32 v2, v0;
	v2 =	vmul.f32 v11, v19;
	v11 =	vadd.s32 v1, v12  }
0x234: {  	v3 =	vld.idx.msk [tilespmem:v3+s15+$0x0], $0xffff;
	v12 =	vand.u32 $0xFFFFFFF8, v18;
	v11 =	vor.u32 v16, v11;
	v16 =	vand.u32 $0x7, v18  }
0x235: {  	v18 =	vld.idx.msk [tilespmem:v35+s13+$0x0], $0xffff;
	v0 =	vadd.f32 v2, v0;
	v2 =	vmul.f32 v9, v23;
	v9 =	vadd.s32 v1, v12  }
0x236: {  	v15 =	vadd.s32 $0x1D, v10;
	v12 =	vld.idx.msk [tilespmem:v21+s15+$0x0], $0xffff;
	v9 =	vor.u32 v16, v9;
	v16 =	vand.u32 $0xFFFFFFF8, v17  }
0x237: {  	v19 =	vld.idx.msk [tilespmem:v33+s13+$0x0], $0xffff;
	v17 =	vand.u32 $0x7, v17;
	v0 =	vadd.f32 v2, v0;
	v2 =	vmul.f32 v14, v24  }
0x238: {  	v14 =	vadd.s32 v1, v16;
	v7 =	vld.idx.msk [tilespmem:v7+s15+$0x0], $0xffff;
	v16 =	vand.u32 $0xFFFFFFF8, v15;
	v15 =	vand.u32 $0x7, v15  }
0x239: {  	v0 =	vadd.f32 v2, v0;
	v2 =	vmul.f32 v3, v20;
	v3 =	vadd.s32 v1, v16  }
0x23a: {  	v13 =	vadd.s32 $0x1E, v10;
	v14 =	vor.u32 v17, v14;
	v3 =	vor.u32 v15, v3  }
0x23b: {  	v17 =	vld.idx.msk [tilespmem:v36+s13+$0x0], $0xffff;
	v15 =	vand.u32 $0xFFFFFFF8, v13;
	v0 =	vadd.f32 v2, v0;
	v2 =	vmul.f32 v12, v18  }
0x23c: {  	v12 =	vadd.s32 v1, v15;
	v15 =	vld [tilespmem:$0x1FEB0]  }
0x23d: {  	v0 =	vadd.f32 v2, v0;
	v2 =	vmul.f32 v7, v19;
	v7 =	vld [tilespmem:$0x1FEC0]  }
0x23e: {  	v11 =	vld.idx.msk [tilespmem:v11+s15+$0x0], $0xffff  }
0x23f: {  	v8 =	vld.idx.msk [tilespmem:v8+s13+$0x0], $0xffff;
	v13 =	vand.u32 $0x7, v13  }
0x240: {  	v10 =	vadd.s32 $0x1F, v10;
	v9 =	vld.idx.msk [tilespmem:v9+s15+$0x0], $0xffff;
	v12 =	vor.u32 v13, v12  }
0x241: {  	v13 =	vld.idx.msk [tilespmem:v60+s13+$0x0], $0xffff;
	v5 =	vor.u32 v15, v5;
	v15 =	vand.u32 $0xFFFFFFF8, v10  }
0x242: {  	v1 =	vadd.s32 v1, v15;
	v4 =	vor.u32 v7, v4;
	v7 =	vand.u32 $0x7, v10;
	v10 =	vld.idx.msk [tilespmem:v14+s15+$0x0], $0xffff  }
0x243: {  	v6 =	vld.idx.msk [tilespmem:v6+s13+$0x0], $0xffff;
	v0 =	vadd.f32 v2, v0;
	v2 =	vmul.f32 v11, v17;
	v1 =	vor.u32 v7, v1  }
0x244: {  	v3 =	vld.idx.msk [tilespmem:v3+s15+$0x0], $0xffff  }
0x245: {  	v0 =	vadd.f32 v2, v0;
	v2 =	vmul.f32 v9, v8;
	v7 =	vld.idx.msk [tilespmem:v12+s15+$0x0], $0xffff  }
0x246: {  	v5 =	vld.idx.msk [tilespmem:v5+s13+$0x0], $0xffff  }
0x247: {  	v0 =	vadd.f32 v2, v0;
	v4 =	vld.idx.msk [tilespmem:v4+s13+$0x0], $0xffff;
	v2 =	vmul.f32 v10, v13  }
0x248: {  	v1 =	vld.idx.msk [tilespmem:v1+s15+$0x0], $0xffff  }
0x249: {  	v0 =	vadd.f32 v2, v0;
	v2 =	vmul.f32 v3, v6;
	_ =	sdelay $0x1  }
0x24a: {  	v0 =	vadd.f32 v2, v0;
	v2 =	vmul.f32 v7, v5;
	_ =	sdelay $0x1  }
0x24b: {  	v0 =	vadd.f32 v2, v0;
	v1 =	vmul.f32 v1, v4;
	_ =	sdelay $0x1  }
0x24c: {  	v0 =	vadd.f32 v1, v0  }
0x24d: {  	s22 =	simm.s32 $0x10D00  }
0x24e: {  	s23 =	simm.s32 $0x910;
	v2 =	vld [tilespmem:$0x1FFF0];
	[tilespmem:s22+$0x0] =	vst v0  }
0x24f: {  	v0 =	vld [tilespmem:s23+$0x0];
	_ =	sdelay $0x1  }
0x250: {  	s24 =	simm.s32 $0x10  }
0x251: {  	v1 =	vmov s24  }
0x252: {  	v1 =	vshll.u32 v1, $0x7  }
0x253: {  	v1 =	vor.u32 v2, v1;
	v2 =	vadd.s32 $0x1E, v0;
	v3 =	vadd.s32 $0x1F, v0  }
0x254: {  	v4 =	vadd.s32 $0x1B, v0;
	v5 =	vadd.s32 $0x1C, v0;
	v6 =	vadd.s32 $0x1D, v0  }
0x255: {  	v7 =	vadd.s32 $0x17, v0;
	v8 =	vadd.s32 $0x19, v0;
	v9 =	vadd.s32 $0x1A, v0  }
0x256: {  	v10 =	vadd.s32 $0x14, v0;
	v11 =	vadd.s32 $0x15, v0;
	v12 =	vadd.s32 $0x16, v0  }
0x257: {  	v13 =	vadd.s32 $0x11, v0;
	v14 =	vadd.s32 $0x12, v0;
	v15 =	vadd.s32 $0x13, v0  }
0x258: {  	v16 =	vadd.s32 $0xD, v0;
	v17 =	vadd.s32 $0xE, v0;
	v18 =	vadd.s32 $0xF, v0  }
0x259: {  	v19 =	vadd.s32 $0xA, v0;
	v20 =	vadd.s32 $0xB, v0;
	v21 =	vadd.s32 $0xC, v0  }
0x25a: {  	v23 =	vadd.s32 $0x6, v0;
	v22 =	vadd.s32 $0x7, v0;
	v24 =	vadd.s32 $0x9, v0  }
0x25b: {  	v25 =	vadd.s32 $0x3, v0;
	v28 =	vadd.s32 $0x4, v0;
	v29 =	vadd.s32 $0x5, v0  }
0x25c: {  	v26 =	vand.u32 $0x7, v0;
	v33 =	vadd.s32 $0x1, v0;
	v34 =	vadd.s32 $0x2, v0  }
0x25d: {  	v0 =	vand.u32 $0xFFFFFFF8, v0;
	v61 =	vand.u32 $0xFFFFFFF8, v3;
	v3 =	vand.u32 $0x7, v3  }
0x25e: {  	v60 =	vand.u32 $0xFFFFFFF8, v2;
	v2 =	vand.u32 $0x7, v2;
	v62 =	vand.u32 $0xFFFFFFF8, v4  }
0x25f: {  	[tilespmem:$0x1FED0] =	vst v26;
	v44 =	vand.u32 $0x7, v4;
	v42 =	vand.u32 $0xFFFFFFF8, v11;
	v43 =	vand.u32 $0x7, v11  }
0x260: {  	v11 =	vand.u32 $0xFFFFFFF8, v15;
	v35 =	vand.u32 $0xFFFFFFF8, v17;
	[tilespmem:$0x1FEF0] =	vst v2;
	v2 =	vand.u32 $0x7, v5  }
0x261: {  	v53 =	vand.u32 $0x7, v21;
	v4 =	vand.u32 $0xFFFFFFF8, v21;
	[tilespmem:$0x1FF10] =	vst v2;
	v2 =	vand.u32 $0x7, v12  }
0x262: {  	v21 =	vand.u32 $0xFFFFFFF8, v19;
	v57 =	vand.u32 $0x7, v19;
	[tilespmem:$0x1FF20] =	vst v2;
	v2 =	vand.u32 $0xFFFFFFF8, v22  }
0x263: {  	v19 =	vadd.s32 v1, v11;
	v11 =	vadd.s32 v1, v35;
	v35 =	vadd.s32 v1, v2;
	v2 =	vld [tilespmem:$0x1FED0]  }
0x264: {  	v63 =	vand.u32 $0xFFFFFFF8, v5;
	v32 =	vand.u32 $0xFFFFFFF8, v8;
	v45 =	vand.u32 $0x7, v8  }
0x265: {  	v39 =	vand.u32 $0xFFFFFFF8, v7;
	v46 =	vand.u32 $0x7, v7;
	v47 =	vand.u32 $0x7, v15  }
0x266: {  	v40 =	vand.u32 $0xFFFFFFF8, v10;
	v36 =	vand.u32 $0xFFFFFFF8, v20;
	[tilespmem:$0x1FF00] =	vst v3;
	v3 =	vand.u32 $0x7, v6  }
0x267: {  	v0 =	vadd.s32 v1, v0;
	[tilespmem:$0x1FEE0] =	vst v3;
	v3 =	vand.u32 $0xFFFFFFF8, v12;
	v12 =	vadd.s32 v1, v42  }
0x268: {  	v42 =	vadd.s32 v1, v21;
	v21 =	vadd.s32 v1, v36;
	v36 =	vor.u32 v2, v0;
	v0 =	vld [tilespmem:$0x1FEE0]  }
0x269: {  	v48 =	vand.u32 $0x7, v10;
	v10 =	vand.u32 $0xFFFFFFF8, v14;
	v49 =	vand.u32 $0x7, v14  }
0x26a: {  	v50 =	vand.u32 $0x7, v18;
	v37 =	vand.u32 $0xFFFFFFF8, v13;
	v52 =	vand.u32 $0x7, v17  }
0x26b: {  	v17 =	vand.u32 $0xFFFFFFF8, v18;
	v41 =	vand.u32 $0xFFFFFFF8, v24;
	v6 =	vand.u32 $0xFFFFFFF8, v6  }
0x26c: {  	v59 =	vand.u32 $0xFFFFFFF8, v34;
	v18 =	vadd.s32 v1, v17;
	v6 =	vadd.s32 v1, v6  }
0x26d: {  	v17 =	vadd.s32 v1, v41;
	v41 =	vadd.s32 v1, v59;
	v59 =	vor.u32 v0, v6;
	v0 =	vld [tilespmem:$0x1FEF0]  }
0x26e: {  	v51 =	vand.u32 $0x7, v13;
	v38 =	vand.u32 $0xFFFFFFF8, v16;
	v54 =	vand.u32 $0x7, v16  }
0x26f: {  	v55 =	vand.u32 $0x7, v20;
	v56 =	vand.u32 $0x7, v24;
	v26 =	vand.u32 $0x7, v29  }
0x270: {  	v58 =	vand.u32 $0xFFFFFFF8, v23;
	v27 =	vand.u32 $0x7, v23;
	v7 =	vand.u32 $0xFFFFFFF8, v28  }
0x271: {  	v24 =	vand.u32 $0x7, v28;
	v28 =	vand.u32 $0xFFFFFFF8, v29;
	v60 =	vadd.s32 v1, v60  }
0x272: {  	v30 =	vand.u32 $0x7, v34;
	v29 =	vand.u32 $0xFFFFFFF8, v25;
	v60 =	vor.u32 v0, v60;
	v0 =	vld [tilespmem:$0x1FF00]  }
0x273: {  	v31 =	vand.u32 $0x7, v25;
	v25 =	vand.u32 $0xFFFFFFF8, v33;
	v33 =	vand.u32 $0x7, v33  }
0x274: {  	v5 =	vand.u32 $0x7, v9;
	v9 =	vand.u32 $0xFFFFFFF8, v9;
	v61 =	vadd.s32 v1, v61  }
0x275: {  	v62 =	vadd.s32 v1, v62;
	v63 =	vadd.s32 v1, v63;
	v8 =	vadd.s32 v1, v39  }
0x276: {  	v13 =	vadd.s32 v1, v32;
	v14 =	vadd.s32 v1, v40;
	v16 =	vadd.s32 v1, v37  }
0x277: {  	v20 =	vadd.s32 v1, v10;
	v34 =	vadd.s32 v1, v58;
	v58 =	vor.u32 v0, v61;
	v0 =	vld [tilespmem:$0x1FF10]  }
0x278: {  	v32 =	vadd.s32 v1, v38;
	v23 =	vadd.s32 v1, v4;
	v37 =	vadd.s32 v1, v29  }
0x279: {  	v38 =	vadd.s32 v1, v7;
	v40 =	vadd.s32 v1, v28;
	v39 =	vadd.s32 v1, v25  }
0x27a: {  	v9 =	vadd.s32 v1, v9;
	v23 =	vor.u32 v53, v23;
	v10 =	vor.u32 v54, v32  }
0x27b: {  	v29 =	vor.u32 v56, v17;
	v22 =	vand.u32 $0x7, v22;
	v15 =	vadd.s32 v1, v3  }
0x27c: {  	v3 =	vor.u32 v48, v14;
	v61 =	vor.u32 v5, v9;
	v5 =	vor.u32 v0, v63;
	v0 =	vld [tilespmem:$0x1FF20]  }
0x27d: {  	v7 =	vor.u32 v43, v12;
	v25 =	vor.u32 v55, v21;
	v28 =	vor.u32 v57, v42  }
0x27e: {  	v2 =	vor.u32 v49, v20;
	v4 =	vadd.s32 $0x10, v36;
	v32 =	vadd.s32 $0x8, v36  }
0x27f: {  	v6 =	vor.u32 v44, v62;
	v62 =	vor.u32 v46, v8;
	v8 =	vor.u32 v45, v13  }
0x280: {  	s24 =	simm.s32 $0xB10;
	v13 =	vor.u32 v52, v11;
	v9 =	vadd.s32 $0x18, v36;
	v63 =	vor.u32 v51, v16  }
0x281: {  	s25 =	simm.s32 $0x20;
	v11 =	vld [tilespmem:s24+$0x0];
	v12 =	vor.u32 v0, v15;
	v15 =	vor.u32 v47, v19;
	v19 =	vor.u32 v50, v18  }
.LBB2_6:
0x282: {  	_ =	sdelay $0x1  }
0x283: {  	v0 =	vor.u32 v26, v40;
	v40 =	vor.u32 v27, v34;
	v42 =	vor.u32 v22, v35  }
0x284: {  	v41 =	vor.u32 v30, v41;
	v43 =	vor.u32 v31, v37;
	v38 =	vor.u32 v24, v38  }
0x285: {  	v39 =	vor.u32 v33, v39;
	v24 =	vadd.s32 $0x1E, v11;
	v22 =	vadd.s32 $0x1F, v11  }
0x286: {  	v31 =	vadd.s32 $0x17, v11;
	v27 =	vadd.s32 $0x1C, v11;
	v26 =	vadd.s32 $0x1D, v11  }
0x287: {  	v30 =	vand.u32 $0xFFFFFFF8, v11;
	v34 =	vadd.s32 $0x15, v11;
	v33 =	vadd.s32 $0x16, v11  }
0x288: {  	v52 =	vand.u32 $0x7, v11;
	v53 =	vadd.s32 $0x1, v11;
	v35 =	vadd.s32 $0x14, v11  }
0x289: {  	v45 =	vadd.s32 $0x2, v11;
	v47 =	vadd.s32 $0x3, v11;
	v30 =	vadd.s32 v1, v30  }
0x28a: {  	v48 =	vadd.s32 $0xE, v11;
	v44 =	vand.u32 $0xFFFFFFF8, v53;
	v30 =	vor.u32 v52, v30  }
0x28b: {  	v50 =	vadd.s32 $0x4, v11;
	v37 =	vand.u32 $0x7, v53;
	v44 =	vadd.s32 v1, v44  }
0x28c: {  	v51 =	vadd.s32 $0xD, v11;
	v46 =	vand.u32 $0xFFFFFFF8, v45;
	v44 =	vor.u32 v37, v44  }
0x28d: {  	v36 =	vld.idx.msk [tilespmem:v36+s13+$0x0], $0xffff;
	v45 =	vand.u32 $0x7, v45;
	v54 =	vand.u32 $0xFFFFFFF8, v47;
	v46 =	vadd.s32 v1, v46  }
0x28e: {  	v47 =	vand.u32 $0x7, v47;
	v39 =	vld.idx.msk [tilespmem:v39+s13+$0x0], $0xffff;
	v55 =	vand.u32 $0xFFFFFFF8, v50;
	v45 =	vor.u32 v45, v46  }
0x28f: {  	v50 =	vand.u32 $0x7, v50;
	v53 =	vadd.s32 $0xC, v11;
	v46 =	vadd.s32 v1, v54;
	v49 =	vld.idx.msk [tilespmem:v30+s15+$0x0], $0xffff  }
0x290: {  	v41 =	vld.idx.msk [tilespmem:v41+s13+$0x0], $0xffff;
	v52 =	vadd.s32 $0x5, v11;
	v46 =	vor.u32 v47, v46;
	v47 =	vadd.s32 v1, v55  }
0x291: {  	v37 =	vadd.s32 $0xF, v11;
	v54 =	vadd.s32 $0x6, v11;
	v47 =	vor.u32 v50, v47;
	v44 =	vld.idx.msk [tilespmem:v44+s15+$0x0], $0xffff  }
0x292: {  	v43 =	vld.idx.msk [tilespmem:v43+s13+$0x0], $0xffff;
	v56 =	vand.u32 $0xFFFFFFF8, v52;
	v52 =	vand.u32 $0x7, v52;
	v57 =	vand.u32 $0xFFFFFFF8, v54  }
0x293: {  	v55 =	vadd.s32 $0x7, v11;
	v50 =	vadd.s32 v1, v56;
	v56 =	vand.u32 $0x7, v54;
	v45 =	vld.idx.msk [tilespmem:v45+s15+$0x0], $0xffff  }
0x294: {  	v38 =	vld.idx.msk [tilespmem:v38+s13+$0x0], $0xffff;
	v50 =	vor.u32 v52, v50;
	v52 =	vadd.s32 v1, v57;
	v36 =	vmul.f32 v49, v36  }
0x295: {  	v57 =	vand.u32 $0x7, v55;
	v46 =	vld.idx.msk [tilespmem:v46+s15+$0x0], $0xffff;
	v49 =	vor.u32 v56, v52;
	v52 =	vand.u32 $0xFFFFFFF8, v55  }
0x296: {  	v39 =	vmul.f32 v44, v39;
	v44 =	vld.idx.msk [tilespmem:v47+s15+$0x0], $0xffff;
	v56 =	vadd.s32 v1, v52;
	v36 =	vadd.f32 $0.0e+00, v36  }
0x297: {  	v54 =	vadd.s32 $0xB, v11;
	v52 =	vadd.s32 $0xA, v11;
	v47 =	vor.u32 v57, v56  }
0x298: {  	v0 =	vld.idx.msk [tilespmem:v0+s13+$0x0], $0xffff;
	v36 =	vadd.f32 v39, v36;
	v39 =	vmul.f32 v45, v41;
	v45 =	vadd.s32 $0x9, v11  }
0x299: {  	v41 =	vld.idx.msk [tilespmem:v50+s15+$0x0], $0xffff;
	v50 =	vadd.s32 $0x8, v30;
	v57 =	vand.u32 $0xFFFFFFF8, v45;
	v45 =	vand.u32 $0x7, v45  }
0x29a: {  	v40 =	vld.idx.msk [tilespmem:v40+s13+$0x0], $0xffff;
	v36 =	vadd.f32 v39, v36;
	v39 =	vmul.f32 v46, v43;
	v56 =	vadd.s32 v1, v57  }
0x29b: {  	v43 =	vld.idx.msk [tilespmem:v49+s15+$0x0], $0xffff;
	v57 =	vand.u32 $0xFFFFFFF8, v52;
	v52 =	vand.u32 $0x7, v52;
	v38 =	vmul.f32 v44, v38  }
0x29c: {  	v42 =	vld.idx.msk [tilespmem:v42+s13+$0x0], $0xffff;
	v45 =	vor.u32 v45, v56;
	v55 =	vadd.s32 v1, v57;
	v36 =	vadd.f32 v39, v36  }
0x29d: {  	v56 =	vand.u32 $0xFFFFFFF8, v54;
	v57 =	vand.u32 $0x7, v54;
	v39 =	vld.idx.msk [tilespmem:v47+s15+$0x0], $0xffff;
	v44 =	vor.u32 v52, v55  }
0x29e: {  	v32 =	vld.idx.msk [tilespmem:v32+s13+$0x0], $0xffff;
	v49 =	vadd.s32 v1, v56;
	v0 =	vmul.f32 v41, v0;
	v36 =	vadd.f32 v38, v36  }
0x29f: {  	v46 =	vadd.s32 $0x11, v11;
	v52 =	vand.u32 $0x7, v53;
	v41 =	vor.u32 v57, v49;
	v38 =	vld.idx.msk [tilespmem:v50+s15+$0x0], $0xffff  }
0x2a0: {  	v29 =	vld.idx.msk [tilespmem:v29+s13+$0x0], $0xffff;
	v50 =	vand.u32 $0xFFFFFFF8, v53;
	v53 =	vmul.f32 v43, v40;
	v0 =	vadd.f32 v0, v36  }
0x2a1: {  	v55 =	vand.u32 $0xFFFFFFF8, v51;
	v56 =	vand.u32 $0x7, v51;
	v54 =	vadd.s32 v1, v50;
	v40 =	vld.idx.msk [tilespmem:v45+s15+$0x0], $0xffff  }
0x2a2: {  	v28 =	vld.idx.msk [tilespmem:v28+s13+$0x0], $0xffff;
	v43 =	vor.u32 v52, v54;
	v57 =	vmul.f32 v39, v42;
	v0 =	vadd.f32 v53, v0  }
0x2a3: {  	v51 =	vand.u32 $0x7, v48;
	v49 =	vadd.s32 v1, v55;
	v50 =	vand.u32 $0xFFFFFFF8, v48;
	v39 =	vld.idx.msk [tilespmem:v44+s15+$0x0], $0xffff  }
0x2a4: {  	v25 =	vld.idx.msk [tilespmem:v25+s13+$0x0], $0xffff;
	v42 =	vor.u32 v56, v49;
	v32 =	vmul.f32 v38, v32;
	v0 =	vadd.f32 v57, v0  }
0x2a5: {  	v47 =	vadd.s32 $0x10, v30;
	v54 =	vand.u32 $0xFFFFFFF8, v37;
	v52 =	vld.idx.msk [tilespmem:v41+s15+$0x0], $0xffff;
	v53 =	vadd.s32 v1, v50  }
0x2a6: {  	v23 =	vld.idx.msk [tilespmem:v23+s13+$0x0], $0xffff;
	v38 =	vor.u32 v51, v53;
	v29 =	vmul.f32 v40, v29;
	v0 =	vadd.f32 v32, v0  }
0x2a7: {  	v48 =	vand.u32 $0xFFFFFFF8, v46;
	v37 =	vand.u32 $0x7, v37;
	v56 =	vadd.s32 v1, v54;
	v55 =	vld.idx.msk [tilespmem:v43+s15+$0x0], $0xffff  }
0x2a8: {  	v21 =	vld.idx.msk [tilespmem:v10+s13+$0x0], $0xffff;
	v37 =	vor.u32 v37, v56;
	v28 =	vmul.f32 v39, v28;
	v0 =	vadd.f32 v29, v0  }
0x2a9: {  	v45 =	vadd.s32 $0x13, v11;
	v49 =	vadd.s32 v1, v48;
	v57 =	vadd.s32 $0x12, v11;
	v29 =	vld.idx.msk [tilespmem:v42+s15+$0x0], $0xffff  }
0x2aa: {  	v20 =	vld.idx.msk [tilespmem:v13+s13+$0x0], $0xffff;
	v39 =	vand.u32 $0x7, v46;
	v25 =	vmul.f32 v52, v25;
	v0 =	vadd.f32 v28, v0  }
0x2ab: {  	v50 =	vand.u32 $0xFFFFFFF8, v57;
	v51 =	vand.u32 $0x7, v57;
	v36 =	vor.u32 v39, v49;
	v28 =	vld.idx.msk [tilespmem:v38+s15+$0x0], $0xffff  }
0x2ac: {  	v19 =	vld.idx.msk [tilespmem:v19+s13+$0x0], $0xffff;
	v52 =	vadd.s32 v1, v50;
	v23 =	vmul.f32 v55, v23;
	v0 =	vadd.f32 v25, v0  }
0x2ad: {  	v54 =	vand.u32 $0x7, v45;
	v53 =	vand.u32 $0xFFFFFFF8, v45;
	v32 =	vor.u32 v51, v52;
	v25 =	vld.idx.msk [tilespmem:v37+s15+$0x0], $0xffff  }
0x2ae: {  	v18 =	vld.idx.msk [tilespmem:v4+s13+$0x0], $0xffff;
	v21 =	vmul.f32 v29, v21;
	v29 =	vadd.s32 v1, v53;
	v0 =	vadd.f32 v23, v0  }
0x2af: {  	v55 =	vand.u32 $0xFFFFFFF8, v35;
	v35 =	vand.u32 $0x7, v35;
	v23 =	vld.idx.msk [tilespmem:v47+s15+$0x0], $0xffff;
	v29 =	vor.u32 v54, v29  }
0x2b0: {  	v17 =	vld.idx.msk [tilespmem:v63+s13+$0x0], $0xffff;
	v20 =	vmul.f32 v28, v20;
	v28 =	vadd.s32 v1, v55;
	v0 =	vadd.f32 v21, v0  }
0x2b1: {  	v56 =	vand.u32 $0xFFFFFFF8, v34;
	v34 =	vand.u32 $0x7, v34;
	v21 =	vld.idx.msk [tilespmem:v36+s15+$0x0], $0xffff;
	v28 =	vor.u32 v35, v28  }
0x2b2: {  	v16 =	vld.idx.msk [tilespmem:v2+s13+$0x0], $0xffff;
	v19 =	vmul.f32 v25, v19;
	v25 =	vadd.s32 v1, v56;
	v0 =	vadd.f32 v20, v0  }
0x2b3: {  	v57 =	vand.u32 $0xFFFFFFF8, v33;
	v33 =	vand.u32 $0x7, v33;
	v20 =	vld.idx.msk [tilespmem:v32+s15+$0x0], $0xffff;
	v25 =	vor.u32 v34, v25  }
0x2b4: {  	v15 =	vld.idx.msk [tilespmem:v15+s13+$0x0], $0xffff;
	v18 =	vmul.f32 v23, v18;
	v23 =	vadd.s32 v1, v57;
	v0 =	vadd.f32 v19, v0  }
0x2b5: {  	v19 =	vld.idx.msk [tilespmem:v29+s15+$0x0], $0xffff;
	v23 =	vor.u32 v33, v23;
	v29 =	vand.u32 $0xFFFFFFF8, v31;
	v31 =	vand.u32 $0x7, v31  }
0x2b6: {  	v14 =	vld.idx.msk [tilespmem:v3+s13+$0x0], $0xffff;
	v17 =	vmul.f32 v21, v17;
	v21 =	vadd.s32 v1, v29;
	v0 =	vadd.f32 v18, v0  }
0x2b7: {  	v29 =	vadd.s32 $0x1B, v11;
	v18 =	vld.idx.msk [tilespmem:v28+s15+$0x0], $0xffff;
	v21 =	vor.u32 v31, v21;
	v28 =	vadd.s32 $0x1A, v11  }
0x2b8: {  	v13 =	vld.idx.msk [tilespmem:v7+s13+$0x0], $0xffff;
	v11 =	vadd.s32 $0x19, v11;
	v16 =	vmul.f32 v20, v16;
	v0 =	vadd.f32 v17, v0  }
0x2b9: {  	v20 =	vadd.s32 $0x18, v30;
	v17 =	vld.idx.msk [tilespmem:v25+s15+$0x0], $0xffff;
	v25 =	vand.u32 $0xFFFFFFF8, v11;
	v11 =	vand.u32 $0x7, v11  }
0x2ba: {  	v12 =	vld.idx.msk [tilespmem:v12+s13+$0x0], $0xffff;
	v15 =	vmul.f32 v19, v15;
	v19 =	vadd.s32 v1, v25;
	v0 =	vadd.f32 v16, v0  }
0x2bb: {  	v16 =	vld.idx.msk [tilespmem:v23+s15+$0x0], $0xffff;
	v11 =	vor.u32 v11, v19  }
0x2bc: {  	v10 =	vld.idx.msk [tilespmem:v62+s13+$0x0], $0xffff;
	v19 =	vand.u32 $0xFFFFFFF8, v28;
	v14 =	vmul.f32 v18, v14;
	v0 =	vadd.f32 v15, v0  }
0x2bd: {  	v23 =	vand.u32 $0x7, v28;
	v18 =	vadd.s32 v1, v19;
	v19 =	vand.u32 $0xFFFFFFF8, v29;
	v15 =	vld.idx.msk [tilespmem:v21+s15+$0x0], $0xffff  }
0x2be: {  	v9 =	vld.idx.msk [tilespmem:v9+s13+$0x0], $0xffff;
	v18 =	vor.u32 v23, v18;
	v13 =	vmul.f32 v17, v13;
	v0 =	vadd.f32 v14, v0  }
0x2bf: {  	v21 =	vand.u32 $0x7, v29;
	v17 =	vadd.s32 v1, v19;
	v19 =	vand.u32 $0xFFFFFFF8, v27;
	v14 =	vld.idx.msk [tilespmem:v20+s15+$0x0], $0xffff  }
0x2c0: {  	v8 =	vld.idx.msk [tilespmem:v8+s13+$0x0], $0xffff;
	v17 =	vor.u32 v21, v17;
	v12 =	vmul.f32 v16, v12;
	v0 =	vadd.f32 v13, v0  }
0x2c1: {  	v20 =	vand.u32 $0x7, v27;
	v11 =	vld.idx.msk [tilespmem:v11+s15+$0x0], $0xffff;
	v16 =	vand.u32 $0xFFFFFFF8, v26;
	v13 =	vadd.s32 v1, v19  }
0x2c2: {  	v7 =	vld.idx.msk [tilespmem:v61+s13+$0x0], $0xffff;
	v13 =	vor.u32 v20, v13;
	v10 =	vmul.f32 v15, v10;
	v0 =	vadd.f32 v12, v0  }
0x2c3: {  	v19 =	vand.u32 $0x7, v26;
	v15 =	vadd.s32 v1, v16;
	v16 =	vand.u32 $0xFFFFFFF8, v24;
	v12 =	vld.idx.msk [tilespmem:v18+s15+$0x0], $0xffff  }
0x2c4: {  	v6 =	vld.idx.msk [tilespmem:v6+s13+$0x0], $0xffff;
	v15 =	vor.u32 v19, v15;
	v9 =	vmul.f32 v14, v9;
	v0 =	vadd.f32 v10, v0  }
0x2c5: {  	v18 =	vand.u32 $0x7, v24;
	v14 =	vadd.s32 v1, v16;
	v16 =	vand.u32 $0xFFFFFFF8, v22;
	v10 =	vld.idx.msk [tilespmem:v17+s15+$0x0], $0xffff  }
0x2c6: {  	v5 =	vld.idx.msk [tilespmem:v5+s13+$0x0], $0xffff;
	v14 =	vor.u32 v18, v14;
	v8 =	vmul.f32 v11, v8;
	v0 =	vadd.f32 v9, v0  }
0x2c7: {  	v17 =	vand.u32 $0x7, v22;
	v1 =	vadd.s32 v1, v16;
	v9 =	vld.idx.msk [tilespmem:v13+s15+$0x0], $0xffff  }
0x2c8: {  	v4 =	vld.idx.msk [tilespmem:v59+s13+$0x0], $0xffff;
	v1 =	vor.u32 v17, v1;
	v7 =	vmul.f32 v12, v7;
	v0 =	vadd.f32 v8, v0  }
0x2c9: {  	v8 =	vld.idx.msk [tilespmem:v15+s15+$0x0], $0xffff  }
0x2ca: {  	v3 =	vld.idx.msk [tilespmem:v60+s13+$0x0], $0xffff;
	v6 =	vmul.f32 v10, v6;
	v0 =	vadd.f32 v7, v0  }
0x2cb: {  	v7 =	vld.idx.msk [tilespmem:v14+s15+$0x0], $0xffff  }
0x2cc: {  	v2 =	vld.idx.msk [tilespmem:v58+s13+$0x0], $0xffff;
	v5 =	vmul.f32 v9, v5;
	v0 =	vadd.f32 v6, v0  }
0x2cd: {  	v1 =	vld.idx.msk [tilespmem:v1+s15+$0x0], $0xffff  }
0x2ce: {  	v4 =	vmul.f32 v8, v4;
	v0 =	vadd.f32 v5, v0;
	_ =	sdelay $0x1  }
0x2cf: {  	v3 =	vmul.f32 v7, v3;
	v0 =	vadd.f32 v4, v0;
	_ =	sdelay $0x1  }
0x2d0: {  	v1 =	vmul.f32 v1, v2;
	v0 =	vadd.f32 v3, v0;
	_ =	sdelay $0x1  }
0x2d1: {  	v0 =	vadd.f32 v1, v0  }
0x2d2: {  	s22 =	sadd.s32 $0x10, s22  }
0x2d3: {  	s23 =	sadd.s32 $0x10, s23;
	v2 =	vld [tilespmem:$0x1FFF0];
	[tilespmem:s22+$0x0] =	vst v0  }
0x2d4: {  	v0 =	vld [tilespmem:s23+$0x0];
	_ =	sdelay $0x2  }
0x2d5: {  	v1 =	vmov s25  }
0x2d6: {  	v1 =	vshll.u32 v1, $0x7  }
0x2d7: {  	v1 =	vor.u32 v2, v1;
	v2 =	vadd.s32 $0x1E, v0;
	v3 =	vadd.s32 $0x1F, v0  }
0x2d8: {  	v4 =	vadd.s32 $0x1B, v0;
	v5 =	vadd.s32 $0x1C, v0;
	v6 =	vadd.s32 $0x1D, v0  }
0x2d9: {  	v7 =	vadd.s32 $0x17, v0;
	v8 =	vadd.s32 $0x19, v0;
	v9 =	vadd.s32 $0x1A, v0  }
0x2da: {  	v10 =	vadd.s32 $0x14, v0;
	v11 =	vadd.s32 $0x15, v0;
	v12 =	vadd.s32 $0x16, v0  }
0x2db: {  	v13 =	vadd.s32 $0x11, v0;
	v14 =	vadd.s32 $0x12, v0;
	v15 =	vadd.s32 $0x13, v0  }
0x2dc: {  	v16 =	vadd.s32 $0xD, v0;
	v17 =	vadd.s32 $0xE, v0;
	v18 =	vadd.s32 $0xF, v0  }
0x2dd: {  	v19 =	vadd.s32 $0xA, v0;
	v20 =	vadd.s32 $0xB, v0;
	v21 =	vadd.s32 $0xC, v0  }
0x2de: {  	v23 =	vadd.s32 $0x6, v0;
	v22 =	vadd.s32 $0x7, v0;
	v24 =	vadd.s32 $0x9, v0  }
0x2df: {  	v25 =	vadd.s32 $0x3, v0;
	v28 =	vadd.s32 $0x4, v0;
	v29 =	vadd.s32 $0x5, v0  }
0x2e0: {  	v26 =	vand.u32 $0x7, v0;
	v61 =	vadd.s32 $0x1, v0;
	v62 =	vadd.s32 $0x2, v0  }
0x2e1: {  	v0 =	vand.u32 $0xFFFFFFF8, v0;
	v35 =	vand.u32 $0xFFFFFFF8, v3;
	v3 =	vand.u32 $0x7, v3  }
0x2e2: {  	v42 =	vand.u32 $0x7, v6;
	v63 =	vand.u32 $0xFFFFFFF8, v2;
	v32 =	vand.u32 $0x7, v2  }
0x2e3: {  	v37 =	vand.u32 $0xFFFFFFF8, v5;
	v5 =	vand.u32 $0x7, v5;
	v6 =	vand.u32 $0xFFFFFFF8, v6  }
0x2e4: {  	v43 =	vand.u32 $0x7, v9;
	v38 =	vand.u32 $0xFFFFFFF8, v4;
	v44 =	vand.u32 $0x7, v4  }
0x2e5: {  	v4 =	vand.u32 $0xFFFFFFF8, v8;
	v8 =	vand.u32 $0x7, v8;
	v9 =	vand.u32 $0xFFFFFFF8, v9  }
0x2e6: {  	v45 =	vand.u32 $0x7, v12;
	v39 =	vand.u32 $0xFFFFFFF8, v7;
	v46 =	vand.u32 $0x7, v7  }
0x2e7: {  	v7 =	vand.u32 $0xFFFFFFF8, v11;
	v11 =	vand.u32 $0x7, v11;
	v12 =	vand.u32 $0xFFFFFFF8, v12  }
0x2e8: {  	v47 =	vand.u32 $0x7, v15;
	v40 =	vand.u32 $0xFFFFFFF8, v10;
	v48 =	vand.u32 $0x7, v10  }
0x2e9: {  	v10 =	vand.u32 $0xFFFFFFF8, v14;
	v49 =	vand.u32 $0x7, v14;
	v14 =	vand.u32 $0xFFFFFFF8, v15  }
0x2ea: {  	v50 =	vand.u32 $0x7, v18;
	v15 =	vand.u32 $0xFFFFFFF8, v13;
	v51 =	vand.u32 $0x7, v13  }
0x2eb: {  	v13 =	vand.u32 $0xFFFFFFF8, v17;
	v52 =	vand.u32 $0x7, v17;
	v17 =	vand.u32 $0xFFFFFFF8, v18  }
0x2ec: {  	v53 =	vand.u32 $0x7, v21;
	v18 =	vand.u32 $0xFFFFFFF8, v16;
	v54 =	vand.u32 $0x7, v16  }
0x2ed: {  	v16 =	vand.u32 $0xFFFFFFF8, v20;
	v55 =	vand.u32 $0x7, v20;
	v20 =	vand.u32 $0xFFFFFFF8, v21  }
0x2ee: {  	v56 =	vand.u32 $0x7, v24;
	v21 =	vand.u32 $0xFFFFFFF8, v19;
	v57 =	vand.u32 $0x7, v19  }
0x2ef: {  	v19 =	vand.u32 $0xFFFFFFF8, v22;
	v22 =	vand.u32 $0x7, v22;
	v41 =	vand.u32 $0xFFFFFFF8, v24  }
0x2f0: {  	[tilespmem:$0x1FE90] =	vst v26;
	v26 =	vand.u32 $0x7, v29;
	v58 =	vand.u32 $0xFFFFFFF8, v23;
	v27 =	vand.u32 $0x7, v23  }
0x2f1: {  	v23 =	vand.u32 $0xFFFFFFF8, v28;
	v24 =	vand.u32 $0x7, v28;
	v28 =	vand.u32 $0xFFFFFFF8, v29  }
0x2f2: {  	v30 =	vand.u32 $0x7, v62;
	v29 =	vand.u32 $0xFFFFFFF8, v25;
	v31 =	vand.u32 $0x7, v25  }
0x2f3: {  	v25 =	vand.u32 $0xFFFFFFF8, v61;
	v33 =	vand.u32 $0x7, v61;
	v59 =	vand.u32 $0xFFFFFFF8, v62  }
0x2f4: {  	v0 =	vadd.s32 v1, v0;
	v60 =	vadd.s32 v1, v63;
	v61 =	vadd.s32 v1, v35  }
0x2f5: {  	v62 =	vadd.s32 v1, v38;
	v63 =	vadd.s32 v1, v37;
	v6 =	vadd.s32 v1, v6  }
0x2f6: {  	v2 =	vadd.s32 v1, v39;
	v4 =	vadd.s32 v1, v4;
	v9 =	vadd.s32 v1, v9  }
0x2f7: {  	[tilespmem:$0x1FEA0] =	vst v3;
	v3 =	vadd.s32 v1, v40;
	v7 =	vadd.s32 v1, v7;
	v12 =	vadd.s32 v1, v12  }
0x2f8: {  	v15 =	vadd.s32 v1, v15;
	v10 =	vadd.s32 v1, v10;
	v14 =	vadd.s32 v1, v14  }
0x2f9: {  	v18 =	vadd.s32 v1, v18;
	v13 =	vadd.s32 v1, v13;
	v17 =	vadd.s32 v1, v17  }
0x2fa: {  	v21 =	vadd.s32 v1, v21;
	v16 =	vadd.s32 v1, v16;
	v35 =	vadd.s32 v1, v19;
	v19 =	vld [tilespmem:$0x1FE90]  }
0x2fb: {  	v20 =	vadd.s32 v1, v20;
	v34 =	vadd.s32 v1, v58;
	v58 =	vadd.s32 v1, v41  }
0x2fc: {  	v37 =	vadd.s32 v1, v29;
	v38 =	vadd.s32 v1, v23;
	v40 =	vadd.s32 v1, v28  }
0x2fd: {  	v39 =	vadd.s32 v1, v25;
	v41 =	vadd.s32 v1, v59;
	v59 =	vor.u32 v42, v6  }
0x2fe: {  	v60 =	vor.u32 v32, v60;
	v6 =	vor.u32 v44, v62;
	v5 =	vor.u32 v5, v63  }
0x2ff: {  	v62 =	vor.u32 v46, v2;
	v8 =	vor.u32 v8, v4;
	v36 =	vor.u32 v19, v0;
	v0 =	vld [tilespmem:$0x1FEA0]  }
0x300: {  	p0 =	sne.s32 s25, $0xF0;
	v3 =	vor.u32 v48, v3;
	v7 =	vor.u32 v11, v7;
	v12 =	vor.u32 v45, v12  }
.Ltmp2:
0x301: {  	v63 =	vor.u32 v51, v15;
	v2 =	vor.u32 v49, v10;
	v15 =	vor.u32 v47, v14;
	(pc) =	sbr.rel @p0 .LBB2_6-.Ltmp2, $4  }
0x302: {  	v13 =	vor.u32 v52, v13;
	v25 =	vor.u32 v55, v16;
	v23 =	vor.u32 v53, v20  }
0x303: {  	v10 =	vor.u32 v54, v18;
	v29 =	vor.u32 v56, v58;
	v28 =	vor.u32 v57, v21  }
0x304: {  	s24 =	sadd.s32 $0x10, s24;
	v19 =	vor.u32 v50, v17;
	v4 =	vadd.s32 $0x10, v36;
	v0 =	vor.u32 v0, v61  }
0x305: {  	s25 =	sadd.s32 $0x10, s25;
	v11 =	vld [tilespmem:s24+$0x0];
	v32 =	vadd.s32 $0x8, v36;
	v61 =	vor.u32 v43, v9;
	v9 =	vadd.s32 $0x18, v36;
	v58 =	vmovc v0  }
0x306: {  	_ = 	snop  }
0x307: {  	v0 =	vor.u32 v26, v40  }
0x308: {  	v14 =	vor.u32 v27, v34;
	v16 =	vor.u32 v22, v35;
	v17 =	vor.u32 v30, v41  }
0x309: {  	v18 =	vor.u32 v31, v37;
	v20 =	vor.u32 v24, v38;
	v21 =	vor.u32 v33, v39  }
0x30a: {  	v22 =	vadd.s32 $0x1E, v11;
	v30 =	vadd.s32 $0x17, v11;
	v26 =	vadd.s32 $0x1C, v11  }
0x30b: {  	v24 =	vadd.s32 $0x1D, v11;
	v42 =	vand.u32 $0xFFFFFFF8, v11;
	v33 =	vadd.s32 $0x15, v11  }
0x30c: {  	v31 =	vadd.s32 $0x16, v11;
	v43 =	vand.u32 $0x7, v11;
	v44 =	vadd.s32 $0x1, v11  }
0x30d: {  	v34 =	vadd.s32 $0x14, v11;
	v46 =	vadd.s32 $0x2, v11;
	v27 =	vadd.s32 v1, v42  }
0x30e: {  	v39 =	vadd.s32 $0xF, v11;
	v45 =	vand.u32 $0xFFFFFFF8, v44;
	v27 =	vor.u32 v43, v27  }
0x30f: {  	v48 =	vadd.s32 $0x3, v11;
	v35 =	vand.u32 $0x7, v44;
	v37 =	vadd.s32 v1, v45  }
0x310: {  	v41 =	vadd.s32 $0xE, v11;
	v47 =	vand.u32 $0xFFFFFFF8, v46;
	v35 =	vor.u32 v35, v37  }
0x311: {  	v57 =	vadd.s32 $0x9, v11;
	v38 =	vand.u32 $0x7, v46;
	v37 =	vadd.s32 v1, v47  }
0x312: {  	v36 =	vld.idx.msk [tilespmem:v36+s13+$0x0], $0xffff;
	v49 =	vand.u32 $0xFFFFFFF8, v48;
	v40 =	vand.u32 $0x7, v48;
	v37 =	vor.u32 v38, v37  }
0x313: {  	v42 =	vadd.s32 $0x4, v11;
	v44 =	vadd.s32 $0xD, v11;
	v38 =	vadd.s32 v1, v49;
	v43 =	vld.idx.msk [tilespmem:v27+s15+$0x0], $0xffff  }
0x314: {  	v21 =	vld.idx.msk [tilespmem:v21+s13+$0x0], $0xffff;
	v46 =	vadd.s32 $0xC, v11;
	v50 =	vand.u32 $0xFFFFFFF8, v42;
	v38 =	vor.u32 v40, v38  }
0x315: {  	v42 =	vand.u32 $0x7, v42;
	v45 =	vadd.s32 $0x5, v11;
	v40 =	vadd.s32 v1, v50;
	v35 =	vld.idx.msk [tilespmem:v35+s15+$0x0], $0xffff  }
0x316: {  	v17 =	vld.idx.msk [tilespmem:v17+s13+$0x0], $0xffff;
	v48 =	vadd.s32 $0x7, v11;
	v51 =	vand.u32 $0xFFFFFFF8, v45;
	v40 =	vor.u32 v42, v40  }
0x317: {  	v45 =	vand.u32 $0x7, v45;
	v47 =	vadd.s32 $0x6, v11;
	v42 =	vadd.s32 v1, v51;
	v37 =	vld.idx.msk [tilespmem:v37+s15+$0x0], $0xffff  }
0x318: {  	v18 =	vld.idx.msk [tilespmem:v18+s13+$0x0], $0xffff;
	v52 =	vand.u32 $0xFFFFFFF8, v47;
	v42 =	vor.u32 v45, v42;
	v36 =	vmul.f32 v43, v36  }
0x319: {  	v54 =	vand.u32 $0xFFFFFFF8, v48;
	v53 =	vand.u32 $0x7, v47;
	v45 =	vadd.s32 v1, v52;
	v38 =	vld.idx.msk [tilespmem:v38+s15+$0x0], $0xffff  }
0x31a: {  	v20 =	vld.idx.msk [tilespmem:v20+s13+$0x0], $0xffff;
	v43 =	vor.u32 v53, v45;
	v21 =	vmul.f32 v35, v21;
	v36 =	vadd.f32 $0.0e+00, v36  }
0x31b: {  	v55 =	vand.u32 $0x7, v48;
	v56 =	vadd.s32 v1, v54;
	v47 =	vadd.s32 $0xB, v11;
	v40 =	vld.idx.msk [tilespmem:v40+s15+$0x0], $0xffff  }
0x31c: {  	v0 =	vld.idx.msk [tilespmem:v0+s13+$0x0], $0xffff;
	v35 =	vor.u32 v55, v56;
	v17 =	vmul.f32 v37, v17;
	v21 =	vadd.f32 v21, v36  }
0x31d: {  	v52 =	vadd.s32 $0x8, v27;
	v45 =	vadd.s32 $0xA, v11;
	v53 =	vand.u32 $0xFFFFFFF8, v57;
	v37 =	vld.idx.msk [tilespmem:v42+s15+$0x0], $0xffff  }
0x31e: {  	v14 =	vld.idx.msk [tilespmem:v14+s13+$0x0], $0xffff;
	v54 =	vadd.s32 v1, v53;
	v18 =	vmul.f32 v38, v18;
	v17 =	vadd.f32 v17, v21  }
0x31f: {  	v56 =	vand.u32 $0xFFFFFFF8, v45;
	v36 =	vand.u32 $0x7, v57;
	v57 =	vand.u32 $0x7, v45;
	v55 =	vld.idx.msk [tilespmem:v43+s15+$0x0], $0xffff  }
0x320: {  	v16 =	vld.idx.msk [tilespmem:v16+s13+$0x0], $0xffff;
	v45 =	vmul.f32 v40, v20;
	v21 =	vor.u32 v36, v54;
	v17 =	vadd.f32 v18, v17  }
0x321: {  	v49 =	vand.u32 $0xFFFFFFF8, v47;
	v50 =	vand.u32 $0x7, v47;
	v48 =	vadd.s32 v1, v56;
	v35 =	vld.idx.msk [tilespmem:v35+s15+$0x0], $0xffff  }
0x322: {  	v32 =	vld.idx.msk [tilespmem:v32+s13+$0x0], $0xffff;
	v20 =	vor.u32 v57, v48;
	v0 =	vmul.f32 v37, v0;
	v17 =	vadd.f32 v45, v17  }
0x323: {  	v47 =	vand.u32 $0xFFFFFFF8, v39;
	v51 =	vadd.s32 v1, v49;
	v52 =	vld.idx.msk [tilespmem:v52+s15+$0x0], $0xffff;
	v53 =	vand.u32 $0xFFFFFFF8, v46  }
0x324: {  	v29 =	vld.idx.msk [tilespmem:v29+s13+$0x0], $0xffff;
	v18 =	vor.u32 v50, v51;
	v14 =	vmul.f32 v55, v14;
	v0 =	vadd.f32 v0, v17  }
0x325: {  	v56 =	vand.u32 $0xFFFFFFF8, v44;
	v54 =	vand.u32 $0x7, v46;
	v55 =	vadd.s32 v1, v53;
	v21 =	vld.idx.msk [tilespmem:v21+s15+$0x0], $0xffff  }
0x326: {  	v28 =	vld.idx.msk [tilespmem:v28+s13+$0x0], $0xffff;
	v40 =	vmul.f32 v35, v16;
	v17 =	vor.u32 v54, v55;
	v0 =	vadd.f32 v14, v0  }
0x327: {  	v42 =	vadd.s32 v1, v56;
	v57 =	vand.u32 $0x7, v44;
	v43 =	vand.u32 $0xFFFFFFF8, v41;
	v20 =	vld.idx.msk [tilespmem:v20+s15+$0x0], $0xffff  }
0x328: {  	v25 =	vld.idx.msk [tilespmem:v25+s13+$0x0], $0xffff;
	v45 =	vmul.f32 v52, v32;
	v16 =	vor.u32 v57, v42;
	v0 =	vadd.f32 v40, v0  }
0x329: {  	v44 =	vand.u32 $0x7, v41;
	v48 =	vand.u32 $0x7, v39;
	v46 =	vadd.s32 v1, v43;
	v18 =	vld.idx.msk [tilespmem:v18+s15+$0x0], $0xffff  }
0x32a: {  	v23 =	vld.idx.msk [tilespmem:v23+s13+$0x0], $0xffff;
	v32 =	vor.u32 v44, v46;
	v49 =	vmul.f32 v21, v29;
	v0 =	vadd.f32 v45, v0  }
0x32b: {  	v50 =	vadd.s32 v1, v47;
	v51 =	vadd.s32 $0x12, v11;
	v47 =	vand.u32 $0x7, v34;
	v17 =	vld.idx.msk [tilespmem:v17+s15+$0x0], $0xffff  }
0x32c: {  	v10 =	vld.idx.msk [tilespmem:v10+s13+$0x0], $0xffff;
	v53 =	vmul.f32 v20, v28;
	v21 =	vor.u32 v48, v50;
	v0 =	vadd.f32 v49, v0  }
0x32d: {  	v38 =	vand.u32 $0xFFFFFFF8, v51;
	v54 =	vadd.s32 $0x11, v11;
	v55 =	vadd.s32 $0x10, v27;
	v16 =	vld.idx.msk [tilespmem:v16+s15+$0x0], $0xffff  }
0x32e: {  	v13 =	vld.idx.msk [tilespmem:v13+s13+$0x0], $0xffff;
	v56 =	vand.u32 $0xFFFFFFF8, v54;
	v57 =	vmul.f32 v18, v25;
	v0 =	vadd.f32 v53, v0  }
0x32f: {  	v52 =	vadd.s32 $0x13, v11;
	v36 =	vadd.s32 v1, v56;
	v20 =	vand.u32 $0x7, v54;
	v37 =	vld.idx.msk [tilespmem:v32+s15+$0x0], $0xffff  }
0x330: {  	v19 =	vld.idx.msk [tilespmem:v19+s13+$0x0], $0xffff;
	v18 =	vor.u32 v20, v36;
	v39 =	vmul.f32 v17, v23;
	v0 =	vadd.f32 v57, v0  }
0x331: {  	v42 =	vand.u32 $0xFFFFFFF8, v52;
	v29 =	vand.u32 $0x7, v51;
	v40 =	vadd.s32 v1, v38;
	v41 =	vld.idx.msk [tilespmem:v21+s15+$0x0], $0xffff  }
0x332: {  	v4 =	vld.idx.msk [tilespmem:v4+s13+$0x0], $0xffff;
	v10 =	vmul.f32 v16, v10;
	v17 =	vor.u32 v29, v40;
	v0 =	vadd.f32 v39, v0  }
0x333: {  	v46 =	vand.u32 $0xFFFFFFF8, v34;
	v43 =	vand.u32 $0x7, v52;
	v44 =	vadd.s32 v1, v42;
	v45 =	vld.idx.msk [tilespmem:v55+s15+$0x0], $0xffff  }
0x334: {  	v14 =	vor.u32 v43, v44;
	v48 =	vld.idx.msk [tilespmem:v63+s13+$0x0], $0xffff;
	v49 =	vmul.f32 v37, v13;
	v0 =	vadd.f32 v10, v0  }
0x335: {  	v34 =	vadd.s32 $0x18, v27;
	v50 =	vadd.s32 v1, v46;
	v51 =	vand.u32 $0xFFFFFFF8, v33;
	v18 =	vld.idx.msk [tilespmem:v18+s15+$0x0], $0xffff  }
0x336: {  	v2 =	vld.idx.msk [tilespmem:v2+s13+$0x0], $0xffff;
	v13 =	vor.u32 v47, v50;
	v53 =	vmul.f32 v41, v19;
	v0 =	vadd.f32 v49, v0  }
0x337: {  	v52 =	vand.u32 $0x7, v33;
	v54 =	vadd.s32 v1, v51;
	v55 =	vand.u32 $0xFFFFFFF8, v31;
	v17 =	vld.idx.msk [tilespmem:v17+s15+$0x0], $0xffff  }
0x338: {  	v15 =	vld.idx.msk [tilespmem:v15+s13+$0x0], $0xffff;
	v4 =	vmul.f32 v45, v4;
	v19 =	vor.u32 v52, v54;
	v0 =	vadd.f32 v53, v0  }
0x339: {  	v56 =	vand.u32 $0x7, v31;
	v63 =	vand.u32 $0xFFFFFFF8, v30;
	v14 =	vld.idx.msk [tilespmem:v14+s15+$0x0], $0xffff;
	v57 =	vadd.s32 v1, v55  }
0x33a: {  	v3 =	vld.idx.msk [tilespmem:v3+s13+$0x0], $0xffff;
	v10 =	vor.u32 v56, v57;
	v29 =	vmul.f32 v18, v48;
	v0 =	vadd.f32 v4, v0  }
0x33b: {  	v32 =	vadd.s32 $0x19, v11;
	v25 =	vand.u32 $0x7, v30;
	v16 =	vadd.s32 v1, v63;
	v13 =	vld.idx.msk [tilespmem:v13+s15+$0x0], $0xffff  }
0x33c: {  	v7 =	vld.idx.msk [tilespmem:v7+s13+$0x0], $0xffff;
	v16 =	vor.u32 v25, v16;
	v2 =	vmul.f32 v17, v2;
	v0 =	vadd.f32 v29, v0  }
0x33d: {  	v35 =	vand.u32 $0xFFFFFFF8, v32;
	v46 =	vand.u32 $0x7, v26;
	v30 =	vadd.s32 $0x1A, v11;
	v33 =	vld.idx.msk [tilespmem:v19+s15+$0x0], $0xffff  }
0x33e: {  	v12 =	vld.idx.msk [tilespmem:v12+s13+$0x0], $0xffff;
	v31 =	vadd.s32 $0x1B, v11;
	v0 =	vadd.f32 v2, v0;
	v2 =	vmul.f32 v14, v15  }
0x33f: {  	v36 =	vadd.s32 v1, v35;
	v37 =	vand.u32 $0xFFFFFFF8, v30;
	v10 =	vld.idx.msk [tilespmem:v10+s15+$0x0], $0xffff;
	v4 =	vand.u32 $0x7, v32  }
0x340: {  	v39 =	vld.idx.msk [tilespmem:v62+s13+$0x0], $0xffff;
	v4 =	vor.u32 v4, v36;
	v0 =	vadd.f32 v2, v0;
	v2 =	vmul.f32 v13, v3  }
0x341: {  	v38 =	vand.u32 $0x7, v30;
	v41 =	vand.u32 $0xFFFFFFF8, v31;
	v40 =	vld.idx.msk [tilespmem:v16+s15+$0x0], $0xffff;
	v3 =	vadd.s32 v1, v37  }
0x342: {  	v9 =	vld.idx.msk [tilespmem:v9+s13+$0x0], $0xffff;
	v3 =	vor.u32 v38, v3;
	v0 =	vadd.f32 v2, v0;
	v2 =	vmul.f32 v33, v7  }
0x343: {  	v44 =	vld.idx.msk [tilespmem:v34+s15+$0x0], $0xffff;
	v42 =	vand.u32 $0x7, v31;
	v45 =	vand.u32 $0xFFFFFFF8, v26;
	v43 =	vadd.s32 v1, v41  }
0x344: {  	v8 =	vld.idx.msk [tilespmem:v8+s13+$0x0], $0xffff;
	v7 =	vor.u32 v42, v43;
	v0 =	vadd.f32 v2, v0;
	v2 =	vmul.f32 v10, v12  }
0x345: {  	v51 =	vand.u32 $0xFFFFFFF8, v22;
	v47 =	vadd.s32 v1, v45;
	v48 =	vand.u32 $0xFFFFFFF8, v24;
	v4 =	vld.idx.msk [tilespmem:v4+s15+$0x0], $0xffff  }
0x346: {  	v50 =	vld.idx.msk [tilespmem:v61+s13+$0x0], $0xffff;
	v10 =	vor.u32 v46, v47;
	v0 =	vadd.f32 v2, v0;
	v2 =	vmul.f32 v40, v39  }
0x347: {  	v54 =	vadd.s32 $0x1F, v11;
	v49 =	vand.u32 $0x7, v24;
	v12 =	vadd.s32 v1, v48;
	v3 =	vld.idx.msk [tilespmem:v3+s15+$0x0], $0xffff  }
0x348: {  	v6 =	vld.idx.msk [tilespmem:v6+s13+$0x0], $0xffff;
	v12 =	vor.u32 v49, v12;
	v0 =	vadd.f32 v2, v0;
	v2 =	vmul.f32 v44, v9  }
0x349: {  	v52 =	vand.u32 $0x7, v22;
	v55 =	vand.u32 $0xFFFFFFF8, v54;
	v53 =	vadd.s32 v1, v51;
	v7 =	vld.idx.msk [tilespmem:v7+s15+$0x0], $0xffff  }
0x34a: {  	v5 =	vld.idx.msk [tilespmem:v5+s13+$0x0], $0xffff;
	v9 =	vor.u32 v52, v53;
	v0 =	vadd.f32 v2, v0;
	v2 =	vmul.f32 v4, v8  }
0x34b: {  	v56 =	vand.u32 $0x7, v54;
	v1 =	vadd.s32 v1, v55;
	v57 =	vld.idx.msk [tilespmem:v10+s15+$0x0], $0xffff  }
0x34c: {  	v59 =	vld.idx.msk [tilespmem:v59+s13+$0x0], $0xffff;
	v1 =	vor.u32 v56, v1;
	v0 =	vadd.f32 v2, v0;
	v2 =	vmul.f32 v3, v50  }
0x34d: {  	v3 =	vld.idx.msk [tilespmem:v12+s15+$0x0], $0xffff  }
0x34e: {  	v61 =	vld.idx.msk [tilespmem:v60+s13+$0x0], $0xffff;
	v0 =	vadd.f32 v2, v0;
	v2 =	vmul.f32 v7, v6  }
0x34f: {  	v62 =	vld.idx.msk [tilespmem:v9+s15+$0x0], $0xffff  }
0x350: {  	v63 =	vld.idx.msk [tilespmem:v58+s13+$0x0], $0xffff;
	v0 =	vadd.f32 v2, v0;
	v2 =	vmul.f32 v57, v5  }
0x351: {  	v1 =	vld.idx.msk [tilespmem:v1+s15+$0x0], $0xffff  }
0x352: {  	v0 =	vadd.f32 v2, v0;
	v2 =	vmul.f32 v3, v59;
	_ =	sdelay $0x1  }
0x353: {  	v0 =	vadd.f32 v2, v0;
	v2 =	vmul.f32 v62, v61;
	_ =	sdelay $0x1  }
0x354: {  	v1 =	vmul.f32 v1, v63;
	v0 =	vadd.f32 v2, v0;
	_ =	sdelay $0x1  }
0x355: {  	s21 =	sadd.s32 $0x1, s21;
	v0 =	vadd.f32 v1, v0  }
0x356: {  	s22 =	sadd.s32 $0x10, s22;
	p0 =	sne.s32 s21, s8  }
.Ltmp3:
0x357: {  	[tilespmem:s22+$0x0] =	vst v0;
	(pc) =	sbr.rel @p0 .LBB2_1-.Ltmp3, $4  }
0x358: {  	[hbm4b:s7+s1] =	stream.linear.scatter [tilespmem:s20], [sflag:$0x3], $0x200, $0x38;
	[tilespmem:$0x10E00] =	vst v63  }
0x359: {  	_ =	swait.ge [sflag:s9], $0x200  }
0x35a: {  	[sflag:s9] =	ssyncset.done $0x0  }
0x35b: {  	v0 =	vld [tilespmem:$0x1FFF0];
	[sflag:s9] =	ssyncadd.s32 $0xFFFFFE00  }
0x35c: {  	_ =	sfence.sel $0x180000  }
0x35d: {  	[bflag:$0x0] =	sbarrier.arrive $0xFFFF  }
0x35e: {  	p0 =	sne.s32 s2, $0x0;
	_ =	strace $0x90000047  }
0x35f: {  	s0 =	sadd.s32 @!p0 $0x100000, s0;
	[bflag:$0x2] =	sbarrier.arrive $0xFFFF  }
0x360: {  	[sflag:s0] =	ssyncadd.tile.s32 @!p0 $0x1;
	_ =	shalt  }
.Lfunc_end2:
_tile_overlayer_lowered:
.L_overlay_start_2:
0x361: {  	(tag) =	ssettag $0x2  }
0x362: {  	s0 =	rddreg [dreg:$0x0];
	s2 =	stileid.u32  }
0x363: {  	s1 =	rddreg [dreg:$0x1];
	p0 =	sne.s32 s2, $0x0  }
0x364: {  	s3 =	rddreg [dreg:$0x2];
	[bflag:$0x3] =	sbarrier.arrive $0xFFFF;
	s2 =	simm.s32 @!p0 $0x1C03  }
0x365: {  	[timem:s3], [sflag:s2] =	dma.local @!p0 [hbm:s0], s1  }
0x366: {  	s0 =	simm.s32 @!p0 $0x3  }
0x367: {  	_ =	swait.ge @!p0 [sflag:s0], s1  }
0x368: {  	s1 =	ssub.s32 @!p0 $0x0, s1;
	[sflag:s0] =	ssyncset.done @!p0 $0x0  }
0x369: {  	[sflag:s0] =	ssyncadd.s32 @!p0 s1  }
0x36a: {  	[bflag:$0x3] =	sbarrier.arrive $0xFFFF  }
0x36b: {  	_ =	shalt  }

</sc_bundles>
